<compile_context>
chip_gen: v7x
topology: tpu7x:2x2x1
jax: 0.10.2.dev20260603
libtpu: 0.0.44.dev20260713+nightly
codegen_flags: <defaults>
</compile_context>

<pallas_src>
import functools

import jax
import jax.numpy as jnp
from jax import lax
from jax.experimental import pallas as pl
from jax.experimental.pallas import tpu as pltpu
from jax.experimental.pallas import tpu_sc as plsc

AVG = 15
MAXW = 3
GRP = AVG * MAXW
LANES = 16
CHUNK = 120
N_CORES = 2
N_SUB = 16


def _pool_body(p_ref, out_ref):
    x = p_ref[...]
    n, d = out_ref.shape
    out_ref[...] = x.reshape(n, AVG, d).sum(axis=1) * (1.0 / AVG)


def _pool_pos(p, n_sub, d):
    return pl.pallas_call(
        _pool_body,
        in_specs=[pl.BlockSpec((n_sub * AVG, d), lambda: (0, 0))],
        out_specs=pl.BlockSpec((n_sub, d), lambda: (0, 0)),
        out_shape=jax.ShapeDtypeStruct((n_sub, d), jnp.float32),
    )(p[:n_sub * AVG])


def _encoder_body(nq, n_chunks, out_per_w, win_per_w, scale_w,
                  src_ref, w_ref, pp_ref, out_ref,
                  idx, rows, pp, out_v, sem_a, sem_b):
    nc = lax.axis_index("c")
    ns = lax.axis_index("s")
    w_id = nc * N_SUB + ns
    toks_per_w = out_per_w * GRP
    tok0 = w_id * toks_per_w
    half = n_chunks // 2

    copies = []
    for k in range(n_chunks):
        pltpu.sync_copy(src_ref.at[pl.ds(tok0 + k * CHUNK, CHUNK)],
                        idx.at[k])
        sem = sem_a if k < half else sem_b
        copies.append(pltpu.async_copy(
            w_ref.at[idx.at[k]], rows.at[pl.ds(k * CHUNK, CHUNK)], sem))

    pltpu.sync_copy(pp_ref.at[pl.ds((w_id % N_CORES) * win_per_w, win_per_w)],
                    pp)

    def compute(j, _):
        r0 = j * GRP
        res = None
        for kk in range(MAXW):
            b0 = r0 + kk * AVG
            accs = [None] * nq
            for i in range(AVG):
                for q in range(nq):
                    v = rows[b0 + i, pl.ds(q * LANES, LANES)]
                    accs[q] = v if accs[q] is None else accs[q] + v
            es = [accs[q] * scale_w + pp[j * MAXW + kk, pl.ds(q * LANES, LANES)]
                  for q in range(nq)]
            if res is None:
                res = es
            else:
                res = [jnp.maximum(x, y) for x, y in zip(res, es)]
        for q in range(nq):
            out_v[j, pl.ds(q * LANES, LANES)] = res[q]
        return 0

    for k in range(half):
        copies[k].wait()
    j_mid = (half * CHUNK) // GRP
    lax.fori_loop(0, j_mid, compute, 0)

    for k in range(half, n_chunks):
        copies[k].wait()
    lax.fori_loop(j_mid, out_per_w, compute, 0)

    pltpu.sync_copy(out_v, out_ref.at[pl.ds(w_id * out_per_w, out_per_w)])


@functools.partial(jax.jit, static_argnums=(3, 4))
def _encode(src_flat, w, pooled_p, n_out, d):
    n_workers = N_CORES * N_SUB
    out_per_w = n_out // n_workers
    win_per_w = out_per_w * MAXW
    n_chunks = (out_per_w * GRP) // CHUNK
    nq = d // LANES
    scale_w = float(d) ** 0.5 / AVG
    mesh = plsc.VectorSubcoreMesh(core_axis_name="c", subcore_axis_name="s",
                                  num_cores=N_CORES)
    body = functools.partial(_encoder_body, nq, n_chunks, out_per_w,
                             win_per_w, scale_w)
    return pl.kernel(
        body,
        out_type=jax.ShapeDtypeStruct((n_out, d), jnp.float32),
        mesh=mesh,
        compiler_params=pltpu.CompilerParams(use_tc_tiling_on_sc=False,
                                             needs_layout_passes=False),
        scratch_types=[
            pltpu.VMEM((n_chunks, CHUNK), jnp.int32),
            pltpu.VMEM((n_chunks * CHUNK, d), jnp.float32),
            pltpu.VMEM((win_per_w, d), jnp.float32),
            pltpu.VMEM((out_per_w, d), jnp.float32),
            pltpu.SemaphoreType.DMA,
            pltpu.SemaphoreType.DMA,
        ],
    )(src_flat, w, pooled_p)


def kernel(src, W, P):
    b, l = src.shape
    v, d = W.shape
    n_out = b * (l // GRP)
    pooled_p = _pool_pos(P, (l // GRP) * MAXW, d)
    out = _encode(src.reshape(b * l), W, pooled_p, n_out, d)
    return out.reshape(b, l // GRP, d)

# --- scband reference (transcript-rebuilt; emitter-appended) ---
"""Pipeline reference for scband-encoder-3401614098629 (READ-ONLY COPY).

The authoritative reference and input builder live on the scoring server;
editing this copy changes nothing except your own understanding.
"""

import jax, jax.numpy as jnp
import numpy as np

VOCAB = 100000
HID = 64
MAX_LEN = 2200
B = 16
L = 2160


def setup_inputs(seed: int = 0) -> dict:
    key = jax.random.key(seed)
    k1, k2, k3 = jax.random.split(key, 3)
    src = jax.random.randint(k1, (B, L), 0, VOCAB, dtype=jnp.int32)
    # word_embeddings initialized uniform(-1, 1) per the module's __init__
    W = jax.random.uniform(k2, (VOCAB, HID), minval=-1.0, maxval=1.0, dtype=jnp.float32)
    # pos_embedding default nn.Embedding init ~ N(0, 1)
    P = jax.random.normal(k3, (MAX_LEN, HID), dtype=jnp.float32)
    return {"src": src, "W": W, "P": P}


def reference(src, W, P):
    batch_size, src_len = src.shape
    D = W.shape[1]
    scale = jnp.sqrt(jnp.asarray(D, dtype=jnp.float32))
    # embedding gather
    x = jnp.take(W, src, axis=0)  # [B, L, D]
    pos = jnp.arange(src_len)
    pos_emb = jnp.take(P, pos, axis=0)[None, :, :]  # [1, L, D]
    # dropout p=0 -> identity
    e = x * scale + pos_emb  # [B, L, D]
    t = jnp.transpose(e, (0, 2, 1))  # [B, D, L]
    # AvgPool1d(kernel=15, stride=15), L=2160 divisible by 15 -> 144
    La = src_len // 15
    a = t.reshape(batch_size, D, La, 15).mean(axis=-1)  # [B, D, 144]
    # MaxPool1d(kernel=3, stride=3) -> 48
    Lm = La // 3
    m = a.reshape(batch_size, D, Lm, 3).max(axis=-1)  # [B, D, 48]
    out = jnp.transpose(m, (0, 2, 1))  # [B, 48, D]
    return out

if __name__ == "__main__":
    import jax
    _d = setup_inputs()
    print(jax.jit(kernel)(*tuple(_d.values())))

</pallas_src>

<mosaic_0001>
#map = affine_map<(d0, d1) -> (0)>
#map1 = affine_map<(d0, d1) -> (0, 0)>
module attributes {stable_mosaic.version = 14 : i64} {
  func.func @_encoder_body(%arg0: i32, %arg1: i32, %arg2: memref<34560xi32, #tpu.memory_space<hbm>>, %arg3: memref<100000x64xf32, #tpu.memory_space<hbm>>, %arg4: memref<144x64xf32, #tpu.memory_space<hbm>>, %arg5: memref<768x64xf32, #tpu.memory_space<hbm>>, %arg6: memref<9x120xi32, #tpu.memory_space<vmem>>, %arg7: memref<1080x64xf32, #tpu.memory_space<vmem>>, %arg8: memref<72x64xf32, #tpu.memory_space<vmem>>, %arg9: memref<24x64xf32, #tpu.memory_space<vmem>>, %arg10: memref<!tpu.dma_semaphore, #tpu.memory_space<semaphore_mem>>, %arg11: memref<!tpu.dma_semaphore, #tpu.memory_space<semaphore_mem>>) attributes {dimension_semantics = [#tpu.dimension_semantics<core_parallel>, #tpu.dimension_semantics<subcore_parallel>], iteration_bounds = array<i64: 2, 16>, scalar_prefetch = 0 : i64, scratch_operands = 6 : i64, tpu.core_type = #tpu.core_type<sc_vector_subcore>, window_params = [{transform_indices = #map}, {transform_indices = #map1}, {transform_indices = #map1}, {transform_indices = #map1}]} {
    %mul3A = arith.constant 16 : i32
    %mul3A_0 = arith.muli %arg0, %mul3A : i32
    %add3A = arith.addi %mul3A_0, %arg1 : i32
    %mul3A_1 = arith.constant 1080 : i32
    %mul3A_2 = arith.muli %add3A, %mul3A_1 : i32
    %add3A_3 = arith.constant 0 : i32
    %add3A_4 = arith.addi %mul3A_2, %add3A_3 : i32
    %run_scoped3A = arith.constant 0 : i32
    "tpu.region"() ({
      %run_scoped3A_233 = tpu.sem_alloc : memref<!tpu.dma_semaphore, #tpu.memory_space<semaphore_mem>>
      %dma_start3A_234 = arith.constant 0 : i32
      %dma_start3A_235 = tpu.memref_slice %arg6[%run_scoped3A, %dma_start3A_234] : memref<9x120xi32, #tpu.memory_space<vmem>> -> memref<1x120xi32, #tpu.memory_space<vmem>>
      %dma_start3A_236 = tpu.memref_squeeze %dma_start3A_235 : memref<1x120xi32, #tpu.memory_space<vmem>> -> memref<120xi32, #tpu.memory_space<vmem>>
      %dma_start3A_237 = tpu.memref_slice %arg2[%add3A_4] : memref<34560xi32, #tpu.memory_space<hbm>> -> memref<120xi32, #tpu.memory_space<hbm>>
      %dma_start3A_238 = arith.constant 0 : i32
      %dma_start3A_239 = tpu.memref_slice %arg6[%run_scoped3A, %dma_start3A_238] : memref<9x120xi32, #tpu.memory_space<vmem>> -> memref<1x120xi32, #tpu.memory_space<vmem>>
      %dma_start3A_240 = tpu.memref_squeeze %dma_start3A_239 : memref<1x120xi32, #tpu.memory_space<vmem>> -> memref<120xi32, #tpu.memory_space<vmem>>
      %dma_start3A_241 = tpu.memref_slice %arg2[%add3A_4] : memref<34560xi32, #tpu.memory_space<hbm>> -> memref<120xi32, #tpu.memory_space<hbm>>
      tpu.enqueue_dma source(%dma_start3A_241 : memref<120xi32, #tpu.memory_space<hbm>>) target(%dma_start3A_240 : memref<120xi32, #tpu.memory_space<vmem>>) target_semaphore(%run_scoped3A_233 : memref<!tpu.dma_semaphore, #tpu.memory_space<semaphore_mem>>)
      %dma_wait3A_242 = arith.constant 0 : i32
      %dma_wait3A_243 = tpu.memref_slice %arg6[%run_scoped3A, %dma_wait3A_242] : memref<9x120xi32, #tpu.memory_space<vmem>> -> memref<1x120xi32, #tpu.memory_space<vmem>>
      %dma_wait3A_244 = tpu.memref_squeeze %dma_wait3A_243 : memref<1x120xi32, #tpu.memory_space<vmem>> -> memref<120xi32, #tpu.memory_space<vmem>>
      %dma_wait3A_245 = tpu.memref_slice %arg2[%add3A_4] : memref<34560xi32, #tpu.memory_space<hbm>> -> memref<120xi32, #tpu.memory_space<hbm>>
      %dma_wait3A_246 = arith.constant 0 : i32
      %dma_wait3A_247 = tpu.memref_slice %arg6[%run_scoped3A, %dma_wait3A_246] : memref<9x120xi32, #tpu.memory_space<vmem>> -> memref<1x120xi32, #tpu.memory_space<vmem>>
      %dma_wait3A_248 = tpu.memref_squeeze %dma_wait3A_247 : memref<1x120xi32, #tpu.memory_space<vmem>> -> memref<120xi32, #tpu.memory_space<vmem>>
      %dma_wait3A_249 = tpu.memref_slice %arg2[%add3A_4] : memref<34560xi32, #tpu.memory_space<hbm>> -> memref<120xi32, #tpu.memory_space<hbm>>
      tpu.wait_dma2 semaphore(%run_scoped3A_233 : memref<!tpu.dma_semaphore, #tpu.memory_space<semaphore_mem>>) src(%dma_wait3A_249 : memref<120xi32, #tpu.memory_space<hbm>>) dst(%dma_wait3A_248 : memref<120xi32, #tpu.memory_space<vmem>>)
      tpu.yield
    }) : () -> ()
    %dma_start3A = arith.constant 0 : i32
    %dma_start3A_5 = arith.constant 0 : i32
    %dma_start3A_6 = arith.constant 0 : i32
    %dma_start3A_7 = tpu.memref_slice %arg7[%dma_start3A_5, %dma_start3A_6] : memref<1080x64xf32, #tpu.memory_space<vmem>> -> memref<120x64xf32, #tpu.memory_space<vmem>>
    %dma_start3A_8 = arith.constant 0 : i32
    %dma_start3A_9 = tpu.memref_slice %arg6[%dma_start3A, %dma_start3A_8] : memref<9x120xi32, #tpu.memory_space<vmem>> -> memref<1x120xi32, #tpu.memory_space<vmem>>
    %dma_start3A_10 = tpu.memref_squeeze %dma_start3A_9 : memref<1x120xi32, #tpu.memory_space<vmem>> -> memref<120xi32, #tpu.memory_space<vmem>>
    %dma_start3A_11 = arith.constant 0 : i32
    %dma_start3A_12 = arith.constant 0 : i32
    %dma_start3A_13 = tpu.memref_slice %arg3[%dma_start3A_11, %dma_start3A_12] : memref<100000x64xf32, #tpu.memory_space<hbm>> -> memref<100000x64xf32, #tpu.memory_space<hbm>>
    tpu.enqueue_indirect_dma source(%dma_start3A_13 : memref<100000x64xf32, #tpu.memory_space<hbm>>) target(%dma_start3A_7 : memref<120x64xf32, #tpu.memory_space<vmem>>) offsets(%dma_start3A_10 : memref<120xi32, #tpu.memory_space<vmem>>) semaphore(%arg10 : memref<!tpu.dma_semaphore, #tpu.memory_space<semaphore_mem>>)
    %add3A_14 = arith.constant 120 : i32
    %add3A_15 = arith.addi %mul3A_2, %add3A_14 : i32
    %run_scoped3A_16 = arith.constant 1 : i32
    "tpu.region"() ({
      %run_scoped3A_233 = tpu.sem_alloc : memref<!tpu.dma_semaphore, #tpu.memory_space<semaphore_mem>>
      %dma_start3A_234 = arith.constant 0 : i32
      %dma_start3A_235 = tpu.memref_slice %arg6[%run_scoped3A_16, %dma_start3A_234] : memref<9x120xi32, #tpu.memory_space<vmem>> -> memref<1x120xi32, #tpu.memory_space<vmem>>
      %dma_start3A_236 = tpu.memref_squeeze %dma_start3A_235 : memref<1x120xi32, #tpu.memory_space<vmem>> -> memref<120xi32, #tpu.memory_space<vmem>>
      %dma_start3A_237 = tpu.memref_slice %arg2[%add3A_15] : memref<34560xi32, #tpu.memory_space<hbm>> -> memref<120xi32, #tpu.memory_space<hbm>>
      %dma_start3A_238 = arith.constant 0 : i32
      %dma_start3A_239 = tpu.memref_slice %arg6[%run_scoped3A_16, %dma_start3A_238] : memref<9x120xi32, #tpu.memory_space<vmem>> -> memref<1x120xi32, #tpu.memory_space<vmem>>
      %dma_start3A_240 = tpu.memref_squeeze %dma_start3A_239 : memref<1x120xi32, #tpu.memory_space<vmem>> -> memref<120xi32, #tpu.memory_space<vmem>>
      %dma_start3A_241 = tpu.memref_slice %arg2[%add3A_15] : memref<34560xi32, #tpu.memory_space<hbm>> -> memref<120xi32, #tpu.memory_space<hbm>>
      tpu.enqueue_dma source(%dma_start3A_241 : memref<120xi32, #tpu.memory_space<hbm>>) target(%dma_start3A_240 : memref<120xi32, #tpu.memory_space<vmem>>) target_semaphore(%run_scoped3A_233 : memref<!tpu.dma_semaphore, #tpu.memory_space<semaphore_mem>>)
      %dma_wait3A_242 = arith.constant 0 : i32
      %dma_wait3A_243 = tpu.memref_slice %arg6[%run_scoped3A_16, %dma_wait3A_242] : memref<9x120xi32, #tpu.memory_space<vmem>> -> memref<1x120xi32, #tpu.memory_space<vmem>>
      %dma_wait3A_244 = tpu.memref_squeeze %dma_wait3A_243 : memref<1x120xi32, #tpu.memory_space<vmem>> -> memref<120xi32, #tpu.memory_space<vmem>>
      %dma_wait3A_245 = tpu.memref_slice %arg2[%add3A_15] : memref<34560xi32, #tpu.memory_space<hbm>> -> memref<120xi32, #tpu.memory_space<hbm>>
      %dma_wait3A_246 = arith.constant 0 : i32
      %dma_wait3A_247 = tpu.memref_slice %arg6[%run_scoped3A_16, %dma_wait3A_246] : memref<9x120xi32, #tpu.memory_space<vmem>> -> memref<1x120xi32, #tpu.memory_space<vmem>>
      %dma_wait3A_248 = tpu.memref_squeeze %dma_wait3A_247 : memref<1x120xi32, #tpu.memory_space<vmem>> -> memref<120xi32, #tpu.memory_space<vmem>>
      %dma_wait3A_249 = tpu.memref_slice %arg2[%add3A_15] : memref<34560xi32, #tpu.memory_space<hbm>> -> memref<120xi32, #tpu.memory_space<hbm>>
      tpu.wait_dma2 semaphore(%run_scoped3A_233 : memref<!tpu.dma_semaphore, #tpu.memory_space<semaphore_mem>>) src(%dma_wait3A_249 : memref<120xi32, #tpu.memory_space<hbm>>) dst(%dma_wait3A_248 : memref<120xi32, #tpu.memory_space<vmem>>)
      tpu.yield
    }) : () -> ()
    %dma_start3A_17 = arith.constant 1 : i32
    %dma_start3A_18 = arith.constant 120 : i32
    %dma_start3A_19 = arith.constant 0 : i32
    %dma_start3A_20 = tpu.memref_slice %arg7[%dma_start3A_18, %dma_start3A_19] : memref<1080x64xf32, #tpu.memory_space<vmem>> -> memref<120x64xf32, #tpu.memory_space<vmem>>
    %dma_start3A_21 = arith.constant 0 : i32
    %dma_start3A_22 = tpu.memref_slice %arg6[%dma_start3A_17, %dma_start3A_21] : memref<9x120xi32, #tpu.memory_space<vmem>> -> memref<1x120xi32, #tpu.memory_space<vmem>>
    %dma_start3A_23 = tpu.memref_squeeze %dma_start3A_22 : memref<1x120xi32, #tpu.memory_space<vmem>> -> memref<120xi32, #tpu.memory_space<vmem>>
    %dma_start3A_24 = arith.constant 0 : i32
    %dma_start3A_25 = arith.constant 0 : i32
    %dma_start3A_26 = tpu.memref_slice %arg3[%dma_start3A_24, %dma_start3A_25] : memref<100000x64xf32, #tpu.memory_space<hbm>> -> memref<100000x64xf32, #tpu.memory_space<hbm>>
    tpu.enqueue_indirect_dma source(%dma_start3A_26 : memref<100000x64xf32, #tpu.memory_space<hbm>>) target(%dma_start3A_20 : memref<120x64xf32, #tpu.memory_space<vmem>>) offsets(%dma_start3A_23 : memref<120xi32, #tpu.memory_space<vmem>>) semaphore(%arg10 : memref<!tpu.dma_semaphore, #tpu.memory_space<semaphore_mem>>)
    %add3A_27 = arith.constant 240 : i32
    %add3A_28 = arith.addi %mul3A_2, %add3A_27 : i32
    %run_scoped3A_29 = arith.constant 2 : i32
    "tpu.region"() ({
      %run_scoped3A_233 = tpu.sem_alloc : memref<!tpu.dma_semaphore, #tpu.memory_space<semaphore_mem>>
      %dma_start3A_234 = arith.constant 0 : i32
      %dma_start3A_235 = tpu.memref_slice %arg6[%run_scoped3A_29, %dma_start3A_234] : memref<9x120xi32, #tpu.memory_space<vmem>> -> memref<1x120xi32, #tpu.memory_space<vmem>>
      %dma_start3A_236 = tpu.memref_squeeze %dma_start3A_235 : memref<1x120xi32, #tpu.memory_space<vmem>> -> memref<120xi32, #tpu.memory_space<vmem>>
      %dma_start3A_237 = tpu.memref_slice %arg2[%add3A_28] : memref<34560xi32, #tpu.memory_space<hbm>> -> memref<120xi32, #tpu.memory_space<hbm>>
      %dma_start3A_238 = arith.constant 0 : i32
      %dma_start3A_239 = tpu.memref_slice %arg6[%run_scoped3A_29, %dma_start3A_238] : memref<9x120xi32, #tpu.memory_space<vmem>> -> memref<1x120xi32, #tpu.memory_space<vmem>>
      %dma_start3A_240 = tpu.memref_squeeze %dma_start3A_239 : memref<1x120xi32, #tpu.memory_space<vmem>> -> memref<120xi32, #tpu.memory_space<vmem>>
      %dma_start3A_241 = tpu.memref_slice %arg2[%add3A_28] : memref<34560xi32, #tpu.memory_space<hbm>> -> memref<120xi32, #tpu.memory_space<hbm>>
      tpu.enqueue_dma source(%dma_start3A_241 : memref<120xi32, #tpu.memory_space<hbm>>) target(%dma_start3A_240 : memref<120xi32, #tpu.memory_space<vmem>>) target_semaphore(%run_scoped3A_233 : memref<!tpu.dma_semaphore, #tpu.memory_space<semaphore_mem>>)
      %dma_wait3A_242 = arith.constant 0 : i32
      %dma_wait3A_243 = tpu.memref_slice %arg6[%run_scoped3A_29, %dma_wait3A_242] : memref<9x120xi32, #tpu.memory_space<vmem>> -> memref<1x120xi32, #tpu.memory_space<vmem>>
      %dma_wait3A_244 = tpu.memref_squeeze %dma_wait3A_243 : memref<1x120xi32, #tpu.memory_space<vmem>> -> memref<120xi32, #tpu.memory_space<vmem>>
      %dma_wait3A_245 = tpu.memref_slice %arg2[%add3A_28] : memref<34560xi32, #tpu.memory_space<hbm>> -> memref<120xi32, #tpu.memory_space<hbm>>
      %dma_wait3A_246 = arith.constant 0 : i32
      %dma_wait3A_247 = tpu.memref_slice %arg6[%run_scoped3A_29, %dma_wait3A_246] : memref<9x120xi32, #tpu.memory_space<vmem>> -> memref<1x120xi32, #tpu.memory_space<vmem>>
      %dma_wait3A_248 = tpu.memref_squeeze %dma_wait3A_247 : memref<1x120xi32, #tpu.memory_space<vmem>> -> memref<120xi32, #tpu.memory_space<vmem>>
      %dma_wait3A_249 = tpu.memref_slice %arg2[%add3A_28] : memref<34560xi32, #tpu.memory_space<hbm>> -> memref<120xi32, #tpu.memory_space<hbm>>
      tpu.wait_dma2 semaphore(%run_scoped3A_233 : memref<!tpu.dma_semaphore, #tpu.memory_space<semaphore_mem>>) src(%dma_wait3A_249 : memref<120xi32, #tpu.memory_space<hbm>>) dst(%dma_wait3A_248 : memref<120xi32, #tpu.memory_space<vmem>>)
      tpu.yield
    }) : () -> ()
    %dma_start3A_30 = arith.constant 2 : i32
    %dma_start3A_31 = arith.constant 240 : i32
    %dma_start3A_32 = arith.constant 0 : i32
    %dma_start3A_33 = tpu.memref_slice %arg7[%dma_start3A_31, %dma_start3A_32] : memref<1080x64xf32, #tpu.memory_space<vmem>> -> memref<120x64xf32, #tpu.memory_space<vmem>>
    %dma_start3A_34 = arith.constant 0 : i32
    %dma_start3A_35 = tpu.memref_slice %arg6[%dma_start3A_30, %dma_start3A_34] : memref<9x120xi32, #tpu.memory_space<vmem>> -> memref<1x120xi32, #tpu.memory_space<vmem>>
    %dma_start3A_36 = tpu.memref_squeeze %dma_start3A_35 : memref<1x120xi32, #tpu.memory_space<vmem>> -> memref<120xi32, #tpu.memory_space<vmem>>
    %dma_start3A_37 = arith.constant 0 : i32
    %dma_start3A_38 = arith.constant 0 : i32
    %dma_start3A_39 = tpu.memref_slice %arg3[%dma_start3A_37, %dma_start3A_38] : memref<100000x64xf32, #tpu.memory_space<hbm>> -> memref<100000x64xf32, #tpu.memory_space<hbm>>
    tpu.enqueue_indirect_dma source(%dma_start3A_39 : memref<100000x64xf32, #tpu.memory_space<hbm>>) target(%dma_start3A_33 : memref<120x64xf32, #tpu.memory_space<vmem>>) offsets(%dma_start3A_36 : memref<120xi32, #tpu.memory_space<vmem>>) semaphore(%arg10 : memref<!tpu.dma_semaphore, #tpu.memory_space<semaphore_mem>>)
    %add3A_40 = arith.constant 360 : i32
    %add3A_41 = arith.addi %mul3A_2, %add3A_40 : i32
    %run_scoped3A_42 = arith.constant 3 : i32
    "tpu.region"() ({
      %run_scoped3A_233 = tpu.sem_alloc : memref<!tpu.dma_semaphore, #tpu.memory_space<semaphore_mem>>
      %dma_start3A_234 = arith.constant 0 : i32
      %dma_start3A_235 = tpu.memref_slice %arg6[%run_scoped3A_42, %dma_start3A_234] : memref<9x120xi32, #tpu.memory_space<vmem>> -> memref<1x120xi32, #tpu.memory_space<vmem>>
      %dma_start3A_236 = tpu.memref_squeeze %dma_start3A_235 : memref<1x120xi32, #tpu.memory_space<vmem>> -> memref<120xi32, #tpu.memory_space<vmem>>
      %dma_start3A_237 = tpu.memref_slice %arg2[%add3A_41] : memref<34560xi32, #tpu.memory_space<hbm>> -> memref<120xi32, #tpu.memory_space<hbm>>
      %dma_start3A_238 = arith.constant 0 : i32
      %dma_start3A_239 = tpu.memref_slice %arg6[%run_scoped3A_42, %dma_start3A_238] : memref<9x120xi32, #tpu.memory_space<vmem>> -> memref<1x120xi32, #tpu.memory_space<vmem>>
      %dma_start3A_240 = tpu.memref_squeeze %dma_start3A_239 : memref<1x120xi32, #tpu.memory_space<vmem>> -> memref<120xi32, #tpu.memory_space<vmem>>
      %dma_start3A_241 = tpu.memref_slice %arg2[%add3A_41] : memref<34560xi32, #tpu.memory_space<hbm>> -> memref<120xi32, #tpu.memory_space<hbm>>
      tpu.enqueue_dma source(%dma_start3A_241 : memref<120xi32, #tpu.memory_space<hbm>>) target(%dma_start3A_240 : memref<120xi32, #tpu.memory_space<vmem>>) target_semaphore(%run_scoped3A_233 : memref<!tpu.dma_semaphore, #tpu.memory_space<semaphore_mem>>)
      %dma_wait3A_242 = arith.constant 0 : i32
      %dma_wait3A_243 = tpu.memref_slice %arg6[%run_scoped3A_42, %dma_wait3A_242] : memref<9x120xi32, #tpu.memory_space<vmem>> -> memref<1x120xi32, #tpu.memory_space<vmem>>
      %dma_wait3A_244 = tpu.memref_squeeze %dma_wait3A_243 : memref<1x120xi32, #tpu.memory_space<vmem>> -> memref<120xi32, #tpu.memory_space<vmem>>
      %dma_wait3A_245 = tpu.memref_slice %arg2[%add3A_41] : memref<34560xi32, #tpu.memory_space<hbm>> -> memref<120xi32, #tpu.memory_space<hbm>>
      %dma_wait3A_246 = arith.constant 0 : i32
      %dma_wait3A_247 = tpu.memref_slice %arg6[%run_scoped3A_42, %dma_wait3A_246] : memref<9x120xi32, #tpu.memory_space<vmem>> -> memref<1x120xi32, #tpu.memory_space<vmem>>
      %dma_wait3A_248 = tpu.memref_squeeze %dma_wait3A_247 : memref<1x120xi32, #tpu.memory_space<vmem>> -> memref<120xi32, #tpu.memory_space<vmem>>
      %dma_wait3A_249 = tpu.memref_slice %arg2[%add3A_41] : memref<34560xi32, #tpu.memory_space<hbm>> -> memref<120xi32, #tpu.memory_space<hbm>>
      tpu.wait_dma2 semaphore(%run_scoped3A_233 : memref<!tpu.dma_semaphore, #tpu.memory_space<semaphore_mem>>) src(%dma_wait3A_249 : memref<120xi32, #tpu.memory_space<hbm>>) dst(%dma_wait3A_248 : memref<120xi32, #tpu.memory_space<vmem>>)
      tpu.yield
    }) : () -> ()
    %dma_start3A_43 = arith.constant 3 : i32
    %dma_start3A_44 = arith.constant 360 : i32
    %dma_start3A_45 = arith.constant 0 : i32
    %dma_start3A_46 = tpu.memref_slice %arg7[%dma_start3A_44, %dma_start3A_45] : memref<1080x64xf32, #tpu.memory_space<vmem>> -> memref<120x64xf32, #tpu.memory_space<vmem>>
    %dma_start3A_47 = arith.constant 0 : i32
    %dma_start3A_48 = tpu.memref_slice %arg6[%dma_start3A_43, %dma_start3A_47] : memref<9x120xi32, #tpu.memory_space<vmem>> -> memref<1x120xi32, #tpu.memory_space<vmem>>
    %dma_start3A_49 = tpu.memref_squeeze %dma_start3A_48 : memref<1x120xi32, #tpu.memory_space<vmem>> -> memref<120xi32, #tpu.memory_space<vmem>>
    %dma_start3A_50 = arith.constant 0 : i32
    %dma_start3A_51 = arith.constant 0 : i32
    %dma_start3A_52 = tpu.memref_slice %arg3[%dma_start3A_50, %dma_start3A_51] : memref<100000x64xf32, #tpu.memory_space<hbm>> -> memref<100000x64xf32, #tpu.memory_space<hbm>>
    tpu.enqueue_indirect_dma source(%dma_start3A_52 : memref<100000x64xf32, #tpu.memory_space<hbm>>) target(%dma_start3A_46 : memref<120x64xf32, #tpu.memory_space<vmem>>) offsets(%dma_start3A_49 : memref<120xi32, #tpu.memory_space<vmem>>) semaphore(%arg10 : memref<!tpu.dma_semaphore, #tpu.memory_space<semaphore_mem>>)
    %add3A_53 = arith.constant 480 : i32
    %add3A_54 = arith.addi %mul3A_2, %add3A_53 : i32
    %run_scoped3A_55 = arith.constant 4 : i32
    "tpu.region"() ({
      %run_scoped3A_233 = tpu.sem_alloc : memref<!tpu.dma_semaphore, #tpu.memory_space<semaphore_mem>>
      %dma_start3A_234 = arith.constant 0 : i32
      %dma_start3A_235 = tpu.memref_slice %arg6[%run_scoped3A_55, %dma_start3A_234] : memref<9x120xi32, #tpu.memory_space<vmem>> -> memref<1x120xi32, #tpu.memory_space<vmem>>
      %dma_start3A_236 = tpu.memref_squeeze %dma_start3A_235 : memref<1x120xi32, #tpu.memory_space<vmem>> -> memref<120xi32, #tpu.memory_space<vmem>>
      %dma_start3A_237 = tpu.memref_slice %arg2[%add3A_54] : memref<34560xi32, #tpu.memory_space<hbm>> -> memref<120xi32, #tpu.memory_space<hbm>>
      %dma_start3A_238 = arith.constant 0 : i32
      %dma_start3A_239 = tpu.memref_slice %arg6[%run_scoped3A_55, %dma_start3A_238] : memref<9x120xi32, #tpu.memory_space<vmem>> -> memref<1x120xi32, #tpu.memory_space<vmem>>
      %dma_start3A_240 = tpu.memref_squeeze %dma_start3A_239 : memref<1x120xi32, #tpu.memory_space<vmem>> -> memref<120xi32, #tpu.memory_space<vmem>>
      %dma_start3A_241 = tpu.memref_slice %arg2[%add3A_54] : memref<34560xi32, #tpu.memory_space<hbm>> -> memref<120xi32, #tpu.memory_space<hbm>>
      tpu.enqueue_dma source(%dma_start3A_241 : memref<120xi32, #tpu.memory_space<hbm>>) target(%dma_start3A_240 : memref<120xi32, #tpu.memory_space<vmem>>) target_semaphore(%run_scoped3A_233 : memref<!tpu.dma_semaphore, #tpu.memory_space<semaphore_mem>>)
      %dma_wait3A_242 = arith.constant 0 : i32
      %dma_wait3A_243 = tpu.memref_slice %arg6[%run_scoped3A_55, %dma_wait3A_242] : memref<9x120xi32, #tpu.memory_space<vmem>> -> memref<1x120xi32, #tpu.memory_space<vmem>>
      %dma_wait3A_244 = tpu.memref_squeeze %dma_wait3A_243 : memref<1x120xi32, #tpu.memory_space<vmem>> -> memref<120xi32, #tpu.memory_space<vmem>>
      %dma_wait3A_245 = tpu.memref_slice %arg2[%add3A_54] : memref<34560xi32, #tpu.memory_space<hbm>> -> memref<120xi32, #tpu.memory_space<hbm>>
      %dma_wait3A_246 = arith.constant 0 : i32
      %dma_wait3A_247 = tpu.memref_slice %arg6[%run_scoped3A_55, %dma_wait3A_246] : memref<9x120xi32, #tpu.memory_space<vmem>> -> memref<1x120xi32, #tpu.memory_space<vmem>>
      %dma_wait3A_248 = tpu.memref_squeeze %dma_wait3A_247 : memref<1x120xi32, #tpu.memory_space<vmem>> -> memref<120xi32, #tpu.memory_space<vmem>>
      %dma_wait3A_249 = tpu.memref_slice %arg2[%add3A_54] : memref<34560xi32, #tpu.memory_space<hbm>> -> memref<120xi32, #tpu.memory_space<hbm>>
      tpu.wait_dma2 semaphore(%run_scoped3A_233 : memref<!tpu.dma_semaphore, #tpu.memory_space<semaphore_mem>>) src(%dma_wait3A_249 : memref<120xi32, #tpu.memory_space<hbm>>) dst(%dma_wait3A_248 : memref<120xi32, #tpu.memory_space<vmem>>)
      tpu.yield
    }) : () -> ()
    %dma_start3A_56 = arith.constant 4 : i32
    %dma_start3A_57 = arith.constant 480 : i32
    %dma_start3A_58 = arith.constant 0 : i32
    %dma_start3A_59 = tpu.memref_slice %arg7[%dma_start3A_57, %dma_start3A_58] : memref<1080x64xf32, #tpu.memory_space<vmem>> -> memref<120x64xf32, #tpu.memory_space<vmem>>
    %dma_start3A_60 = arith.constant 0 : i32
    %dma_start3A_61 = tpu.memref_slice %arg6[%dma_start3A_56, %dma_start3A_60] : memref<9x120xi32, #tpu.memory_space<vmem>> -> memref<1x120xi32, #tpu.memory_space<vmem>>
    %dma_start3A_62 = tpu.memref_squeeze %dma_start3A_61 : memref<1x120xi32, #tpu.memory_space<vmem>> -> memref<120xi32, #tpu.memory_space<vmem>>
    %dma_start3A_63 = arith.constant 0 : i32
    %dma_start3A_64 = arith.constant 0 : i32
    %dma_start3A_65 = tpu.memref_slice %arg3[%dma_start3A_63, %dma_start3A_64] : memref<100000x64xf32, #tpu.memory_space<hbm>> -> memref<100000x64xf32, #tpu.memory_space<hbm>>
    tpu.enqueue_indirect_dma source(%dma_start3A_65 : memref<100000x64xf32, #tpu.memory_space<hbm>>) target(%dma_start3A_59 : memref<120x64xf32, #tpu.memory_space<vmem>>) offsets(%dma_start3A_62 : memref<120xi32, #tpu.memory_space<vmem>>) semaphore(%arg11 : memref<!tpu.dma_semaphore, #tpu.memory_space<semaphore_mem>>)
    %add3A_66 = arith.constant 600 : i32
    %add3A_67 = arith.addi %mul3A_2, %add3A_66 : i32
    %run_scoped3A_68 = arith.constant 5 : i32
    "tpu.region"() ({
      %run_scoped3A_233 = tpu.sem_alloc : memref<!tpu.dma_semaphore, #tpu.memory_space<semaphore_mem>>
      %dma_start3A_234 = arith.constant 0 : i32
      %dma_start3A_235 = tpu.memref_slice %arg6[%run_scoped3A_68, %dma_start3A_234] : memref<9x120xi32, #tpu.memory_space<vmem>> -> memref<1x120xi32, #tpu.memory_space<vmem>>
      %dma_start3A_236 = tpu.memref_squeeze %dma_start3A_235 : memref<1x120xi32, #tpu.memory_space<vmem>> -> memref<120xi32, #tpu.memory_space<vmem>>
      %dma_start3A_237 = tpu.memref_slice %arg2[%add3A_67] : memref<34560xi32, #tpu.memory_space<hbm>> -> memref<120xi32, #tpu.memory_space<hbm>>
      %dma_start3A_238 = arith.constant 0 : i32
      %dma_start3A_239 = tpu.memref_slice %arg6[%run_scoped3A_68, %dma_start3A_238] : memref<9x120xi32, #tpu.memory_space<vmem>> -> memref<1x120xi32, #tpu.memory_space<vmem>>
      %dma_start3A_240 = tpu.memref_squeeze %dma_start3A_239 : memref<1x120xi32, #tpu.memory_space<vmem>> -> memref<120xi32, #tpu.memory_space<vmem>>
      %dma_start3A_241 = tpu.memref_slice %arg2[%add3A_67] : memref<34560xi32, #tpu.memory_space<hbm>> -> memref<120xi32, #tpu.memory_space<hbm>>
      tpu.enqueue_dma source(%dma_start3A_241 : memref<120xi32, #tpu.memory_space<hbm>>) target(%dma_start3A_240 : memref<120xi32, #tpu.memory_space<vmem>>) target_semaphore(%run_scoped3A_233 : memref<!tpu.dma_semaphore, #tpu.memory_space<semaphore_mem>>)
      %dma_wait3A_242 = arith.constant 0 : i32
      %dma_wait3A_243 = tpu.memref_slice %arg6[%run_scoped3A_68, %dma_wait3A_242] : memref<9x120xi32, #tpu.memory_space<vmem>> -> memref<1x120xi32, #tpu.memory_space<vmem>>
      %dma_wait3A_244 = tpu.memref_squeeze %dma_wait3A_243 : memref<1x120xi32, #tpu.memory_space<vmem>> -> memref<120xi32, #tpu.memory_space<vmem>>
      %dma_wait3A_245 = tpu.memref_slice %arg2[%add3A_67] : memref<34560xi32, #tpu.memory_space<hbm>> -> memref<120xi32, #tpu.memory_space<hbm>>
      %dma_wait3A_246 = arith.constant 0 : i32
      %dma_wait3A_247 = tpu.memref_slice %arg6[%run_scoped3A_68, %dma_wait3A_246] : memref<9x120xi32, #tpu.memory_space<vmem>> -> memref<1x120xi32, #tpu.memory_space<vmem>>
      %dma_wait3A_248 = tpu.memref_squeeze %dma_wait3A_247 : memref<1x120xi32, #tpu.memory_space<vmem>> -> memref<120xi32, #tpu.memory_space<vmem>>
      %dma_wait3A_249 = tpu.memref_slice %arg2[%add3A_67] : memref<34560xi32, #tpu.memory_space<hbm>> -> memref<120xi32, #tpu.memory_space<hbm>>
      tpu.wait_dma2 semaphore(%run_scoped3A_233 : memref<!tpu.dma_semaphore, #tpu.memory_space<semaphore_mem>>) src(%dma_wait3A_249 : memref<120xi32, #tpu.memory_space<hbm>>) dst(%dma_wait3A_248 : memref<120xi32, #tpu.memory_space<vmem>>)
      tpu.yield
    }) : () -> ()
    %dma_start3A_69 = arith.constant 5 : i32
    %dma_start3A_70 = arith.constant 600 : i32
    %dma_start3A_71 = arith.constant 0 : i32
    %dma_start3A_72 = tpu.memref_slice %arg7[%dma_start3A_70, %dma_start3A_71] : memref<1080x64xf32, #tpu.memory_space<vmem>> -> memref<120x64xf32, #tpu.memory_space<vmem>>
    %dma_start3A_73 = arith.constant 0 : i32
    %dma_start3A_74 = tpu.memref_slice %arg6[%dma_start3A_69, %dma_start3A_73] : memref<9x120xi32, #tpu.memory_space<vmem>> -> memref<1x120xi32, #tpu.memory_space<vmem>>
    %dma_start3A_75 = tpu.memref_squeeze %dma_start3A_74 : memref<1x120xi32, #tpu.memory_space<vmem>> -> memref<120xi32, #tpu.memory_space<vmem>>
    %dma_start3A_76 = arith.constant 0 : i32
    %dma_start3A_77 = arith.constant 0 : i32
    %dma_start3A_78 = tpu.memref_slice %arg3[%dma_start3A_76, %dma_start3A_77] : memref<100000x64xf32, #tpu.memory_space<hbm>> -> memref<100000x64xf32, #tpu.memory_space<hbm>>
    tpu.enqueue_indirect_dma source(%dma_start3A_78 : memref<100000x64xf32, #tpu.memory_space<hbm>>) target(%dma_start3A_72 : memref<120x64xf32, #tpu.memory_space<vmem>>) offsets(%dma_start3A_75 : memref<120xi32, #tpu.memory_space<vmem>>) semaphore(%arg11 : memref<!tpu.dma_semaphore, #tpu.memory_space<semaphore_mem>>)
    %add3A_79 = arith.constant 720 : i32
    %add3A_80 = arith.addi %mul3A_2, %add3A_79 : i32
    %run_scoped3A_81 = arith.constant 6 : i32
    "tpu.region"() ({
      %run_scoped3A_233 = tpu.sem_alloc : memref<!tpu.dma_semaphore, #tpu.memory_space<semaphore_mem>>
      %dma_start3A_234 = arith.constant 0 : i32
      %dma_start3A_235 = tpu.memref_slice %arg6[%run_scoped3A_81, %dma_start3A_234] : memref<9x120xi32, #tpu.memory_space<vmem>> -> memref<1x120xi32, #tpu.memory_space<vmem>>
      %dma_start3A_236 = tpu.memref_squeeze %dma_start3A_235 : memref<1x120xi32, #tpu.memory_space<vmem>> -> memref<120xi32, #tpu.memory_space<vmem>>
      %dma_start3A_237 = tpu.memref_slice %arg2[%add3A_80] : memref<34560xi32, #tpu.memory_space<hbm>> -> memref<120xi32, #tpu.memory_space<hbm>>
      %dma_start3A_238 = arith.constant 0 : i32
      %dma_start3A_239 = tpu.memref_slice %arg6[%run_scoped3A_81, %dma_start3A_238] : memref<9x120xi32, #tpu.memory_space<vmem>> -> memref<1x120xi32, #tpu.memory_space<vmem>>
      %dma_start3A_240 = tpu.memref_squeeze %dma_start3A_239 : memref<1x120xi32, #tpu.memory_space<vmem>> -> memref<120xi32, #tpu.memory_space<vmem>>
      %dma_start3A_241 = tpu.memref_slice %arg2[%add3A_80] : memref<34560xi32, #tpu.memory_space<hbm>> -> memref<120xi32, #tpu.memory_space<hbm>>
      tpu.enqueue_dma source(%dma_start3A_241 : memref<120xi32, #tpu.memory_space<hbm>>) target(%dma_start3A_240 : memref<120xi32, #tpu.memory_space<vmem>>) target_semaphore(%run_scoped3A_233 : memref<!tpu.dma_semaphore, #tpu.memory_space<semaphore_mem>>)
      %dma_wait3A_242 = arith.constant 0 : i32
      %dma_wait3A_243 = tpu.memref_slice %arg6[%run_scoped3A_81, %dma_wait3A_242] : memref<9x120xi32, #tpu.memory_space<vmem>> -> memref<1x120xi32, #tpu.memory_space<vmem>>
      %dma_wait3A_244 = tpu.memref_squeeze %dma_wait3A_243 : memref<1x120xi32, #tpu.memory_space<vmem>> -> memref<120xi32, #tpu.memory_space<vmem>>
      %dma_wait3A_245 = tpu.memref_slice %arg2[%add3A_80] : memref<34560xi32, #tpu.memory_space<hbm>> -> memref<120xi32, #tpu.memory_space<hbm>>
      %dma_wait3A_246 = arith.constant 0 : i32
      %dma_wait3A_247 = tpu.memref_slice %arg6[%run_scoped3A_81, %dma_wait3A_246] : memref<9x120xi32, #tpu.memory_space<vmem>> -> memref<1x120xi32, #tpu.memory_space<vmem>>
      %dma_wait3A_248 = tpu.memref_squeeze %dma_wait3A_247 : memref<1x120xi32, #tpu.memory_space<vmem>> -> memref<120xi32, #tpu.memory_space<vmem>>
      %dma_wait3A_249 = tpu.memref_slice %arg2[%add3A_80] : memref<34560xi32, #tpu.memory_space<hbm>> -> memref<120xi32, #tpu.memory_space<hbm>>
      tpu.wait_dma2 semaphore(%run_scoped3A_233 : memref<!tpu.dma_semaphore, #tpu.memory_space<semaphore_mem>>) src(%dma_wait3A_249 : memref<120xi32, #tpu.memory_space<hbm>>) dst(%dma_wait3A_248 : memref<120xi32, #tpu.memory_space<vmem>>)
      tpu.yield
    }) : () -> ()
    %dma_start3A_82 = arith.constant 6 : i32
    %dma_start3A_83 = arith.constant 720 : i32
    %dma_start3A_84 = arith.constant 0 : i32
    %dma_start3A_85 = tpu.memref_slice %arg7[%dma_start3A_83, %dma_start3A_84] : memref<1080x64xf32, #tpu.memory_space<vmem>> -> memref<120x64xf32, #tpu.memory_space<vmem>>
    %dma_start3A_86 = arith.constant 0 : i32
    %dma_start3A_87 = tpu.memref_slice %arg6[%dma_start3A_82, %dma_start3A_86] : memref<9x120xi32, #tpu.memory_space<vmem>> -> memref<1x120xi32, #tpu.memory_space<vmem>>
    %dma_start3A_88 = tpu.memref_squeeze %dma_start3A_87 : memref<1x120xi32, #tpu.memory_space<vmem>> -> memref<120xi32, #tpu.memory_space<vmem>>
    %dma_start3A_89 = arith.constant 0 : i32
    %dma_start3A_90 = arith.constant 0 : i32
    %dma_start3A_91 = tpu.memref_slice %arg3[%dma_start3A_89, %dma_start3A_90] : memref<100000x64xf32, #tpu.memory_space<hbm>> -> memref<100000x64xf32, #tpu.memory_space<hbm>>
    tpu.enqueue_indirect_dma source(%dma_start3A_91 : memref<100000x64xf32, #tpu.memory_space<hbm>>) target(%dma_start3A_85 : memref<120x64xf32, #tpu.memory_space<vmem>>) offsets(%dma_start3A_88 : memref<120xi32, #tpu.memory_space<vmem>>) semaphore(%arg11 : memref<!tpu.dma_semaphore, #tpu.memory_space<semaphore_mem>>)
    %add3A_92 = arith.constant 840 : i32
    %add3A_93 = arith.addi %mul3A_2, %add3A_92 : i32
    %run_scoped3A_94 = arith.constant 7 : i32
    "tpu.region"() ({
      %run_scoped3A_233 = tpu.sem_alloc : memref<!tpu.dma_semaphore, #tpu.memory_space<semaphore_mem>>
      %dma_start3A_234 = arith.constant 0 : i32
      %dma_start3A_235 = tpu.memref_slice %arg6[%run_scoped3A_94, %dma_start3A_234] : memref<9x120xi32, #tpu.memory_space<vmem>> -> memref<1x120xi32, #tpu.memory_space<vmem>>
      %dma_start3A_236 = tpu.memref_squeeze %dma_start3A_235 : memref<1x120xi32, #tpu.memory_space<vmem>> -> memref<120xi32, #tpu.memory_space<vmem>>
      %dma_start3A_237 = tpu.memref_slice %arg2[%add3A_93] : memref<34560xi32, #tpu.memory_space<hbm>> -> memref<120xi32, #tpu.memory_space<hbm>>
      %dma_start3A_238 = arith.constant 0 : i32
      %dma_start3A_239 = tpu.memref_slice %arg6[%run_scoped3A_94, %dma_start3A_238] : memref<9x120xi32, #tpu.memory_space<vmem>> -> memref<1x120xi32, #tpu.memory_space<vmem>>
      %dma_start3A_240 = tpu.memref_squeeze %dma_start3A_239 : memref<1x120xi32, #tpu.memory_space<vmem>> -> memref<120xi32, #tpu.memory_space<vmem>>
      %dma_start3A_241 = tpu.memref_slice %arg2[%add3A_93] : memref<34560xi32, #tpu.memory_space<hbm>> -> memref<120xi32, #tpu.memory_space<hbm>>
      tpu.enqueue_dma source(%dma_start3A_241 : memref<120xi32, #tpu.memory_space<hbm>>) target(%dma_start3A_240 : memref<120xi32, #tpu.memory_space<vmem>>) target_semaphore(%run_scoped3A_233 : memref<!tpu.dma_semaphore, #tpu.memory_space<semaphore_mem>>)
      %dma_wait3A_242 = arith.constant 0 : i32
      %dma_wait3A_243 = tpu.memref_slice %arg6[%run_scoped3A_94, %dma_wait3A_242] : memref<9x120xi32, #tpu.memory_space<vmem>> -> memref<1x120xi32, #tpu.memory_space<vmem>>
      %dma_wait3A_244 = tpu.memref_squeeze %dma_wait3A_243 : memref<1x120xi32, #tpu.memory_space<vmem>> -> memref<120xi32, #tpu.memory_space<vmem>>
      %dma_wait3A_245 = tpu.memref_slice %arg2[%add3A_93] : memref<34560xi32, #tpu.memory_space<hbm>> -> memref<120xi32, #tpu.memory_space<hbm>>
      %dma_wait3A_246 = arith.constant 0 : i32
      %dma_wait3A_247 = tpu.memref_slice %arg6[%run_scoped3A_94, %dma_wait3A_246] : memref<9x120xi32, #tpu.memory_space<vmem>> -> memref<1x120xi32, #tpu.memory_space<vmem>>
      %dma_wait3A_248 = tpu.memref_squeeze %dma_wait3A_247 : memref<1x120xi32, #tpu.memory_space<vmem>> -> memref<120xi32, #tpu.memory_space<vmem>>
      %dma_wait3A_249 = tpu.memref_slice %arg2[%add3A_93] : memref<34560xi32, #tpu.memory_space<hbm>> -> memref<120xi32, #tpu.memory_space<hbm>>
      tpu.wait_dma2 semaphore(%run_scoped3A_233 : memref<!tpu.dma_semaphore, #tpu.memory_space<semaphore_mem>>) src(%dma_wait3A_249 : memref<120xi32, #tpu.memory_space<hbm>>) dst(%dma_wait3A_248 : memref<120xi32, #tpu.memory_space<vmem>>)
      tpu.yield
    }) : () -> ()
    %dma_start3A_95 = arith.constant 7 : i32
    %dma_start3A_96 = arith.constant 840 : i32
    %dma_start3A_97 = arith.constant 0 : i32
    %dma_start3A_98 = tpu.memref_slice %arg7[%dma_start3A_96, %dma_start3A_97] : memref<1080x64xf32, #tpu.memory_space<vmem>> -> memref<120x64xf32, #tpu.memory_space<vmem>>
    %dma_start3A_99 = arith.constant 0 : i32
    %dma_start3A_100 = tpu.memref_slice %arg6[%dma_start3A_95, %dma_start3A_99] : memref<9x120xi32, #tpu.memory_space<vmem>> -> memref<1x120xi32, #tpu.memory_space<vmem>>
    %dma_start3A_101 = tpu.memref_squeeze %dma_start3A_100 : memref<1x120xi32, #tpu.memory_space<vmem>> -> memref<120xi32, #tpu.memory_space<vmem>>
    %dma_start3A_102 = arith.constant 0 : i32
    %dma_start3A_103 = arith.constant 0 : i32
    %dma_start3A_104 = tpu.memref_slice %arg3[%dma_start3A_102, %dma_start3A_103] : memref<100000x64xf32, #tpu.memory_space<hbm>> -> memref<100000x64xf32, #tpu.memory_space<hbm>>
    tpu.enqueue_indirect_dma source(%dma_start3A_104 : memref<100000x64xf32, #tpu.memory_space<hbm>>) target(%dma_start3A_98 : memref<120x64xf32, #tpu.memory_space<vmem>>) offsets(%dma_start3A_101 : memref<120xi32, #tpu.memory_space<vmem>>) semaphore(%arg11 : memref<!tpu.dma_semaphore, #tpu.memory_space<semaphore_mem>>)
    %add3A_105 = arith.constant 960 : i32
    %add3A_106 = arith.addi %mul3A_2, %add3A_105 : i32
    %run_scoped3A_107 = arith.constant 8 : i32
    "tpu.region"() ({
      %run_scoped3A_233 = tpu.sem_alloc : memref<!tpu.dma_semaphore, #tpu.memory_space<semaphore_mem>>
      %dma_start3A_234 = arith.constant 0 : i32
      %dma_start3A_235 = tpu.memref_slice %arg6[%run_scoped3A_107, %dma_start3A_234] : memref<9x120xi32, #tpu.memory_space<vmem>> -> memref<1x120xi32, #tpu.memory_space<vmem>>
      %dma_start3A_236 = tpu.memref_squeeze %dma_start3A_235 : memref<1x120xi32, #tpu.memory_space<vmem>> -> memref<120xi32, #tpu.memory_space<vmem>>
      %dma_start3A_237 = tpu.memref_slice %arg2[%add3A_106] : memref<34560xi32, #tpu.memory_space<hbm>> -> memref<120xi32, #tpu.memory_space<hbm>>
      %dma_start3A_238 = arith.constant 0 : i32
      %dma_start3A_239 = tpu.memref_slice %arg6[%run_scoped3A_107, %dma_start3A_238] : memref<9x120xi32, #tpu.memory_space<vmem>> -> memref<1x120xi32, #tpu.memory_space<vmem>>
      %dma_start3A_240 = tpu.memref_squeeze %dma_start3A_239 : memref<1x120xi32, #tpu.memory_space<vmem>> -> memref<120xi32, #tpu.memory_space<vmem>>
      %dma_start3A_241 = tpu.memref_slice %arg2[%add3A_106] : memref<34560xi32, #tpu.memory_space<hbm>> -> memref<120xi32, #tpu.memory_space<hbm>>
      tpu.enqueue_dma source(%dma_start3A_241 : memref<120xi32, #tpu.memory_space<hbm>>) target(%dma_start3A_240 : memref<120xi32, #tpu.memory_space<vmem>>) target_semaphore(%run_scoped3A_233 : memref<!tpu.dma_semaphore, #tpu.memory_space<semaphore_mem>>)
      %dma_wait3A_242 = arith.constant 0 : i32
      %dma_wait3A_243 = tpu.memref_slice %arg6[%run_scoped3A_107, %dma_wait3A_242] : memref<9x120xi32, #tpu.memory_space<vmem>> -> memref<1x120xi32, #tpu.memory_space<vmem>>
      %dma_wait3A_244 = tpu.memref_squeeze %dma_wait3A_243 : memref<1x120xi32, #tpu.memory_space<vmem>> -> memref<120xi32, #tpu.memory_space<vmem>>
      %dma_wait3A_245 = tpu.memref_slice %arg2[%add3A_106] : memref<34560xi32, #tpu.memory_space<hbm>> -> memref<120xi32, #tpu.memory_space<hbm>>
      %dma_wait3A_246 = arith.constant 0 : i32
      %dma_wait3A_247 = tpu.memref_slice %arg6[%run_scoped3A_107, %dma_wait3A_246] : memref<9x120xi32, #tpu.memory_space<vmem>> -> memref<1x120xi32, #tpu.memory_space<vmem>>
      %dma_wait3A_248 = tpu.memref_squeeze %dma_wait3A_247 : memref<1x120xi32, #tpu.memory_space<vmem>> -> memref<120xi32, #tpu.memory_space<vmem>>
      %dma_wait3A_249 = tpu.memref_slice %arg2[%add3A_106] : memref<34560xi32, #tpu.memory_space<hbm>> -> memref<120xi32, #tpu.memory_space<hbm>>
      tpu.wait_dma2 semaphore(%run_scoped3A_233 : memref<!tpu.dma_semaphore, #tpu.memory_space<semaphore_mem>>) src(%dma_wait3A_249 : memref<120xi32, #tpu.memory_space<hbm>>) dst(%dma_wait3A_248 : memref<120xi32, #tpu.memory_space<vmem>>)
      tpu.yield
    }) : () -> ()
    %dma_start3A_108 = arith.constant 8 : i32
    %dma_start3A_109 = arith.constant 960 : i32
    %dma_start3A_110 = arith.constant 0 : i32
    %dma_start3A_111 = tpu.memref_slice %arg7[%dma_start3A_109, %dma_start3A_110] : memref<1080x64xf32, #tpu.memory_space<vmem>> -> memref<120x64xf32, #tpu.memory_space<vmem>>
    %dma_start3A_112 = arith.constant 0 : i32
    %dma_start3A_113 = tpu.memref_slice %arg6[%dma_start3A_108, %dma_start3A_112] : memref<9x120xi32, #tpu.memory_space<vmem>> -> memref<1x120xi32, #tpu.memory_space<vmem>>
    %dma_start3A_114 = tpu.memref_squeeze %dma_start3A_113 : memref<1x120xi32, #tpu.memory_space<vmem>> -> memref<120xi32, #tpu.memory_space<vmem>>
    %dma_start3A_115 = arith.constant 0 : i32
    %dma_start3A_116 = arith.constant 0 : i32
    %dma_start3A_117 = tpu.memref_slice %arg3[%dma_start3A_115, %dma_start3A_116] : memref<100000x64xf32, #tpu.memory_space<hbm>> -> memref<100000x64xf32, #tpu.memory_space<hbm>>
    tpu.enqueue_indirect_dma source(%dma_start3A_117 : memref<100000x64xf32, #tpu.memory_space<hbm>>) target(%dma_start3A_111 : memref<120x64xf32, #tpu.memory_space<vmem>>) offsets(%dma_start3A_114 : memref<120xi32, #tpu.memory_space<vmem>>) semaphore(%arg11 : memref<!tpu.dma_semaphore, #tpu.memory_space<semaphore_mem>>)
    %jit3A = arith.constant 2 : i32
    %eq3A = arith.constant 0 : i32
    %eq3A_118 = arith.cmpi eq, %jit3A, %eq3A : i32
    %jit3A_119 = arith.constant 1 : i32
    %select_n3A = arith.select %eq3A_118, %jit3A_119, %jit3A : i32
    %rem3A = arith.remsi %add3A, %select_n3A : i32
    %ne3A = arith.constant 0 : i32
    %ne3A_120 = arith.cmpi ne, %rem3A, %ne3A : i32
    %lt3A = arith.constant 0 : i32
    %lt3A_121 = arith.cmpi slt, %rem3A, %lt3A : i32
    %lt3A_122 = arith.constant 0 : i32
    %lt3A_123 = arith.cmpi slt, %select_n3A, %lt3A_122 : i32
    %ne3A_124 = arith.xori %lt3A_121, %lt3A_123 : i1
    %and3A = arith.andi %ne3A_124, %ne3A_120 : i1
    %add3A_125 = arith.addi %rem3A, %select_n3A : i32
    %select_n3A_126 = arith.select %and3A, %add3A_125, %rem3A : i32
    %mul3A_127 = arith.constant 72 : i32
    %mul3A_128 = arith.muli %select_n3A_126, %mul3A_127 : i32
    "tpu.region"() ({
      %run_scoped3A_233 = tpu.sem_alloc : memref<!tpu.dma_semaphore, #tpu.memory_space<semaphore_mem>>
      %dma_start3A_234 = arith.constant 0 : i32
      %dma_start3A_235 = tpu.memref_slice %arg4[%mul3A_128, %dma_start3A_234] : memref<144x64xf32, #tpu.memory_space<hbm>> -> memref<72x64xf32, #tpu.memory_space<hbm>>
      %dma_start3A_236 = arith.constant 0 : i32
      %dma_start3A_237 = tpu.memref_slice %arg4[%mul3A_128, %dma_start3A_236] : memref<144x64xf32, #tpu.memory_space<hbm>> -> memref<72x64xf32, #tpu.memory_space<hbm>>
      tpu.enqueue_dma source(%dma_start3A_237 : memref<72x64xf32, #tpu.memory_space<hbm>>) target(%arg8 : memref<72x64xf32, #tpu.memory_space<vmem>>) target_semaphore(%run_scoped3A_233 : memref<!tpu.dma_semaphore, #tpu.memory_space<semaphore_mem>>)
      %dma_wait3A_238 = arith.constant 0 : i32
      %dma_wait3A_239 = tpu.memref_slice %arg4[%mul3A_128, %dma_wait3A_238] : memref<144x64xf32, #tpu.memory_space<hbm>> -> memref<72x64xf32, #tpu.memory_space<hbm>>
      %dma_wait3A_240 = arith.constant 0 : i32
      %dma_wait3A_241 = tpu.memref_slice %arg4[%mul3A_128, %dma_wait3A_240] : memref<144x64xf32, #tpu.memory_space<hbm>> -> memref<72x64xf32, #tpu.memory_space<hbm>>
      tpu.wait_dma2 semaphore(%run_scoped3A_233 : memref<!tpu.dma_semaphore, #tpu.memory_space<semaphore_mem>>) src(%dma_wait3A_241 : memref<72x64xf32, #tpu.memory_space<hbm>>) dst(%arg8 : memref<72x64xf32, #tpu.memory_space<vmem>>)
      tpu.yield
    }) : () -> ()
    %dma_wait3A = arith.constant 0 : i32
    %dma_wait3A_129 = arith.constant 0 : i32
    %dma_wait3A_130 = arith.constant 0 : i32
    %dma_wait3A_131 = tpu.memref_slice %arg7[%dma_wait3A_129, %dma_wait3A_130] : memref<1080x64xf32, #tpu.memory_space<vmem>> -> memref<120x64xf32, #tpu.memory_space<vmem>>
    %dma_wait3A_132 = arith.constant 0 : i32
    %dma_wait3A_133 = tpu.memref_slice %arg6[%dma_wait3A, %dma_wait3A_132] : memref<9x120xi32, #tpu.memory_space<vmem>> -> memref<1x120xi32, #tpu.memory_space<vmem>>
    %dma_wait3A_134 = tpu.memref_squeeze %dma_wait3A_133 : memref<1x120xi32, #tpu.memory_space<vmem>> -> memref<120xi32, #tpu.memory_space<vmem>>
    %dma_wait3A_135 = arith.constant 0 : i32
    %dma_wait3A_136 = arith.constant 0 : i32
    %dma_wait3A_137 = tpu.memref_slice %arg3[%dma_wait3A_135, %dma_wait3A_136] : memref<100000x64xf32, #tpu.memory_space<hbm>> -> memref<100000x64xf32, #tpu.memory_space<hbm>>
    tpu.wait_indirect_dma semaphore(%arg10 : memref<!tpu.dma_semaphore, #tpu.memory_space<semaphore_mem>>) src(%dma_wait3A_137 : memref<100000x64xf32, #tpu.memory_space<hbm>>) dst(%dma_wait3A_131 : memref<120x64xf32, #tpu.memory_space<vmem>>)
    %dma_wait3A_138 = arith.constant 1 : i32
    %dma_wait3A_139 = arith.constant 120 : i32
    %dma_wait3A_140 = arith.constant 0 : i32
    %dma_wait3A_141 = tpu.memref_slice %arg7[%dma_wait3A_139, %dma_wait3A_140] : memref<1080x64xf32, #tpu.memory_space<vmem>> -> memref<120x64xf32, #tpu.memory_space<vmem>>
    %dma_wait3A_142 = arith.constant 0 : i32
    %dma_wait3A_143 = tpu.memref_slice %arg6[%dma_wait3A_138, %dma_wait3A_142] : memref<9x120xi32, #tpu.memory_space<vmem>> -> memref<1x120xi32, #tpu.memory_space<vmem>>
    %dma_wait3A_144 = tpu.memref_squeeze %dma_wait3A_143 : memref<1x120xi32, #tpu.memory_space<vmem>> -> memref<120xi32, #tpu.memory_space<vmem>>
    %dma_wait3A_145 = arith.constant 0 : i32
    %dma_wait3A_146 = arith.constant 0 : i32
    %dma_wait3A_147 = tpu.memref_slice %arg3[%dma_wait3A_145, %dma_wait3A_146] : memref<100000x64xf32, #tpu.memory_space<hbm>> -> memref<100000x64xf32, #tpu.memory_space<hbm>>
    tpu.wait_indirect_dma semaphore(%arg10 : memref<!tpu.dma_semaphore, #tpu.memory_space<semaphore_mem>>) src(%dma_wait3A_147 : memref<100000x64xf32, #tpu.memory_space<hbm>>) dst(%dma_wait3A_141 : memref<120x64xf32, #tpu.memory_space<vmem>>)
    %dma_wait3A_148 = arith.constant 2 : i32
    %dma_wait3A_149 = arith.constant 240 : i32
    %dma_wait3A_150 = arith.constant 0 : i32
    %dma_wait3A_151 = tpu.memref_slice %arg7[%dma_wait3A_149, %dma_wait3A_150] : memref<1080x64xf32, #tpu.memory_space<vmem>> -> memref<120x64xf32, #tpu.memory_space<vmem>>
    %dma_wait3A_152 = arith.constant 0 : i32
    %dma_wait3A_153 = tpu.memref_slice %arg6[%dma_wait3A_148, %dma_wait3A_152] : memref<9x120xi32, #tpu.memory_space<vmem>> -> memref<1x120xi32, #tpu.memory_space<vmem>>
    %dma_wait3A_154 = tpu.memref_squeeze %dma_wait3A_153 : memref<1x120xi32, #tpu.memory_space<vmem>> -> memref<120xi32, #tpu.memory_space<vmem>>
    %dma_wait3A_155 = arith.constant 0 : i32
    %dma_wait3A_156 = arith.constant 0 : i32
    %dma_wait3A_157 = tpu.memref_slice %arg3[%dma_wait3A_155, %dma_wait3A_156] : memref<100000x64xf32, #tpu.memory_space<hbm>> -> memref<100000x64xf32, #tpu.memory_space<hbm>>
    tpu.wait_indirect_dma semaphore(%arg10 : memref<!tpu.dma_semaphore, #tpu.memory_space<semaphore_mem>>) src(%dma_wait3A_157 : memref<100000x64xf32, #tpu.memory_space<hbm>>) dst(%dma_wait3A_151 : memref<120x64xf32, #tpu.memory_space<vmem>>)
    %dma_wait3A_158 = arith.constant 3 : i32
    %dma_wait3A_159 = arith.constant 360 : i32
    %dma_wait3A_160 = arith.constant 0 : i32
    %dma_wait3A_161 = tpu.memref_slice %arg7[%dma_wait3A_159, %dma_wait3A_160] : memref<1080x64xf32, #tpu.memory_space<vmem>> -> memref<120x64xf32, #tpu.memory_space<vmem>>
    %dma_wait3A_162 = arith.constant 0 : i32
    %dma_wait3A_163 = tpu.memref_slice %arg6[%dma_wait3A_158, %dma_wait3A_162] : memref<9x120xi32, #tpu.memory_space<vmem>> -> memref<1x120xi32, #tpu.memory_space<vmem>>
    %dma_wait3A_164 = tpu.memref_squeeze %dma_wait3A_163 : memref<1x120xi32, #tpu.memory_space<vmem>> -> memref<120xi32, #tpu.memory_space<vmem>>
    %dma_wait3A_165 = arith.constant 0 : i32
    %dma_wait3A_166 = arith.constant 0 : i32
    %dma_wait3A_167 = tpu.memref_slice %arg3[%dma_wait3A_165, %dma_wait3A_166] : memref<100000x64xf32, #tpu.memory_space<hbm>> -> memref<100000x64xf32, #tpu.memory_space<hbm>>
    tpu.wait_indirect_dma semaphore(%arg10 : memref<!tpu.dma_semaphore, #tpu.memory_space<semaphore_mem>>) src(%dma_wait3A_167 : memref<100000x64xf32, #tpu.memory_space<hbm>>) dst(%dma_wait3A_161 : memref<120x64xf32, #tpu.memory_space<vmem>>)
    %scan3A = arith.constant 0 : i32
    %scan3A_168 = arith.constant 0 : i32
    %scan3A_169 = arith.constant 10 : i32
    %scan3A_170 = arith.addi %scan3A_168, %scan3A_169 : i32
    %scan3A_171 = arith.constant 1 : i32
    %scan3A_172 = scf.for %scan3A_233 = %scan3A_168 to %scan3A_170 step %scan3A_171 iter_args(%scan3A_234 = %scan3A) -> (i32)  : i32 {
      %mul3A_235 = arith.constant 45 : i32
      %mul3A_236 = arith.muli %scan3A_233, %mul3A_235 : i32
      %add3A_237 = arith.constant 0 : i32
      %add3A_238 = arith.addi %mul3A_236, %add3A_237 : i32
      %add3A_239 = arith.constant 0 : i32
      %add3A_240 = arith.addi %add3A_238, %add3A_239 : i32
      %get3A = arith.index_cast %add3A_240 : i32 to index
      %get3A_241 = arith.constant 0 : index
      %get3A_242 = tpu.vector_load %arg7[%get3A, %get3A_241] {strides = array<i32>} : memref<1080x64xf32, #tpu.memory_space<vmem>>, vector<16xf32>,
      %add3A_243 = arith.constant 0 : i32
      %add3A_244 = arith.addi %add3A_238, %add3A_243 : i32
      %get3A_245 = arith.index_cast %add3A_244 : i32 to index
      %get3A_246 = arith.constant 16 : index
      %get3A_247 = tpu.vector_load %arg7[%get3A_245, %get3A_246] {strides = array<i32>} : memref<1080x64xf32, #tpu.memory_space<vmem>>, vector<16xf32>,
      %add3A_248 = arith.constant 0 : i32
      %add3A_249 = arith.addi %add3A_238, %add3A_248 : i32
      %get3A_250 = arith.index_cast %add3A_249 : i32 to index
      %get3A_251 = arith.constant 32 : index
      %get3A_252 = tpu.vector_load %arg7[%get3A_250, %get3A_251] {strides = array<i32>} : memref<1080x64xf32, #tpu.memory_space<vmem>>, vector<16xf32>,
      %add3A_253 = arith.constant 0 : i32
      %add3A_254 = arith.addi %add3A_238, %add3A_253 : i32
      %get3A_255 = arith.index_cast %add3A_254 : i32 to index
      %get3A_256 = arith.constant 48 : index
      %get3A_257 = tpu.vector_load %arg7[%get3A_255, %get3A_256] {strides = array<i32>} : memref<1080x64xf32, #tpu.memory_space<vmem>>, vector<16xf32>,
      %add3A_258 = arith.constant 1 : i32
      %add3A_259 = arith.addi %add3A_238, %add3A_258 : i32
      %get3A_260 = arith.index_cast %add3A_259 : i32 to index
      %get3A_261 = arith.constant 0 : index
      %get3A_262 = tpu.vector_load %arg7[%get3A_260, %get3A_261] {strides = array<i32>} : memref<1080x64xf32, #tpu.memory_space<vmem>>, vector<16xf32>,
      %add3A_263 = arith.addf %get3A_242, %get3A_262 : vector<16xf32>
      %add3A_264 = arith.constant 1 : i32
      %add3A_265 = arith.addi %add3A_238, %add3A_264 : i32
      %get3A_266 = arith.index_cast %add3A_265 : i32 to index
      %get3A_267 = arith.constant 16 : index
      %get3A_268 = tpu.vector_load %arg7[%get3A_266, %get3A_267] {strides = array<i32>} : memref<1080x64xf32, #tpu.memory_space<vmem>>, vector<16xf32>,
      %add3A_269 = arith.addf %get3A_247, %get3A_268 : vector<16xf32>
      %add3A_270 = arith.constant 1 : i32
      %add3A_271 = arith.addi %add3A_238, %add3A_270 : i32
      %get3A_272 = arith.index_cast %add3A_271 : i32 to index
      %get3A_273 = arith.constant 32 : index
      %get3A_274 = tpu.vector_load %arg7[%get3A_272, %get3A_273] {strides = array<i32>} : memref<1080x64xf32, #tpu.memory_space<vmem>>, vector<16xf32>,
      %add3A_275 = arith.addf %get3A_252, %get3A_274 : vector<16xf32>
      %add3A_276 = arith.constant 1 : i32
      %add3A_277 = arith.addi %add3A_238, %add3A_276 : i32
      %get3A_278 = arith.index_cast %add3A_277 : i32 to index
      %get3A_279 = arith.constant 48 : index
      %get3A_280 = tpu.vector_load %arg7[%get3A_278, %get3A_279] {strides = array<i32>} : memref<1080x64xf32, #tpu.memory_space<vmem>>, vector<16xf32>,
      %add3A_281 = arith.addf %get3A_257, %get3A_280 : vector<16xf32>
      %add3A_282 = arith.constant 2 : i32
      %add3A_283 = arith.addi %add3A_238, %add3A_282 : i32
      %get3A_284 = arith.index_cast %add3A_283 : i32 to index
      %get3A_285 = arith.constant 0 : index
      %get3A_286 = tpu.vector_load %arg7[%get3A_284, %get3A_285] {strides = array<i32>} : memref<1080x64xf32, #tpu.memory_space<vmem>>, vector<16xf32>,
      %add3A_287 = arith.addf %add3A_263, %get3A_286 : vector<16xf32>
      %add3A_288 = arith.constant 2 : i32
      %add3A_289 = arith.addi %add3A_238, %add3A_288 : i32
      %get3A_290 = arith.index_cast %add3A_289 : i32 to index
      %get3A_291 = arith.constant 16 : index
      %get3A_292 = tpu.vector_load %arg7[%get3A_290, %get3A_291] {strides = array<i32>} : memref<1080x64xf32, #tpu.memory_space<vmem>>, vector<16xf32>,
      %add3A_293 = arith.addf %add3A_269, %get3A_292 : vector<16xf32>
      %add3A_294 = arith.constant 2 : i32
      %add3A_295 = arith.addi %add3A_238, %add3A_294 : i32
      %get3A_296 = arith.index_cast %add3A_295 : i32 to index
      %get3A_297 = arith.constant 32 : index
      %get3A_298 = tpu.vector_load %arg7[%get3A_296, %get3A_297] {strides = array<i32>} : memref<1080x64xf32, #tpu.memory_space<vmem>>, vector<16xf32>,
      %add3A_299 = arith.addf %add3A_275, %get3A_298 : vector<16xf32>
      %add3A_300 = arith.constant 2 : i32
      %add3A_301 = arith.addi %add3A_238, %add3A_300 : i32
      %get3A_302 = arith.index_cast %add3A_301 : i32 to index
      %get3A_303 = arith.constant 48 : index
      %get3A_304 = tpu.vector_load %arg7[%get3A_302, %get3A_303] {strides = array<i32>} : memref<1080x64xf32, #tpu.memory_space<vmem>>, vector<16xf32>,
      %add3A_305 = arith.addf %add3A_281, %get3A_304 : vector<16xf32>
      %add3A_306 = arith.constant 3 : i32
      %add3A_307 = arith.addi %add3A_238, %add3A_306 : i32
      %get3A_308 = arith.index_cast %add3A_307 : i32 to index
      %get3A_309 = arith.constant 0 : index
      %get3A_310 = tpu.vector_load %arg7[%get3A_308, %get3A_309] {strides = array<i32>} : memref<1080x64xf32, #tpu.memory_space<vmem>>, vector<16xf32>,
      %add3A_311 = arith.addf %add3A_287, %get3A_310 : vector<16xf32>
      %add3A_312 = arith.constant 3 : i32
      %add3A_313 = arith.addi %add3A_238, %add3A_312 : i32
      %get3A_314 = arith.index_cast %add3A_313 : i32 to index
      %get3A_315 = arith.constant 16 : index
      %get3A_316 = tpu.vector_load %arg7[%get3A_314, %get3A_315] {strides = array<i32>} : memref<1080x64xf32, #tpu.memory_space<vmem>>, vector<16xf32>,
      %add3A_317 = arith.addf %add3A_293, %get3A_316 : vector<16xf32>
      %add3A_318 = arith.constant 3 : i32
      %add3A_319 = arith.addi %add3A_238, %add3A_318 : i32
      %get3A_320 = arith.index_cast %add3A_319 : i32 to index
      %get3A_321 = arith.constant 32 : index
      %get3A_322 = tpu.vector_load %arg7[%get3A_320, %get3A_321] {strides = array<i32>} : memref<1080x64xf32, #tpu.memory_space<vmem>>, vector<16xf32>,
      %add3A_323 = arith.addf %add3A_299, %get3A_322 : vector<16xf32>
      %add3A_324 = arith.constant 3 : i32
      %add3A_325 = arith.addi %add3A_238, %add3A_324 : i32
      %get3A_326 = arith.index_cast %add3A_325 : i32 to index
      %get3A_327 = arith.constant 48 : index
      %get3A_328 = tpu.vector_load %arg7[%get3A_326, %get3A_327] {strides = array<i32>} : memref<1080x64xf32, #tpu.memory_space<vmem>>, vector<16xf32>,
      %add3A_329 = arith.addf %add3A_305, %get3A_328 : vector<16xf32>
      %add3A_330 = arith.constant 4 : i32
      %add3A_331 = arith.addi %add3A_238, %add3A_330 : i32
      %get3A_332 = arith.index_cast %add3A_331 : i32 to index
      %get3A_333 = arith.constant 0 : index
      %get3A_334 = tpu.vector_load %arg7[%get3A_332, %get3A_333] {strides = array<i32>} : memref<1080x64xf32, #tpu.memory_space<vmem>>, vector<16xf32>,
      %add3A_335 = arith.addf %add3A_311, %get3A_334 : vector<16xf32>
      %add3A_336 = arith.constant 4 : i32
      %add3A_337 = arith.addi %add3A_238, %add3A_336 : i32
      %get3A_338 = arith.index_cast %add3A_337 : i32 to index
      %get3A_339 = arith.constant 16 : index
      %get3A_340 = tpu.vector_load %arg7[%get3A_338, %get3A_339] {strides = array<i32>} : memref<1080x64xf32, #tpu.memory_space<vmem>>, vector<16xf32>,
      %add3A_341 = arith.addf %add3A_317, %get3A_340 : vector<16xf32>
      %add3A_342 = arith.constant 4 : i32
      %add3A_343 = arith.addi %add3A_238, %add3A_342 : i32
      %get3A_344 = arith.index_cast %add3A_343 : i32 to index
      %get3A_345 = arith.constant 32 : index
      %get3A_346 = tpu.vector_load %arg7[%get3A_344, %get3A_345] {strides = array<i32>} : memref<1080x64xf32, #tpu.memory_space<vmem>>, vector<16xf32>,
      %add3A_347 = arith.addf %add3A_323, %get3A_346 : vector<16xf32>
      %add3A_348 = arith.constant 4 : i32
      %add3A_349 = arith.addi %add3A_238, %add3A_348 : i32
      %get3A_350 = arith.index_cast %add3A_349 : i32 to index
      %get3A_351 = arith.constant 48 : index
      %get3A_352 = tpu.vector_load %arg7[%get3A_350, %get3A_351] {strides = array<i32>} : memref<1080x64xf32, #tpu.memory_space<vmem>>, vector<16xf32>,
      %add3A_353 = arith.addf %add3A_329, %get3A_352 : vector<16xf32>
      %add3A_354 = arith.constant 5 : i32
      %add3A_355 = arith.addi %add3A_238, %add3A_354 : i32
      %get3A_356 = arith.index_cast %add3A_355 : i32 to index
      %get3A_357 = arith.constant 0 : index
      %get3A_358 = tpu.vector_load %arg7[%get3A_356, %get3A_357] {strides = array<i32>} : memref<1080x64xf32, #tpu.memory_space<vmem>>, vector<16xf32>,
      %add3A_359 = arith.addf %add3A_335, %get3A_358 : vector<16xf32>
      %add3A_360 = arith.constant 5 : i32
      %add3A_361 = arith.addi %add3A_238, %add3A_360 : i32
      %get3A_362 = arith.index_cast %add3A_361 : i32 to index
      %get3A_363 = arith.constant 16 : index
      %get3A_364 = tpu.vector_load %arg7[%get3A_362, %get3A_363] {strides = array<i32>} : memref<1080x64xf32, #tpu.memory_space<vmem>>, vector<16xf32>,
      %add3A_365 = arith.addf %add3A_341, %get3A_364 : vector<16xf32>
      %add3A_366 = arith.constant 5 : i32
      %add3A_367 = arith.addi %add3A_238, %add3A_366 : i32
      %get3A_368 = arith.index_cast %add3A_367 : i32 to index
      %get3A_369 = arith.constant 32 : index
      %get3A_370 = tpu.vector_load %arg7[%get3A_368, %get3A_369] {strides = array<i32>} : memref<1080x64xf32, #tpu.memory_space<vmem>>, vector<16xf32>,
      %add3A_371 = arith.addf %add3A_347, %get3A_370 : vector<16xf32>
      %add3A_372 = arith.constant 5 : i32
      %add3A_373 = arith.addi %add3A_238, %add3A_372 : i32
      %get3A_374 = arith.index_cast %add3A_373 : i32 to index
      %get3A_375 = arith.constant 48 : index
      %get3A_376 = tpu.vector_load %arg7[%get3A_374, %get3A_375] {strides = array<i32>} : memref<1080x64xf32, #tpu.memory_space<vmem>>, vector<16xf32>,
      %add3A_377 = arith.addf %add3A_353, %get3A_376 : vector<16xf32>
      %add3A_378 = arith.constant 6 : i32
      %add3A_379 = arith.addi %add3A_238, %add3A_378 : i32
      %get3A_380 = arith.index_cast %add3A_379 : i32 to index
      %get3A_381 = arith.constant 0 : index
      %get3A_382 = tpu.vector_load %arg7[%get3A_380, %get3A_381] {strides = array<i32>} : memref<1080x64xf32, #tpu.memory_space<vmem>>, vector<16xf32>,
      %add3A_383 = arith.addf %add3A_359, %get3A_382 : vector<16xf32>
      %add3A_384 = arith.constant 6 : i32
      %add3A_385 = arith.addi %add3A_238, %add3A_384 : i32
      %get3A_386 = arith.index_cast %add3A_385 : i32 to index
      %get3A_387 = arith.constant 16 : index
      %get3A_388 = tpu.vector_load %arg7[%get3A_386, %get3A_387] {strides = array<i32>} : memref<1080x64xf32, #tpu.memory_space<vmem>>, vector<16xf32>,
      %add3A_389 = arith.addf %add3A_365, %get3A_388 : vector<16xf32>
      %add3A_390 = arith.constant 6 : i32
      %add3A_391 = arith.addi %add3A_238, %add3A_390 : i32
      %get3A_392 = arith.index_cast %add3A_391 : i32 to index
      %get3A_393 = arith.constant 32 : index
      %get3A_394 = tpu.vector_load %arg7[%get3A_392, %get3A_393] {strides = array<i32>} : memref<1080x64xf32, #tpu.memory_space<vmem>>, vector<16xf32>,
      %add3A_395 = arith.addf %add3A_371, %get3A_394 : vector<16xf32>
      %add3A_396 = arith.constant 6 : i32
      %add3A_397 = arith.addi %add3A_238, %add3A_396 : i32
      %get3A_398 = arith.index_cast %add3A_397 : i32 to index
      %get3A_399 = arith.constant 48 : index
      %get3A_400 = tpu.vector_load %arg7[%get3A_398, %get3A_399] {strides = array<i32>} : memref<1080x64xf32, #tpu.memory_space<vmem>>, vector<16xf32>,
      %add3A_401 = arith.addf %add3A_377, %get3A_400 : vector<16xf32>
      %add3A_402 = arith.constant 7 : i32
      %add3A_403 = arith.addi %add3A_238, %add3A_402 : i32
      %get3A_404 = arith.index_cast %add3A_403 : i32 to index
      %get3A_405 = arith.constant 0 : index
      %get3A_406 = tpu.vector_load %arg7[%get3A_404, %get3A_405] {strides = array<i32>} : memref<1080x64xf32, #tpu.memory_space<vmem>>, vector<16xf32>,
      %add3A_407 = arith.addf %add3A_383, %get3A_406 : vector<16xf32>
      %add3A_408 = arith.constant 7 : i32
      %add3A_409 = arith.addi %add3A_238, %add3A_408 : i32
      %get3A_410 = arith.index_cast %add3A_409 : i32 to index
      %get3A_411 = arith.constant 16 : index
      %get3A_412 = tpu.vector_load %arg7[%get3A_410, %get3A_411] {strides = array<i32>} : memref<1080x64xf32, #tpu.memory_space<vmem>>, vector<16xf32>,
      %add3A_413 = arith.addf %add3A_389, %get3A_412 : vector<16xf32>
      %add3A_414 = arith.constant 7 : i32
      %add3A_415 = arith.addi %add3A_238, %add3A_414 : i32
      %get3A_416 = arith.index_cast %add3A_415 : i32 to index
      %get3A_417 = arith.constant 32 : index
      %get3A_418 = tpu.vector_load %arg7[%get3A_416, %get3A_417] {strides = array<i32>} : memref<1080x64xf32, #tpu.memory_space<vmem>>, vector<16xf32>,
      %add3A_419 = arith.addf %add3A_395, %get3A_418 : vector<16xf32>
      %add3A_420 = arith.constant 7 : i32
      %add3A_421 = arith.addi %add3A_238, %add3A_420 : i32
      %get3A_422 = arith.index_cast %add3A_421 : i32 to index
      %get3A_423 = arith.constant 48 : index
      %get3A_424 = tpu.vector_load %arg7[%get3A_422, %get3A_423] {strides = array<i32>} : memref<1080x64xf32, #tpu.memory_space<vmem>>, vector<16xf32>,
      %add3A_425 = arith.addf %add3A_401, %get3A_424 : vector<16xf32>
      %add3A_426 = arith.constant 8 : i32
      %add3A_427 = arith.addi %add3A_238, %add3A_426 : i32
      %get3A_428 = arith.index_cast %add3A_427 : i32 to index
      %get3A_429 = arith.constant 0 : index
      %get3A_430 = tpu.vector_load %arg7[%get3A_428, %get3A_429] {strides = array<i32>} : memref<1080x64xf32, #tpu.memory_space<vmem>>, vector<16xf32>,
      %add3A_431 = arith.addf %add3A_407, %get3A_430 : vector<16xf32>
      %add3A_432 = arith.constant 8 : i32
      %add3A_433 = arith.addi %add3A_238, %add3A_432 : i32
      %get3A_434 = arith.index_cast %add3A_433 : i32 to index
      %get3A_435 = arith.constant 16 : index
      %get3A_436 = tpu.vector_load %arg7[%get3A_434, %get3A_435] {strides = array<i32>} : memref<1080x64xf32, #tpu.memory_space<vmem>>, vector<16xf32>,
      %add3A_437 = arith.addf %add3A_413, %get3A_436 : vector<16xf32>
      %add3A_438 = arith.constant 8 : i32
      %add3A_439 = arith.addi %add3A_238, %add3A_438 : i32
      %get3A_440 = arith.index_cast %add3A_439 : i32 to index
      %get3A_441 = arith.constant 32 : index
      %get3A_442 = tpu.vector_load %arg7[%get3A_440, %get3A_441] {strides = array<i32>} : memref<1080x64xf32, #tpu.memory_space<vmem>>, vector<16xf32>,
      %add3A_443 = arith.addf %add3A_419, %get3A_442 : vector<16xf32>
      %add3A_444 = arith.constant 8 : i32
      %add3A_445 = arith.addi %add3A_238, %add3A_444 : i32
      %get3A_446 = arith.index_cast %add3A_445 : i32 to index
      %get3A_447 = arith.constant 48 : index
      %get3A_448 = tpu.vector_load %arg7[%get3A_446, %get3A_447] {strides = array<i32>} : memref<1080x64xf32, #tpu.memory_space<vmem>>, vector<16xf32>,
      %add3A_449 = arith.addf %add3A_425, %get3A_448 : vector<16xf32>
      %add3A_450 = arith.constant 9 : i32
      %add3A_451 = arith.addi %add3A_238, %add3A_450 : i32
      %get3A_452 = arith.index_cast %add3A_451 : i32 to index
      %get3A_453 = arith.constant 0 : index
      %get3A_454 = tpu.vector_load %arg7[%get3A_452, %get3A_453] {strides = array<i32>} : memref<1080x64xf32, #tpu.memory_space<vmem>>, vector<16xf32>,
      %add3A_455 = arith.addf %add3A_431, %get3A_454 : vector<16xf32>
      %add3A_456 = arith.constant 9 : i32
      %add3A_457 = arith.addi %add3A_238, %add3A_456 : i32
      %get3A_458 = arith.index_cast %add3A_457 : i32 to index
      %get3A_459 = arith.constant 16 : index
      %get3A_460 = tpu.vector_load %arg7[%get3A_458, %get3A_459] {strides = array<i32>} : memref<1080x64xf32, #tpu.memory_space<vmem>>, vector<16xf32>,
      %add3A_461 = arith.addf %add3A_437, %get3A_460 : vector<16xf32>
      %add3A_462 = arith.constant 9 : i32
      %add3A_463 = arith.addi %add3A_238, %add3A_462 : i32
      %get3A_464 = arith.index_cast %add3A_463 : i32 to index
      %get3A_465 = arith.constant 32 : index
      %get3A_466 = tpu.vector_load %arg7[%get3A_464, %get3A_465] {strides = array<i32>} : memref<1080x64xf32, #tpu.memory_space<vmem>>, vector<16xf32>,
      %add3A_467 = arith.addf %add3A_443, %get3A_466 : vector<16xf32>
      %add3A_468 = arith.constant 9 : i32
      %add3A_469 = arith.addi %add3A_238, %add3A_468 : i32
      %get3A_470 = arith.index_cast %add3A_469 : i32 to index
      %get3A_471 = arith.constant 48 : index
      %get3A_472 = tpu.vector_load %arg7[%get3A_470, %get3A_471] {strides = array<i32>} : memref<1080x64xf32, #tpu.memory_space<vmem>>, vector<16xf32>,
      %add3A_473 = arith.addf %add3A_449, %get3A_472 : vector<16xf32>
      %add3A_474 = arith.constant 10 : i32
      %add3A_475 = arith.addi %add3A_238, %add3A_474 : i32
      %get3A_476 = arith.index_cast %add3A_475 : i32 to index
      %get3A_477 = arith.constant 0 : index
      %get3A_478 = tpu.vector_load %arg7[%get3A_476, %get3A_477] {strides = array<i32>} : memref<1080x64xf32, #tpu.memory_space<vmem>>, vector<16xf32>,
      %add3A_479 = arith.addf %add3A_455, %get3A_478 : vector<16xf32>
      %add3A_480 = arith.constant 10 : i32
      %add3A_481 = arith.addi %add3A_238, %add3A_480 : i32
      %get3A_482 = arith.index_cast %add3A_481 : i32 to index
      %get3A_483 = arith.constant 16 : index
      %get3A_484 = tpu.vector_load %arg7[%get3A_482, %get3A_483] {strides = array<i32>} : memref<1080x64xf32, #tpu.memory_space<vmem>>, vector<16xf32>,
      %add3A_485 = arith.addf %add3A_461, %get3A_484 : vector<16xf32>
      %add3A_486 = arith.constant 10 : i32
      %add3A_487 = arith.addi %add3A_238, %add3A_486 : i32
      %get3A_488 = arith.index_cast %add3A_487 : i32 to index
      %get3A_489 = arith.constant 32 : index
      %get3A_490 = tpu.vector_load %arg7[%get3A_488, %get3A_489] {strides = array<i32>} : memref<1080x64xf32, #tpu.memory_space<vmem>>, vector<16xf32>,
      %add3A_491 = arith.addf %add3A_467, %get3A_490 : vector<16xf32>
      %add3A_492 = arith.constant 10 : i32
      %add3A_493 = arith.addi %add3A_238, %add3A_492 : i32
      %get3A_494 = arith.index_cast %add3A_493 : i32 to index
      %get3A_495 = arith.constant 48 : index
      %get3A_496 = tpu.vector_load %arg7[%get3A_494, %get3A_495] {strides = array<i32>} : memref<1080x64xf32, #tpu.memory_space<vmem>>, vector<16xf32>,
      %add3A_497 = arith.addf %add3A_473, %get3A_496 : vector<16xf32>
      %add3A_498 = arith.constant 11 : i32
      %add3A_499 = arith.addi %add3A_238, %add3A_498 : i32
      %get3A_500 = arith.index_cast %add3A_499 : i32 to index
      %get3A_501 = arith.constant 0 : index
      %get3A_502 = tpu.vector_load %arg7[%get3A_500, %get3A_501] {strides = array<i32>} : memref<1080x64xf32, #tpu.memory_space<vmem>>, vector<16xf32>,
      %add3A_503 = arith.addf %add3A_479, %get3A_502 : vector<16xf32>
      %add3A_504 = arith.constant 11 : i32
      %add3A_505 = arith.addi %add3A_238, %add3A_504 : i32
      %get3A_506 = arith.index_cast %add3A_505 : i32 to index
      %get3A_507 = arith.constant 16 : index
      %get3A_508 = tpu.vector_load %arg7[%get3A_506, %get3A_507] {strides = array<i32>} : memref<1080x64xf32, #tpu.memory_space<vmem>>, vector<16xf32>,
      %add3A_509 = arith.addf %add3A_485, %get3A_508 : vector<16xf32>
      %add3A_510 = arith.constant 11 : i32
      %add3A_511 = arith.addi %add3A_238, %add3A_510 : i32
      %get3A_512 = arith.index_cast %add3A_511 : i32 to index
      %get3A_513 = arith.constant 32 : index
      %get3A_514 = tpu.vector_load %arg7[%get3A_512, %get3A_513] {strides = array<i32>} : memref<1080x64xf32, #tpu.memory_space<vmem>>, vector<16xf32>,
      %add3A_515 = arith.addf %add3A_491, %get3A_514 : vector<16xf32>
      %add3A_516 = arith.constant 11 : i32
      %add3A_517 = arith.addi %add3A_238, %add3A_516 : i32
      %get3A_518 = arith.index_cast %add3A_517 : i32 to index
      %get3A_519 = arith.constant 48 : index
      %get3A_520 = tpu.vector_load %arg7[%get3A_518, %get3A_519] {strides = array<i32>} : memref<1080x64xf32, #tpu.memory_space<vmem>>, vector<16xf32>,
      %add3A_521 = arith.addf %add3A_497, %get3A_520 : vector<16xf32>
      %add3A_522 = arith.constant 12 : i32
      %add3A_523 = arith.addi %add3A_238, %add3A_522 : i32
      %get3A_524 = arith.index_cast %add3A_523 : i32 to index
      %get3A_525 = arith.constant 0 : index
      %get3A_526 = tpu.vector_load %arg7[%get3A_524, %get3A_525] {strides = array<i32>} : memref<1080x64xf32, #tpu.memory_space<vmem>>, vector<16xf32>,
      %add3A_527 = arith.addf %add3A_503, %get3A_526 : vector<16xf32>
      %add3A_528 = arith.constant 12 : i32
      %add3A_529 = arith.addi %add3A_238, %add3A_528 : i32
      %get3A_530 = arith.index_cast %add3A_529 : i32 to index
      %get3A_531 = arith.constant 16 : index
      %get3A_532 = tpu.vector_load %arg7[%get3A_530, %get3A_531] {strides = array<i32>} : memref<1080x64xf32, #tpu.memory_space<vmem>>, vector<16xf32>,
      %add3A_533 = arith.addf %add3A_509, %get3A_532 : vector<16xf32>
      %add3A_534 = arith.constant 12 : i32
      %add3A_535 = arith.addi %add3A_238, %add3A_534 : i32
      %get3A_536 = arith.index_cast %add3A_535 : i32 to index
      %get3A_537 = arith.constant 32 : index
      %get3A_538 = tpu.vector_load %arg7[%get3A_536, %get3A_537] {strides = array<i32>} : memref<1080x64xf32, #tpu.memory_space<vmem>>, vector<16xf32>,
      %add3A_539 = arith.addf %add3A_515, %get3A_538 : vector<16xf32>
      %add3A_540 = arith.constant 12 : i32
      %add3A_541 = arith.addi %add3A_238, %add3A_540 : i32
      %get3A_542 = arith.index_cast %add3A_541 : i32 to index
      %get3A_543 = arith.constant 48 : index
      %get3A_544 = tpu.vector_load %arg7[%get3A_542, %get3A_543] {strides = array<i32>} : memref<1080x64xf32, #tpu.memory_space<vmem>>, vector<16xf32>,
      %add3A_545 = arith.addf %add3A_521, %get3A_544 : vector<16xf32>
      %add3A_546 = arith.constant 13 : i32
      %add3A_547 = arith.addi %add3A_238, %add3A_546 : i32
      %get3A_548 = arith.index_cast %add3A_547 : i32 to index
      %get3A_549 = arith.constant 0 : index
      %get3A_550 = tpu.vector_load %arg7[%get3A_548, %get3A_549] {strides = array<i32>} : memref<1080x64xf32, #tpu.memory_space<vmem>>, vector<16xf32>,
      %add3A_551 = arith.addf %add3A_527, %get3A_550 : vector<16xf32>
      %add3A_552 = arith.constant 13 : i32
      %add3A_553 = arith.addi %add3A_238, %add3A_552 : i32
      %get3A_554 = arith.index_cast %add3A_553 : i32 to index
      %get3A_555 = arith.constant 16 : index
      %get3A_556 = tpu.vector_load %arg7[%get3A_554, %get3A_555] {strides = array<i32>} : memref<1080x64xf32, #tpu.memory_space<vmem>>, vector<16xf32>,
      %add3A_557 = arith.addf %add3A_533, %get3A_556 : vector<16xf32>
      %add3A_558 = arith.constant 13 : i32
      %add3A_559 = arith.addi %add3A_238, %add3A_558 : i32
      %get3A_560 = arith.index_cast %add3A_559 : i32 to index
      %get3A_561 = arith.constant 32 : index
      %get3A_562 = tpu.vector_load %arg7[%get3A_560, %get3A_561] {strides = array<i32>} : memref<1080x64xf32, #tpu.memory_space<vmem>>, vector<16xf32>,
      %add3A_563 = arith.addf %add3A_539, %get3A_562 : vector<16xf32>
      %add3A_564 = arith.constant 13 : i32
      %add3A_565 = arith.addi %add3A_238, %add3A_564 : i32
      %get3A_566 = arith.index_cast %add3A_565 : i32 to index
      %get3A_567 = arith.constant 48 : index
      %get3A_568 = tpu.vector_load %arg7[%get3A_566, %get3A_567] {strides = array<i32>} : memref<1080x64xf32, #tpu.memory_space<vmem>>, vector<16xf32>,
      %add3A_569 = arith.addf %add3A_545, %get3A_568 : vector<16xf32>
      %add3A_570 = arith.constant 14 : i32
      %add3A_571 = arith.addi %add3A_238, %add3A_570 : i32
      %get3A_572 = arith.index_cast %add3A_571 : i32 to index
      %get3A_573 = arith.constant 0 : index
      %get3A_574 = tpu.vector_load %arg7[%get3A_572, %get3A_573] {strides = array<i32>} : memref<1080x64xf32, #tpu.memory_space<vmem>>, vector<16xf32>,
      %add3A_575 = arith.addf %add3A_551, %get3A_574 : vector<16xf32>
      %add3A_576 = arith.constant 14 : i32
      %add3A_577 = arith.addi %add3A_238, %add3A_576 : i32
      %get3A_578 = arith.index_cast %add3A_577 : i32 to index
      %get3A_579 = arith.constant 16 : index
      %get3A_580 = tpu.vector_load %arg7[%get3A_578, %get3A_579] {strides = array<i32>} : memref<1080x64xf32, #tpu.memory_space<vmem>>, vector<16xf32>,
      %add3A_581 = arith.addf %add3A_557, %get3A_580 : vector<16xf32>
      %add3A_582 = arith.constant 14 : i32
      %add3A_583 = arith.addi %add3A_238, %add3A_582 : i32
      %get3A_584 = arith.index_cast %add3A_583 : i32 to index
      %get3A_585 = arith.constant 32 : index
      %get3A_586 = tpu.vector_load %arg7[%get3A_584, %get3A_585] {strides = array<i32>} : memref<1080x64xf32, #tpu.memory_space<vmem>>, vector<16xf32>,
      %add3A_587 = arith.addf %add3A_563, %get3A_586 : vector<16xf32>
      %add3A_588 = arith.constant 14 : i32
      %add3A_589 = arith.addi %add3A_238, %add3A_588 : i32
      %get3A_590 = arith.index_cast %add3A_589 : i32 to index
      %get3A_591 = arith.constant 48 : index
      %get3A_592 = tpu.vector_load %arg7[%get3A_590, %get3A_591] {strides = array<i32>} : memref<1080x64xf32, #tpu.memory_space<vmem>>, vector<16xf32>,
      %add3A_593 = arith.addf %add3A_569, %get3A_592 : vector<16xf32>
      %mul3A_594 = arith.constant 0.533333361 : f32
      %mul3A_595 = vector.broadcast %mul3A_594 : f32 to vector<16xf32>
      %mul3A_596 = arith.mulf %add3A_575, %mul3A_595 : vector<16xf32>
      %mul3A_597 = arith.constant 3 : i32
      %mul3A_598 = arith.muli %scan3A_233, %mul3A_597 : i32
      %add3A_599 = arith.constant 0 : i32
      %add3A_600 = arith.addi %mul3A_598, %add3A_599 : i32
      %get3A_601 = arith.index_cast %add3A_600 : i32 to index
      %get3A_602 = arith.constant 0 : index
      %get3A_603 = tpu.vector_load %arg8[%get3A_601, %get3A_602] {strides = array<i32>} : memref<72x64xf32, #tpu.memory_space<vmem>>, vector<16xf32>,
      %add3A_604 = arith.addf %mul3A_596, %get3A_603 : vector<16xf32>
      %mul3A_605 = arith.constant 0.533333361 : f32
      %mul3A_606 = vector.broadcast %mul3A_605 : f32 to vector<16xf32>
      %mul3A_607 = arith.mulf %add3A_581, %mul3A_606 : vector<16xf32>
      %mul3A_608 = arith.constant 3 : i32
      %mul3A_609 = arith.muli %scan3A_233, %mul3A_608 : i32
      %add3A_610 = arith.constant 0 : i32
      %add3A_611 = arith.addi %mul3A_609, %add3A_610 : i32
      %get3A_612 = arith.index_cast %add3A_611 : i32 to index
      %get3A_613 = arith.constant 16 : index
      %get3A_614 = tpu.vector_load %arg8[%get3A_612, %get3A_613] {strides = array<i32>} : memref<72x64xf32, #tpu.memory_space<vmem>>, vector<16xf32>,
      %add3A_615 = arith.addf %mul3A_607, %get3A_614 : vector<16xf32>
      %mul3A_616 = arith.constant 0.533333361 : f32
      %mul3A_617 = vector.broadcast %mul3A_616 : f32 to vector<16xf32>
      %mul3A_618 = arith.mulf %add3A_587, %mul3A_617 : vector<16xf32>
      %mul3A_619 = arith.constant 3 : i32
      %mul3A_620 = arith.muli %scan3A_233, %mul3A_619 : i32
      %add3A_621 = arith.constant 0 : i32
      %add3A_622 = arith.addi %mul3A_620, %add3A_621 : i32
      %get3A_623 = arith.index_cast %add3A_622 : i32 to index
      %get3A_624 = arith.constant 32 : index
      %get3A_625 = tpu.vector_load %arg8[%get3A_623, %get3A_624] {strides = array<i32>} : memref<72x64xf32, #tpu.memory_space<vmem>>, vector<16xf32>,
      %add3A_626 = arith.addf %mul3A_618, %get3A_625 : vector<16xf32>
      %mul3A_627 = arith.constant 0.533333361 : f32
      %mul3A_628 = vector.broadcast %mul3A_627 : f32 to vector<16xf32>
      %mul3A_629 = arith.mulf %add3A_593, %mul3A_628 : vector<16xf32>
      %mul3A_630 = arith.constant 3 : i32
      %mul3A_631 = arith.muli %scan3A_233, %mul3A_630 : i32
      %add3A_632 = arith.constant 0 : i32
      %add3A_633 = arith.addi %mul3A_631, %add3A_632 : i32
      %get3A_634 = arith.index_cast %add3A_633 : i32 to index
      %get3A_635 = arith.constant 48 : index
      %get3A_636 = tpu.vector_load %arg8[%get3A_634, %get3A_635] {strides = array<i32>} : memref<72x64xf32, #tpu.memory_space<vmem>>, vector<16xf32>,
      %add3A_637 = arith.addf %mul3A_629, %get3A_636 : vector<16xf32>
      %add3A_638 = arith.constant 15 : i32
      %add3A_639 = arith.addi %mul3A_236, %add3A_638 : i32
      %add3A_640 = arith.constant 0 : i32
      %add3A_641 = arith.addi %add3A_639, %add3A_640 : i32
      %get3A_642 = arith.index_cast %add3A_641 : i32 to index
      %get3A_643 = arith.constant 0 : index
      %get3A_644 = tpu.vector_load %arg7[%get3A_642, %get3A_643] {strides = array<i32>} : memref<1080x64xf32, #tpu.memory_space<vmem>>, vector<16xf32>,
      %add3A_645 = arith.constant 0 : i32
      %add3A_646 = arith.addi %add3A_639, %add3A_645 : i32
      %get3A_647 = arith.index_cast %add3A_646 : i32 to index
      %get3A_648 = arith.constant 16 : index
      %get3A_649 = tpu.vector_load %arg7[%get3A_647, %get3A_648] {strides = array<i32>} : memref<1080x64xf32, #tpu.memory_space<vmem>>, vector<16xf32>,
      %add3A_650 = arith.constant 0 : i32
      %add3A_651 = arith.addi %add3A_639, %add3A_650 : i32
      %get3A_652 = arith.index_cast %add3A_651 : i32 to index
      %get3A_653 = arith.constant 32 : index
      %get3A_654 = tpu.vector_load %arg7[%get3A_652, %get3A_653] {strides = array<i32>} : memref<1080x64xf32, #tpu.memory_space<vmem>>, vector<16xf32>,
      %add3A_655 = arith.constant 0 : i32
      %add3A_656 = arith.addi %add3A_639, %add3A_655 : i32
      %get3A_657 = arith.index_cast %add3A_656 : i32 to index
      %get3A_658 = arith.constant 48 : index
      %get3A_659 = tpu.vector_load %arg7[%get3A_657, %get3A_658] {strides = array<i32>} : memref<1080x64xf32, #tpu.memory_space<vmem>>, vector<16xf32>,
      %add3A_660 = arith.constant 1 : i32
      %add3A_661 = arith.addi %add3A_639, %add3A_660 : i32
      %get3A_662 = arith.index_cast %add3A_661 : i32 to index
      %get3A_663 = arith.constant 0 : index
      %get3A_664 = tpu.vector_load %arg7[%get3A_662, %get3A_663] {strides = array<i32>} : memref<1080x64xf32, #tpu.memory_space<vmem>>, vector<16xf32>,
      %add3A_665 = arith.addf %get3A_644, %get3A_664 : vector<16xf32>
      %add3A_666 = arith.constant 1 : i32
      %add3A_667 = arith.addi %add3A_639, %add3A_666 : i32
      %get3A_668 = arith.index_cast %add3A_667 : i32 to index
      %get3A_669 = arith.constant 16 : index
      %get3A_670 = tpu.vector_load %arg7[%get3A_668, %get3A_669] {strides = array<i32>} : memref<1080x64xf32, #tpu.memory_space<vmem>>, vector<16xf32>,
      %add3A_671 = arith.addf %get3A_649, %get3A_670 : vector<16xf32>
      %add3A_672 = arith.constant 1 : i32
      %add3A_673 = arith.addi %add3A_639, %add3A_672 : i32
      %get3A_674 = arith.index_cast %add3A_673 : i32 to index
      %get3A_675 = arith.constant 32 : index
      %get3A_676 = tpu.vector_load %arg7[%get3A_674, %get3A_675] {strides = array<i32>} : memref<1080x64xf32, #tpu.memory_space<vmem>>, vector<16xf32>,
      %add3A_677 = arith.addf %get3A_654, %get3A_676 : vector<16xf32>
      %add3A_678 = arith.constant 1 : i32
      %add3A_679 = arith.addi %add3A_639, %add3A_678 : i32
      %get3A_680 = arith.index_cast %add3A_679 : i32 to index
      %get3A_681 = arith.constant 48 : index
      %get3A_682 = tpu.vector_load %arg7[%get3A_680, %get3A_681] {strides = array<i32>} : memref<1080x64xf32, #tpu.memory_space<vmem>>, vector<16xf32>,
      %add3A_683 = arith.addf %get3A_659, %get3A_682 : vector<16xf32>
      %add3A_684 = arith.constant 2 : i32
      %add3A_685 = arith.addi %add3A_639, %add3A_684 : i32
      %get3A_686 = arith.index_cast %add3A_685 : i32 to index
      %get3A_687 = arith.constant 0 : index
      %get3A_688 = tpu.vector_load %arg7[%get3A_686, %get3A_687] {strides = array<i32>} : memref<1080x64xf32, #tpu.memory_space<vmem>>, vector<16xf32>,
      %add3A_689 = arith.addf %add3A_665, %get3A_688 : vector<16xf32>
      %add3A_690 = arith.constant 2 : i32
      %add3A_691 = arith.addi %add3A_639, %add3A_690 : i32
      %get3A_692 = arith.index_cast %add3A_691 : i32 to index
      %get3A_693 = arith.constant 16 : index
      %get3A_694 = tpu.vector_load %arg7[%get3A_692, %get3A_693] {strides = array<i32>} : memref<1080x64xf32, #tpu.memory_space<vmem>>, vector<16xf32>,
      %add3A_695 = arith.addf %add3A_671, %get3A_694 : vector<16xf32>
      %add3A_696 = arith.constant 2 : i32
      %add3A_697 = arith.addi %add3A_639, %add3A_696 : i32
      %get3A_698 = arith.index_cast %add3A_697 : i32 to index
      %get3A_699 = arith.constant 32 : index
      %get3A_700 = tpu.vector_load %arg7[%get3A_698, %get3A_699] {strides = array<i32>} : memref<1080x64xf32, #tpu.memory_space<vmem>>, vector<16xf32>,
      %add3A_701 = arith.addf %add3A_677, %get3A_700 : vector<16xf32>
      %add3A_702 = arith.constant 2 : i32
      %add3A_703 = arith.addi %add3A_639, %add3A_702 : i32
      %get3A_704 = arith.index_cast %add3A_703 : i32 to index
      %get3A_705 = arith.constant 48 : index
      %get3A_706 = tpu.vector_load %arg7[%get3A_704, %get3A_705] {strides = array<i32>} : memref<1080x64xf32, #tpu.memory_space<vmem>>, vector<16xf32>,
      %add3A_707 = arith.addf %add3A_683, %get3A_706 : vector<16xf32>
      %add3A_708 = arith.constant 3 : i32
      %add3A_709 = arith.addi %add3A_639, %add3A_708 : i32
      %get3A_710 = arith.index_cast %add3A_709 : i32 to index
      %get3A_711 = arith.constant 0 : index
      %get3A_712 = tpu.vector_load %arg7[%get3A_710, %get3A_711] {strides = array<i32>} : memref<1080x64xf32, #tpu.memory_space<vmem>>, vector<16xf32>,
      %add3A_713 = arith.addf %add3A_689, %get3A_712 : vector<16xf32>
      %add3A_714 = arith.constant 3 : i32
      %add3A_715 = arith.addi %add3A_639, %add3A_714 : i32
      %get3A_716 = arith.index_cast %add3A_715 : i32 to index
      %get3A_717 = arith.constant 16 : index
      %get3A_718 = tpu.vector_load %arg7[%get3A_716, %get3A_717] {strides = array<i32>} : memref<1080x64xf32, #tpu.memory_space<vmem>>, vector<16xf32>,
      %add3A_719 = arith.addf %add3A_695, %get3A_718 : vector<16xf32>
      %add3A_720 = arith.constant 3 : i32
      %add3A_721 = arith.addi %add3A_639, %add3A_720 : i32
      %get3A_722 = arith.index_cast %add3A_721 : i32 to index
      %get3A_723 = arith.constant 32 : index
      %get3A_724 = tpu.vector_load %arg7[%get3A_722, %get3A_723] {strides = array<i32>} : memref<1080x64xf32, #tpu.memory_space<vmem>>, vector<16xf32>,
      %add3A_725 = arith.addf %add3A_701, %get3A_724 : vector<16xf32>
      %add3A_726 = arith.constant 3 : i32
      %add3A_727 = arith.addi %add3A_639, %add3A_726 : i32
      %get3A_728 = arith.index_cast %add3A_727 : i32 to index
      %get3A_729 = arith.constant 48 : index
      %get3A_730 = tpu.vector_load %arg7[%get3A_728, %get3A_729] {strides = array<i32>} : memref<1080x64xf32, #tpu.memory_space<vmem>>, vector<16xf32>,
      %add3A_731 = arith.addf %add3A_707, %get3A_730 : vector<16xf32>
      %add3A_732 = arith.constant 4 : i32
      %add3A_733 = arith.addi %add3A_639, %add3A_732 : i32
      %get3A_734 = arith.index_cast %add3A_733 : i32 to index
      %get3A_735 = arith.constant 0 : index
      %get3A_736 = tpu.vector_load %arg7[%get3A_734, %get3A_735] {strides = array<i32>} : memref<1080x64xf32, #tpu.memory_space<vmem>>, vector<16xf32>,
      %add3A_737 = arith.addf %add3A_713, %get3A_736 : vector<16xf32>
      %add3A_738 = arith.constant 4 : i32
      %add3A_739 = arith.addi %add3A_639, %add3A_738 : i32
      %get3A_740 = arith.index_cast %add3A_739 : i32 to index
      %get3A_741 = arith.constant 16 : index
      %get3A_742 = tpu.vector_load %arg7[%get3A_740, %get3A_741] {strides = array<i32>} : memref<1080x64xf32, #tpu.memory_space<vmem>>, vector<16xf32>,
      %add3A_743 = arith.addf %add3A_719, %get3A_742 : vector<16xf32>
      %add3A_744 = arith.constant 4 : i32
      %add3A_745 = arith.addi %add3A_639, %add3A_744 : i32
      %get3A_746 = arith.index_cast %add3A_745 : i32 to index
      %get3A_747 = arith.constant 32 : index
      %get3A_748 = tpu.vector_load %arg7[%get3A_746, %get3A_747] {strides = array<i32>} : memref<1080x64xf32, #tpu.memory_space<vmem>>, vector<16xf32>,
      %add3A_749 = arith.addf %add3A_725, %get3A_748 : vector<16xf32>
      %add3A_750 = arith.constant 4 : i32
      %add3A_751 = arith.addi %add3A_639, %add3A_750 : i32
      %get3A_752 = arith.index_cast %add3A_751 : i32 to index
      %get3A_753 = arith.constant 48 : index
      %get3A_754 = tpu.vector_load %arg7[%get3A_752, %get3A_753] {strides = array<i32>} : memref<1080x64xf32, #tpu.memory_space<vmem>>, vector<16xf32>,
      %add3A_755 = arith.addf %add3A_731, %get3A_754 : vector<16xf32>
      %add3A_756 = arith.constant 5 : i32
      %add3A_757 = arith.addi %add3A_639, %add3A_756 : i32
      %get3A_758 = arith.index_cast %add3A_757 : i32 to index
      %get3A_759 = arith.constant 0 : index
      %get3A_760 = tpu.vector_load %arg7[%get3A_758, %get3A_759] {strides = array<i32>} : memref<1080x64xf32, #tpu.memory_space<vmem>>, vector<16xf32>,
      %add3A_761 = arith.addf %add3A_737, %get3A_760 : vector<16xf32>
      %add3A_762 = arith.constant 5 : i32
      %add3A_763 = arith.addi %add3A_639, %add3A_762 : i32
      %get3A_764 = arith.index_cast %add3A_763 : i32 to index
      %get3A_765 = arith.constant 16 : index
      %get3A_766 = tpu.vector_load %arg7[%get3A_764, %get3A_765] {strides = array<i32>} : memref<1080x64xf32, #tpu.memory_space<vmem>>, vector<16xf32>,
      %add3A_767 = arith.addf %add3A_743, %get3A_766 : vector<16xf32>
      %add3A_768 = arith.constant 5 : i32
      %add3A_769 = arith.addi %add3A_639, %add3A_768 : i32
      %get3A_770 = arith.index_cast %add3A_769 : i32 to index
      %get3A_771 = arith.constant 32 : index
      %get3A_772 = tpu.vector_load %arg7[%get3A_770, %get3A_771] {strides = array<i32>} : memref<1080x64xf32, #tpu.memory_space<vmem>>, vector<16xf32>,
      %add3A_773 = arith.addf %add3A_749, %get3A_772 : vector<16xf32>
      %add3A_774 = arith.constant 5 : i32
      %add3A_775 = arith.addi %add3A_639, %add3A_774 : i32
      %get3A_776 = arith.index_cast %add3A_775 : i32 to index
      %get3A_777 = arith.constant 48 : index
      %get3A_778 = tpu.vector_load %arg7[%get3A_776, %get3A_777] {strides = array<i32>} : memref<1080x64xf32, #tpu.memory_space<vmem>>, vector<16xf32>,
      %add3A_779 = arith.addf %add3A_755, %get3A_778 : vector<16xf32>
      %add3A_780 = arith.constant 6 : i32
      %add3A_781 = arith.addi %add3A_639, %add3A_780 : i32
      %get3A_782 = arith.index_cast %add3A_781 : i32 to index
      %get3A_783 = arith.constant 0 : index
      %get3A_784 = tpu.vector_load %arg7[%get3A_782, %get3A_783] {strides = array<i32>} : memref<1080x64xf32, #tpu.memory_space<vmem>>, vector<16xf32>,
      %add3A_785 = arith.addf %add3A_761, %get3A_784 : vector<16xf32>
      %add3A_786 = arith.constant 6 : i32
      %add3A_787 = arith.addi %add3A_639, %add3A_786 : i32
      %get3A_788 = arith.index_cast %add3A_787 : i32 to index
      %get3A_789 = arith.constant 16 : index
      %get3A_790 = tpu.vector_load %arg7[%get3A_788, %get3A_789] {strides = array<i32>} : memref<1080x64xf32, #tpu.memory_space<vmem>>, vector<16xf32>,
      %add3A_791 = arith.addf %add3A_767, %get3A_790 : vector<16xf32>
      %add3A_792 = arith.constant 6 : i32
      %add3A_793 = arith.addi %add3A_639, %add3A_792 : i32
      %get3A_794 = arith.index_cast %add3A_793 : i32 to index
      %get3A_795 = arith.constant 32 : index
      %get3A_796 = tpu.vector_load %arg7[%get3A_794, %get3A_795] {strides = array<i32>} : memref<1080x64xf32, #tpu.memory_space<vmem>>, vector<16xf32>,
      %add3A_797 = arith.addf %add3A_773, %get3A_796 : vector<16xf32>
      %add3A_798 = arith.constant 6 : i32
      %add3A_799 = arith.addi %add3A_639, %add3A_798 : i32
      %get3A_800 = arith.index_cast %add3A_799 : i32 to index
      %get3A_801 = arith.constant 48 : index
      %get3A_802 = tpu.vector_load %arg7[%get3A_800, %get3A_801] {strides = array<i32>} : memref<1080x64xf32, #tpu.memory_space<vmem>>, vector<16xf32>,
      %add3A_803 = arith.addf %add3A_779, %get3A_802 : vector<16xf32>
      %add3A_804 = arith.constant 7 : i32
      %add3A_805 = arith.addi %add3A_639, %add3A_804 : i32
      %get3A_806 = arith.index_cast %add3A_805 : i32 to index
      %get3A_807 = arith.constant 0 : index
      %get3A_808 = tpu.vector_load %arg7[%get3A_806, %get3A_807] {strides = array<i32>} : memref<1080x64xf32, #tpu.memory_space<vmem>>, vector<16xf32>,
      %add3A_809 = arith.addf %add3A_785, %get3A_808 : vector<16xf32>
      %add3A_810 = arith.constant 7 : i32
      %add3A_811 = arith.addi %add3A_639, %add3A_810 : i32
      %get3A_812 = arith.index_cast %add3A_811 : i32 to index
      %get3A_813 = arith.constant 16 : index
      %get3A_814 = tpu.vector_load %arg7[%get3A_812, %get3A_813] {strides = array<i32>} : memref<1080x64xf32, #tpu.memory_space<vmem>>, vector<16xf32>,
      %add3A_815 = arith.addf %add3A_791, %get3A_814 : vector<16xf32>
      %add3A_816 = arith.constant 7 : i32
      %add3A_817 = arith.addi %add3A_639, %add3A_816 : i32
      %get3A_818 = arith.index_cast %add3A_817 : i32 to index
      %get3A_819 = arith.constant 32 : index
      %get3A_820 = tpu.vector_load %arg7[%get3A_818, %get3A_819] {strides = array<i32>} : memref<1080x64xf32, #tpu.memory_space<vmem>>, vector<16xf32>,
      %add3A_821 = arith.addf %add3A_797, %get3A_820 : vector<16xf32>
      %add3A_822 = arith.constant 7 : i32
      %add3A_823 = arith.addi %add3A_639, %add3A_822 : i32
      %get3A_824 = arith.index_cast %add3A_823 : i32 to index
      %get3A_825 = arith.constant 48 : index
      %get3A_826 = tpu.vector_load %arg7[%get3A_824, %get3A_825] {strides = array<i32>} : memref<1080x64xf32, #tpu.memory_space<vmem>>, vector<16xf32>,
      %add3A_827 = arith.addf %add3A_803, %get3A_826 : vector<16xf32>
      %add3A_828 = arith.constant 8 : i32
      %add3A_829 = arith.addi %add3A_639, %add3A_828 : i32
      %get3A_830 = arith.index_cast %add3A_829 : i32 to index
      %get3A_831 = arith.constant 0 : index
      %get3A_832 = tpu.vector_load %arg7[%get3A_830, %get3A_831] {strides = array<i32>} : memref<1080x64xf32, #tpu.memory_space<vmem>>, vector<16xf32>,
      %add3A_833 = arith.addf %add3A_809, %get3A_832 : vector<16xf32>
      %add3A_834 = arith.constant 8 : i32
      %add3A_835 = arith.addi %add3A_639, %add3A_834 : i32
      %get3A_836 = arith.index_cast %add3A_835 : i32 to index
      %get3A_837 = arith.constant 16 : index
      %get3A_838 = tpu.vector_load %arg7[%get3A_836, %get3A_837] {strides = array<i32>} : memref<1080x64xf32, #tpu.memory_space<vmem>>, vector<16xf32>,
      %add3A_839 = arith.addf %add3A_815, %get3A_838 : vector<16xf32>
      %add3A_840 = arith.constant 8 : i32
      %add3A_841 = arith.addi %add3A_639, %add3A_840 : i32
      %get3A_842 = arith.index_cast %add3A_841 : i32 to index
      %get3A_843 = arith.constant 32 : index
      %get3A_844 = tpu.vector_load %arg7[%get3A_842, %get3A_843] {strides = array<i32>} : memref<1080x64xf32, #tpu.memory_space<vmem>>, vector<16xf32>,
      %add3A_845 = arith.addf %add3A_821, %get3A_844 : vector<16xf32>
      %add3A_846 = arith.constant 8 : i32
      %add3A_847 = arith.addi %add3A_639, %add3A_846 : i32
      %get3A_848 = arith.index_cast %add3A_847 : i32 to index
      %get3A_849 = arith.constant 48 : index
      %get3A_850 = tpu.vector_load %arg7[%get3A_848, %get3A_849] {strides = array<i32>} : memref<1080x64xf32, #tpu.memory_space<vmem>>, vector<16xf32>,
      %add3A_851 = arith.addf %add3A_827, %get3A_850 : vector<16xf32>
      %add3A_852 = arith.constant 9 : i32
      %add3A_853 = arith.addi %add3A_639, %add3A_852 : i32
      %get3A_854 = arith.index_cast %add3A_853 : i32 to index
      %get3A_855 = arith.constant 0 : index
      %get3A_856 = tpu.vector_load %arg7[%get3A_854, %get3A_855] {strides = array<i32>} : memref<1080x64xf32, #tpu.memory_space<vmem>>, vector<16xf32>,
      %add3A_857 = arith.addf %add3A_833, %get3A_856 : vector<16xf32>
      %add3A_858 = arith.constant 9 : i32
      %add3A_859 = arith.addi %add3A_639, %add3A_858 : i32
      %get3A_860 = arith.index_cast %add3A_859 : i32 to index
      %get3A_861 = arith.constant 16 : index
      %get3A_862 = tpu.vector_load %arg7[%get3A_860, %get3A_861] {strides = array<i32>} : memref<1080x64xf32, #tpu.memory_space<vmem>>, vector<16xf32>,
      %add3A_863 = arith.addf %add3A_839, %get3A_862 : vector<16xf32>
      %add3A_864 = arith.constant 9 : i32
      %add3A_865 = arith.addi %add3A_639, %add3A_864 : i32
      %get3A_866 = arith.index_cast %add3A_865 : i32 to index
      %get3A_867 = arith.constant 32 : index
      %get3A_868 = tpu.vector_load %arg7[%get3A_866, %get3A_867] {strides = array<i32>} : memref<1080x64xf32, #tpu.memory_space<vmem>>, vector<16xf32>,
      %add3A_869 = arith.addf %add3A_845, %get3A_868 : vector<16xf32>
      %add3A_870 = arith.constant 9 : i32
      %add3A_871 = arith.addi %add3A_639, %add3A_870 : i32
      %get3A_872 = arith.index_cast %add3A_871 : i32 to index
      %get3A_873 = arith.constant 48 : index
      %get3A_874 = tpu.vector_load %arg7[%get3A_872, %get3A_873] {strides = array<i32>} : memref<1080x64xf32, #tpu.memory_space<vmem>>, vector<16xf32>,
      %add3A_875 = arith.addf %add3A_851, %get3A_874 : vector<16xf32>
      %add3A_876 = arith.constant 10 : i32
      %add3A_877 = arith.addi %add3A_639, %add3A_876 : i32
      %get3A_878 = arith.index_cast %add3A_877 : i32 to index
      %get3A_879 = arith.constant 0 : index
      %get3A_880 = tpu.vector_load %arg7[%get3A_878, %get3A_879] {strides = array<i32>} : memref<1080x64xf32, #tpu.memory_space<vmem>>, vector<16xf32>,
      %add3A_881 = arith.addf %add3A_857, %get3A_880 : vector<16xf32>
      %add3A_882 = arith.constant 10 : i32
      %add3A_883 = arith.addi %add3A_639, %add3A_882 : i32
      %get3A_884 = arith.index_cast %add3A_883 : i32 to index
      %get3A_885 = arith.constant 16 : index
      %get3A_886 = tpu.vector_load %arg7[%get3A_884, %get3A_885] {strides = array<i32>} : memref<1080x64xf32, #tpu.memory_space<vmem>>, vector<16xf32>,
      %add3A_887 = arith.addf %add3A_863, %get3A_886 : vector<16xf32>
      %add3A_888 = arith.constant 10 : i32
      %add3A_889 = arith.addi %add3A_639, %add3A_888 : i32
      %get3A_890 = arith.index_cast %add3A_889 : i32 to index
      %get3A_891 = arith.constant 32 : index
      %get3A_892 = tpu.vector_load %arg7[%get3A_890, %get3A_891] {strides = array<i32>} : memref<1080x64xf32, #tpu.memory_space<vmem>>, vector<16xf32>,
      %add3A_893 = arith.addf %add3A_869, %get3A_892 : vector<16xf32>
      %add3A_894 = arith.constant 10 : i32
      %add3A_895 = arith.addi %add3A_639, %add3A_894 : i32
      %get3A_896 = arith.index_cast %add3A_895 : i32 to index
      %get3A_897 = arith.constant 48 : index
      %get3A_898 = tpu.vector_load %arg7[%get3A_896, %get3A_897] {strides = array<i32>} : memref<1080x64xf32, #tpu.memory_space<vmem>>, vector<16xf32>,
      %add3A_899 = arith.addf %add3A_875, %get3A_898 : vector<16xf32>
      %add3A_900 = arith.constant 11 : i32
      %add3A_901 = arith.addi %add3A_639, %add3A_900 : i32
      %get3A_902 = arith.index_cast %add3A_901 : i32 to index
      %get3A_903 = arith.constant 0 : index
      %get3A_904 = tpu.vector_load %arg7[%get3A_902, %get3A_903] {strides = array<i32>} : memref<1080x64xf32, #tpu.memory_space<vmem>>, vector<16xf32>,
      %add3A_905 = arith.addf %add3A_881, %get3A_904 : vector<16xf32>
      %add3A_906 = arith.constant 11 : i32
      %add3A_907 = arith.addi %add3A_639, %add3A_906 : i32
      %get3A_908 = arith.index_cast %add3A_907 : i32 to index
      %get3A_909 = arith.constant 16 : index
      %get3A_910 = tpu.vector_load %arg7[%get3A_908, %get3A_909] {strides = array<i32>} : memref<1080x64xf32, #tpu.memory_space<vmem>>, vector<16xf32>,
      %add3A_911 = arith.addf %add3A_887, %get3A_910 : vector<16xf32>
      %add3A_912 = arith.constant 11 : i32
      %add3A_913 = arith.addi %add3A_639, %add3A_912 : i32
      %get3A_914 = arith.index_cast %add3A_913 : i32 to index
      %get3A_915 = arith.constant 32 : index
      %get3A_916 = tpu.vector_load %arg7[%get3A_914, %get3A_915] {strides = array<i32>} : memref<1080x64xf32, #tpu.memory_space<vmem>>, vector<16xf32>,
      %add3A_917 = arith.addf %add3A_893, %get3A_916 : vector<16xf32>
      %add3A_918 = arith.constant 11 : i32
      %add3A_919 = arith.addi %add3A_639, %add3A_918 : i32
      %get3A_920 = arith.index_cast %add3A_919 : i32 to index
      %get3A_921 = arith.constant 48 : index
      %get3A_922 = tpu.vector_load %arg7[%get3A_920, %get3A_921] {strides = array<i32>} : memref<1080x64xf32, #tpu.memory_space<vmem>>, vector<16xf32>,
      %add3A_923 = arith.addf %add3A_899, %get3A_922 : vector<16xf32>
      %add3A_924 = arith.constant 12 : i32
      %add3A_925 = arith.addi %add3A_639, %add3A_924 : i32
      %get3A_926 = arith.index_cast %add3A_925 : i32 to index
      %get3A_927 = arith.constant 0 : index
      %get3A_928 = tpu.vector_load %arg7[%get3A_926, %get3A_927] {strides = array<i32>} : memref<1080x64xf32, #tpu.memory_space<vmem>>, vector<16xf32>,
      %add3A_929 = arith.addf %add3A_905, %get3A_928 : vector<16xf32>
      %add3A_930 = arith.constant 12 : i32
      %add3A_931 = arith.addi %add3A_639, %add3A_930 : i32
      %get3A_932 = arith.index_cast %add3A_931 : i32 to index
      %get3A_933 = arith.constant 16 : index
      %get3A_934 = tpu.vector_load %arg7[%get3A_932, %get3A_933] {strides = array<i32>} : memref<1080x64xf32, #tpu.memory_space<vmem>>, vector<16xf32>,
      %add3A_935 = arith.addf %add3A_911, %get3A_934 : vector<16xf32>
      %add3A_936 = arith.constant 12 : i32
      %add3A_937 = arith.addi %add3A_639, %add3A_936 : i32
      %get3A_938 = arith.index_cast %add3A_937 : i32 to index
      %get3A_939 = arith.constant 32 : index
      %get3A_940 = tpu.vector_load %arg7[%get3A_938, %get3A_939] {strides = array<i32>} : memref<1080x64xf32, #tpu.memory_space<vmem>>, vector<16xf32>,
      %add3A_941 = arith.addf %add3A_917, %get3A_940 : vector<16xf32>
      %add3A_942 = arith.constant 12 : i32
      %add3A_943 = arith.addi %add3A_639, %add3A_942 : i32
      %get3A_944 = arith.index_cast %add3A_943 : i32 to index
      %get3A_945 = arith.constant 48 : index
      %get3A_946 = tpu.vector_load %arg7[%get3A_944, %get3A_945] {strides = array<i32>} : memref<1080x64xf32, #tpu.memory_space<vmem>>, vector<16xf32>,
      %add3A_947 = arith.addf %add3A_923, %get3A_946 : vector<16xf32>
      %add3A_948 = arith.constant 13 : i32
      %add3A_949 = arith.addi %add3A_639, %add3A_948 : i32
      %get3A_950 = arith.index_cast %add3A_949 : i32 to index
      %get3A_951 = arith.constant 0 : index
      %get3A_952 = tpu.vector_load %arg7[%get3A_950, %get3A_951] {strides = array<i32>} : memref<1080x64xf32, #tpu.memory_space<vmem>>, vector<16xf32>,
      %add3A_953 = arith.addf %add3A_929, %get3A_952 : vector<16xf32>
      %add3A_954 = arith.constant 13 : i32
      %add3A_955 = arith.addi %add3A_639, %add3A_954 : i32
      %get3A_956 = arith.index_cast %add3A_955 : i32 to index
      %get3A_957 = arith.constant 16 : index
      %get3A_958 = tpu.vector_load %arg7[%get3A_956, %get3A_957] {strides = array<i32>} : memref<1080x64xf32, #tpu.memory_space<vmem>>, vector<16xf32>,
      %add3A_959 = arith.addf %add3A_935, %get3A_958 : vector<16xf32>
      %add3A_960 = arith.constant 13 : i32
      %add3A_961 = arith.addi %add3A_639, %add3A_960 : i32
      %get3A_962 = arith.index_cast %add3A_961 : i32 to index
      %get3A_963 = arith.constant 32 : index
      %get3A_964 = tpu.vector_load %arg7[%get3A_962, %get3A_963] {strides = array<i32>} : memref<1080x64xf32, #tpu.memory_space<vmem>>, vector<16xf32>,
      %add3A_965 = arith.addf %add3A_941, %get3A_964 : vector<16xf32>
      %add3A_966 = arith.constant 13 : i32
      %add3A_967 = arith.addi %add3A_639, %add3A_966 : i32
      %get3A_968 = arith.index_cast %add3A_967 : i32 to index
      %get3A_969 = arith.constant 48 : index
      %get3A_970 = tpu.vector_load %arg7[%get3A_968, %get3A_969] {strides = array<i32>} : memref<1080x64xf32, #tpu.memory_space<vmem>>, vector<16xf32>,
      %add3A_971 = arith.addf %add3A_947, %get3A_970 : vector<16xf32>
      %add3A_972 = arith.constant 14 : i32
      %add3A_973 = arith.addi %add3A_639, %add3A_972 : i32
      %get3A_974 = arith.index_cast %add3A_973 : i32 to index
      %get3A_975 = arith.constant 0 : index
      %get3A_976 = tpu.vector_load %arg7[%get3A_974, %get3A_975] {strides = array<i32>} : memref<1080x64xf32, #tpu.memory_space<vmem>>, vector<16xf32>,
      %add3A_977 = arith.addf %add3A_953, %get3A_976 : vector<16xf32>
      %add3A_978 = arith.constant 14 : i32
      %add3A_979 = arith.addi %add3A_639, %add3A_978 : i32
      %get3A_980 = arith.index_cast %add3A_979 : i32 to index
      %get3A_981 = arith.constant 16 : index
      %get3A_982 = tpu.vector_load %arg7[%get3A_980, %get3A_981] {strides = array<i32>} : memref<1080x64xf32, #tpu.memory_space<vmem>>, vector<16xf32>,
      %add3A_983 = arith.addf %add3A_959, %get3A_982 : vector<16xf32>
      %add3A_984 = arith.constant 14 : i32
      %add3A_985 = arith.addi %add3A_639, %add3A_984 : i32
      %get3A_986 = arith.index_cast %add3A_985 : i32 to index
      %get3A_987 = arith.constant 32 : index
      %get3A_988 = tpu.vector_load %arg7[%get3A_986, %get3A_987] {strides = array<i32>} : memref<1080x64xf32, #tpu.memory_space<vmem>>, vector<16xf32>,
      %add3A_989 = arith.addf %add3A_965, %get3A_988 : vector<16xf32>
      %add3A_990 = arith.constant 14 : i32
      %add3A_991 = arith.addi %add3A_639, %add3A_990 : i32
      %get3A_992 = arith.index_cast %add3A_991 : i32 to index
      %get3A_993 = arith.constant 48 : index
      %get3A_994 = tpu.vector_load %arg7[%get3A_992, %get3A_993] {strides = array<i32>} : memref<1080x64xf32, #tpu.memory_space<vmem>>, vector<16xf32>,
      %add3A_995 = arith.addf %add3A_971, %get3A_994 : vector<16xf32>
      %mul3A_996 = arith.constant 0.533333361 : f32
      %mul3A_997 = vector.broadcast %mul3A_996 : f32 to vector<16xf32>
      %mul3A_998 = arith.mulf %add3A_977, %mul3A_997 : vector<16xf32>
      %mul3A_999 = arith.constant 3 : i32
      %mul3A_1000 = arith.muli %scan3A_233, %mul3A_999 : i32
      %add3A_1001 = arith.constant 1 : i32
      %add3A_1002 = arith.addi %mul3A_1000, %add3A_1001 : i32
      %get3A_1003 = arith.index_cast %add3A_1002 : i32 to index
      %get3A_1004 = arith.constant 0 : index
      %get3A_1005 = tpu.vector_load %arg8[%get3A_1003, %get3A_1004] {strides = array<i32>} : memref<72x64xf32, #tpu.memory_space<vmem>>, vector<16xf32>,
      %add3A_1006 = arith.addf %mul3A_998, %get3A_1005 : vector<16xf32>
      %mul3A_1007 = arith.constant 0.533333361 : f32
      %mul3A_1008 = vector.broadcast %mul3A_1007 : f32 to vector<16xf32>
      %mul3A_1009 = arith.mulf %add3A_983, %mul3A_1008 : vector<16xf32>
      %mul3A_1010 = arith.constant 3 : i32
      %mul3A_1011 = arith.muli %scan3A_233, %mul3A_1010 : i32
      %add3A_1012 = arith.constant 1 : i32
      %add3A_1013 = arith.addi %mul3A_1011, %add3A_1012 : i32
      %get3A_1014 = arith.index_cast %add3A_1013 : i32 to index
      %get3A_1015 = arith.constant 16 : index
      %get3A_1016 = tpu.vector_load %arg8[%get3A_1014, %get3A_1015] {strides = array<i32>} : memref<72x64xf32, #tpu.memory_space<vmem>>, vector<16xf32>,
      %add3A_1017 = arith.addf %mul3A_1009, %get3A_1016 : vector<16xf32>
      %mul3A_1018 = arith.constant 0.533333361 : f32
      %mul3A_1019 = vector.broadcast %mul3A_1018 : f32 to vector<16xf32>
      %mul3A_1020 = arith.mulf %add3A_989, %mul3A_1019 : vector<16xf32>
      %mul3A_1021 = arith.constant 3 : i32
      %mul3A_1022 = arith.muli %scan3A_233, %mul3A_1021 : i32
      %add3A_1023 = arith.constant 1 : i32
      %add3A_1024 = arith.addi %mul3A_1022, %add3A_1023 : i32
      %get3A_1025 = arith.index_cast %add3A_1024 : i32 to index
      %get3A_1026 = arith.constant 32 : index
      %get3A_1027 = tpu.vector_load %arg8[%get3A_1025, %get3A_1026] {strides = array<i32>} : memref<72x64xf32, #tpu.memory_space<vmem>>, vector<16xf32>,
      %add3A_1028 = arith.addf %mul3A_1020, %get3A_1027 : vector<16xf32>
      %mul3A_1029 = arith.constant 0.533333361 : f32
      %mul3A_1030 = vector.broadcast %mul3A_1029 : f32 to vector<16xf32>
      %mul3A_1031 = arith.mulf %add3A_995, %mul3A_1030 : vector<16xf32>
      %mul3A_1032 = arith.constant 3 : i32
      %mul3A_1033 = arith.muli %scan3A_233, %mul3A_1032 : i32
      %add3A_1034 = arith.constant 1 : i32
      %add3A_1035 = arith.addi %mul3A_1033, %add3A_1034 : i32
      %get3A_1036 = arith.index_cast %add3A_1035 : i32 to index
      %get3A_1037 = arith.constant 48 : index
      %get3A_1038 = tpu.vector_load %arg8[%get3A_1036, %get3A_1037] {strides = array<i32>} : memref<72x64xf32, #tpu.memory_space<vmem>>, vector<16xf32>,
      %add3A_1039 = arith.addf %mul3A_1031, %get3A_1038 : vector<16xf32>
      %max3A = arith.maximumf %add3A_604, %add3A_1006 : vector<16xf32>
      %max3A_1040 = arith.maximumf %add3A_615, %add3A_1017 : vector<16xf32>
      %max3A_1041 = arith.maximumf %add3A_626, %add3A_1028 : vector<16xf32>
      %max3A_1042 = arith.maximumf %add3A_637, %add3A_1039 : vector<16xf32>
      %add3A_1043 = arith.constant 30 : i32
      %add3A_1044 = arith.addi %mul3A_236, %add3A_1043 : i32
      %add3A_1045 = arith.constant 0 : i32
      %add3A_1046 = arith.addi %add3A_1044, %add3A_1045 : i32
      %get3A_1047 = arith.index_cast %add3A_1046 : i32 to index
      %get3A_1048 = arith.constant 0 : index
      %get3A_1049 = tpu.vector_load %arg7[%get3A_1047, %get3A_1048] {strides = array<i32>} : memref<1080x64xf32, #tpu.memory_space<vmem>>, vector<16xf32>,
      %add3A_1050 = arith.constant 0 : i32
      %add3A_1051 = arith.addi %add3A_1044, %add3A_1050 : i32
      %get3A_1052 = arith.index_cast %add3A_1051 : i32 to index
      %get3A_1053 = arith.constant 16 : index
      %get3A_1054 = tpu.vector_load %arg7[%get3A_1052, %get3A_1053] {strides = array<i32>} : memref<1080x64xf32, #tpu.memory_space<vmem>>, vector<16xf32>,
      %add3A_1055 = arith.constant 0 : i32
      %add3A_1056 = arith.addi %add3A_1044, %add3A_1055 : i32
      %get3A_1057 = arith.index_cast %add3A_1056 : i32 to index
      %get3A_1058 = arith.constant 32 : index
      %get3A_1059 = tpu.vector_load %arg7[%get3A_1057, %get3A_1058] {strides = array<i32>} : memref<1080x64xf32, #tpu.memory_space<vmem>>, vector<16xf32>,
      %add3A_1060 = arith.constant 0 : i32
      %add3A_1061 = arith.addi %add3A_1044, %add3A_1060 : i32
      %get3A_1062 = arith.index_cast %add3A_1061 : i32 to index
      %get3A_1063 = arith.constant 48 : index
      %get3A_1064 = tpu.vector_load %arg7[%get3A_1062, %get3A_1063] {strides = array<i32>} : memref<1080x64xf32, #tpu.memory_space<vmem>>, vector<16xf32>,
      %add3A_1065 = arith.constant 1 : i32
      %add3A_1066 = arith.addi %add3A_1044, %add3A_1065 : i32
      %get3A_1067 = arith.index_cast %add3A_1066 : i32 to index
      %get3A_1068 = arith.constant 0 : index
      %get3A_1069 = tpu.vector_load %arg7[%get3A_1067, %get3A_1068] {strides = array<i32>} : memref<1080x64xf32, #tpu.memory_space<vmem>>, vector<16xf32>,
      %add3A_1070 = arith.addf %get3A_1049, %get3A_1069 : vector<16xf32>
      %add3A_1071 = arith.constant 1 : i32
      %add3A_1072 = arith.addi %add3A_1044, %add3A_1071 : i32
      %get3A_1073 = arith.index_cast %add3A_1072 : i32 to index
      %get3A_1074 = arith.constant 16 : index
      %get3A_1075 = tpu.vector_load %arg7[%get3A_1073, %get3A_1074] {strides = array<i32>} : memref<1080x64xf32, #tpu.memory_space<vmem>>, vector<16xf32>,
      %add3A_1076 = arith.addf %get3A_1054, %get3A_1075 : vector<16xf32>
      %add3A_1077 = arith.constant 1 : i32
      %add3A_1078 = arith.addi %add3A_1044, %add3A_1077 : i32
      %get3A_1079 = arith.index_cast %add3A_1078 : i32 to index
      %get3A_1080 = arith.constant 32 : index
      %get3A_1081 = tpu.vector_load %arg7[%get3A_1079, %get3A_1080] {strides = array<i32>} : memref<1080x64xf32, #tpu.memory_space<vmem>>, vector<16xf32>,
      %add3A_1082 = arith.addf %get3A_1059, %get3A_1081 : vector<16xf32>
      %add3A_1083 = arith.constant 1 : i32
      %add3A_1084 = arith.addi %add3A_1044, %add3A_1083 : i32
      %get3A_1085 = arith.index_cast %add3A_1084 : i32 to index
      %get3A_1086 = arith.constant 48 : index
      %get3A_1087 = tpu.vector_load %arg7[%get3A_1085, %get3A_1086] {strides = array<i32>} : memref<1080x64xf32, #tpu.memory_space<vmem>>, vector<16xf32>,
      %add3A_1088 = arith.addf %get3A_1064, %get3A_1087 : vector<16xf32>
      %add3A_1089 = arith.constant 2 : i32
      %add3A_1090 = arith.addi %add3A_1044, %add3A_1089 : i32
      %get3A_1091 = arith.index_cast %add3A_1090 : i32 to index
      %get3A_1092 = arith.constant 0 : index
      %get3A_1093 = tpu.vector_load %arg7[%get3A_1091, %get3A_1092] {strides = array<i32>} : memref<1080x64xf32, #tpu.memory_space<vmem>>, vector<16xf32>,
      %add3A_1094 = arith.addf %add3A_1070, %get3A_1093 : vector<16xf32>
      %add3A_1095 = arith.constant 2 : i32
      %add3A_1096 = arith.addi %add3A_1044, %add3A_1095 : i32
      %get3A_1097 = arith.index_cast %add3A_1096 : i32 to index
      %get3A_1098 = arith.constant 16 : index
      %get3A_1099 = tpu.vector_load %arg7[%get3A_1097, %get3A_1098] {strides = array<i32>} : memref<1080x64xf32, #tpu.memory_space<vmem>>, vector<16xf32>,
      %add3A_1100 = arith.addf %add3A_1076, %get3A_1099 : vector<16xf32>
      %add3A_1101 = arith.constant 2 : i32
      %add3A_1102 = arith.addi %add3A_1044, %add3A_1101 : i32
      %get3A_1103 = arith.index_cast %add3A_1102 : i32 to index
      %get3A_1104 = arith.constant 32 : index
      %get3A_1105 = tpu.vector_load %arg7[%get3A_1103, %get3A_1104] {strides = array<i32>} : memref<1080x64xf32, #tpu.memory_space<vmem>>, vector<16xf32>,
      %add3A_1106 = arith.addf %add3A_1082, %get3A_1105 : vector<16xf32>
      %add3A_1107 = arith.constant 2 : i32
      %add3A_1108 = arith.addi %add3A_1044, %add3A_1107 : i32
      %get3A_1109 = arith.index_cast %add3A_1108 : i32 to index
      %get3A_1110 = arith.constant 48 : index
      %get3A_1111 = tpu.vector_load %arg7[%get3A_1109, %get3A_1110] {strides = array<i32>} : memref<1080x64xf32, #tpu.memory_space<vmem>>, vector<16xf32>,
      %add3A_1112 = arith.addf %add3A_1088, %get3A_1111 : vector<16xf32>
      %add3A_1113 = arith.constant 3 : i32
      %add3A_1114 = arith.addi %add3A_1044, %add3A_1113 : i32
      %get3A_1115 = arith.index_cast %add3A_1114 : i32 to index
      %get3A_1116 = arith.constant 0 : index
      %get3A_1117 = tpu.vector_load %arg7[%get3A_1115, %get3A_1116] {strides = array<i32>} : memref<1080x64xf32, #tpu.memory_space<vmem>>, vector<16xf32>,
      %add3A_1118 = arith.addf %add3A_1094, %get3A_1117 : vector<16xf32>
      %add3A_1119 = arith.constant 3 : i32
      %add3A_1120 = arith.addi %add3A_1044, %add3A_1119 : i32
      %get3A_1121 = arith.index_cast %add3A_1120 : i32 to index
      %get3A_1122 = arith.constant 16 : index
      %get3A_1123 = tpu.vector_load %arg7[%get3A_1121, %get3A_1122] {strides = array<i32>} : memref<1080x64xf32, #tpu.memory_space<vmem>>, vector<16xf32>,
      %add3A_1124 = arith.addf %add3A_1100, %get3A_1123 : vector<16xf32>
      %add3A_1125 = arith.constant 3 : i32
      %add3A_1126 = arith.addi %add3A_1044, %add3A_1125 : i32
      %get3A_1127 = arith.index_cast %add3A_1126 : i32 to index
      %get3A_1128 = arith.constant 32 : index
      %get3A_1129 = tpu.vector_load %arg7[%get3A_1127, %get3A_1128] {strides = array<i32>} : memref<1080x64xf32, #tpu.memory_space<vmem>>, vector<16xf32>,
      %add3A_1130 = arith.addf %add3A_1106, %get3A_1129 : vector<16xf32>
      %add3A_1131 = arith.constant 3 : i32
      %add3A_1132 = arith.addi %add3A_1044, %add3A_1131 : i32
      %get3A_1133 = arith.index_cast %add3A_1132 : i32 to index
      %get3A_1134 = arith.constant 48 : index
      %get3A_1135 = tpu.vector_load %arg7[%get3A_1133, %get3A_1134] {strides = array<i32>} : memref<1080x64xf32, #tpu.memory_space<vmem>>, vector<16xf32>,
      %add3A_1136 = arith.addf %add3A_1112, %get3A_1135 : vector<16xf32>
      %add3A_1137 = arith.constant 4 : i32
      %add3A_1138 = arith.addi %add3A_1044, %add3A_1137 : i32
      %get3A_1139 = arith.index_cast %add3A_1138 : i32 to index
      %get3A_1140 = arith.constant 0 : index
      %get3A_1141 = tpu.vector_load %arg7[%get3A_1139, %get3A_1140] {strides = array<i32>} : memref<1080x64xf32, #tpu.memory_space<vmem>>, vector<16xf32>,
      %add3A_1142 = arith.addf %add3A_1118, %get3A_1141 : vector<16xf32>
      %add3A_1143 = arith.constant 4 : i32
      %add3A_1144 = arith.addi %add3A_1044, %add3A_1143 : i32
      %get3A_1145 = arith.index_cast %add3A_1144 : i32 to index
      %get3A_1146 = arith.constant 16 : index
      %get3A_1147 = tpu.vector_load %arg7[%get3A_1145, %get3A_1146] {strides = array<i32>} : memref<1080x64xf32, #tpu.memory_space<vmem>>, vector<16xf32>,
      %add3A_1148 = arith.addf %add3A_1124, %get3A_1147 : vector<16xf32>
      %add3A_1149 = arith.constant 4 : i32
      %add3A_1150 = arith.addi %add3A_1044, %add3A_1149 : i32
      %get3A_1151 = arith.index_cast %add3A_1150 : i32 to index
      %get3A_1152 = arith.constant 32 : index
      %get3A_1153 = tpu.vector_load %arg7[%get3A_1151, %get3A_1152] {strides = array<i32>} : memref<1080x64xf32, #tpu.memory_space<vmem>>, vector<16xf32>,
      %add3A_1154 = arith.addf %add3A_1130, %get3A_1153 : vector<16xf32>
      %add3A_1155 = arith.constant 4 : i32
      %add3A_1156 = arith.addi %add3A_1044, %add3A_1155 : i32
      %get3A_1157 = arith.index_cast %add3A_1156 : i32 to index
      %get3A_1158 = arith.constant 48 : index
      %get3A_1159 = tpu.vector_load %arg7[%get3A_1157, %get3A_1158] {strides = array<i32>} : memref<1080x64xf32, #tpu.memory_space<vmem>>, vector<16xf32>,
      %add3A_1160 = arith.addf %add3A_1136, %get3A_1159 : vector<16xf32>
      %add3A_1161 = arith.constant 5 : i32
      %add3A_1162 = arith.addi %add3A_1044, %add3A_1161 : i32
      %get3A_1163 = arith.index_cast %add3A_1162 : i32 to index
      %get3A_1164 = arith.constant 0 : index
      %get3A_1165 = tpu.vector_load %arg7[%get3A_1163, %get3A_1164] {strides = array<i32>} : memref<1080x64xf32, #tpu.memory_space<vmem>>, vector<16xf32>,
      %add3A_1166 = arith.addf %add3A_1142, %get3A_1165 : vector<16xf32>
      %add3A_1167 = arith.constant 5 : i32
      %add3A_1168 = arith.addi %add3A_1044, %add3A_1167 : i32
      %get3A_1169 = arith.index_cast %add3A_1168 : i32 to index
      %get3A_1170 = arith.constant 16 : index
      %get3A_1171 = tpu.vector_load %arg7[%get3A_1169, %get3A_1170] {strides = array<i32>} : memref<1080x64xf32, #tpu.memory_space<vmem>>, vector<16xf32>,
      %add3A_1172 = arith.addf %add3A_1148, %get3A_1171 : vector<16xf32>
      %add3A_1173 = arith.constant 5 : i32
      %add3A_1174 = arith.addi %add3A_1044, %add3A_1173 : i32
      %get3A_1175 = arith.index_cast %add3A_1174 : i32 to index
      %get3A_1176 = arith.constant 32 : index
      %get3A_1177 = tpu.vector_load %arg7[%get3A_1175, %get3A_1176] {strides = array<i32>} : memref<1080x64xf32, #tpu.memory_space<vmem>>, vector<16xf32>,
      %add3A_1178 = arith.addf %add3A_1154, %get3A_1177 : vector<16xf32>
      %add3A_1179 = arith.constant 5 : i32
      %add3A_1180 = arith.addi %add3A_1044, %add3A_1179 : i32
      %get3A_1181 = arith.index_cast %add3A_1180 : i32 to index
      %get3A_1182 = arith.constant 48 : index
      %get3A_1183 = tpu.vector_load %arg7[%get3A_1181, %get3A_1182] {strides = array<i32>} : memref<1080x64xf32, #tpu.memory_space<vmem>>, vector<16xf32>,
      %add3A_1184 = arith.addf %add3A_1160, %get3A_1183 : vector<16xf32>
      %add3A_1185 = arith.constant 6 : i32
      %add3A_1186 = arith.addi %add3A_1044, %add3A_1185 : i32
      %get3A_1187 = arith.index_cast %add3A_1186 : i32 to index
      %get3A_1188 = arith.constant 0 : index
      %get3A_1189 = tpu.vector_load %arg7[%get3A_1187, %get3A_1188] {strides = array<i32>} : memref<1080x64xf32, #tpu.memory_space<vmem>>, vector<16xf32>,
      %add3A_1190 = arith.addf %add3A_1166, %get3A_1189 : vector<16xf32>
      %add3A_1191 = arith.constant 6 : i32
      %add3A_1192 = arith.addi %add3A_1044, %add3A_1191 : i32
      %get3A_1193 = arith.index_cast %add3A_1192 : i32 to index
      %get3A_1194 = arith.constant 16 : index
      %get3A_1195 = tpu.vector_load %arg7[%get3A_1193, %get3A_1194] {strides = array<i32>} : memref<1080x64xf32, #tpu.memory_space<vmem>>, vector<16xf32>,
      %add3A_1196 = arith.addf %add3A_1172, %get3A_1195 : vector<16xf32>
      %add3A_1197 = arith.constant 6 : i32
      %add3A_1198 = arith.addi %add3A_1044, %add3A_1197 : i32
      %get3A_1199 = arith.index_cast %add3A_1198 : i32 to index
      %get3A_1200 = arith.constant 32 : index
      %get3A_1201 = tpu.vector_load %arg7[%get3A_1199, %get3A_1200] {strides = array<i32>} : memref<1080x64xf32, #tpu.memory_space<vmem>>, vector<16xf32>,
      %add3A_1202 = arith.addf %add3A_1178, %get3A_1201 : vector<16xf32>
      %add3A_1203 = arith.constant 6 : i32
      %add3A_1204 = arith.addi %add3A_1044, %add3A_1203 : i32
      %get3A_1205 = arith.index_cast %add3A_1204 : i32 to index
      %get3A_1206 = arith.constant 48 : index
      %get3A_1207 = tpu.vector_load %arg7[%get3A_1205, %get3A_1206] {strides = array<i32>} : memref<1080x64xf32, #tpu.memory_space<vmem>>, vector<16xf32>,
      %add3A_1208 = arith.addf %add3A_1184, %get3A_1207 : vector<16xf32>
      %add3A_1209 = arith.constant 7 : i32
      %add3A_1210 = arith.addi %add3A_1044, %add3A_1209 : i32
      %get3A_1211 = arith.index_cast %add3A_1210 : i32 to index
      %get3A_1212 = arith.constant 0 : index
      %get3A_1213 = tpu.vector_load %arg7[%get3A_1211, %get3A_1212] {strides = array<i32>} : memref<1080x64xf32, #tpu.memory_space<vmem>>, vector<16xf32>,
      %add3A_1214 = arith.addf %add3A_1190, %get3A_1213 : vector<16xf32>
      %add3A_1215 = arith.constant 7 : i32
      %add3A_1216 = arith.addi %add3A_1044, %add3A_1215 : i32
      %get3A_1217 = arith.index_cast %add3A_1216 : i32 to index
      %get3A_1218 = arith.constant 16 : index
      %get3A_1219 = tpu.vector_load %arg7[%get3A_1217, %get3A_1218] {strides = array<i32>} : memref<1080x64xf32, #tpu.memory_space<vmem>>, vector<16xf32>,
      %add3A_1220 = arith.addf %add3A_1196, %get3A_1219 : vector<16xf32>
      %add3A_1221 = arith.constant 7 : i32
      %add3A_1222 = arith.addi %add3A_1044, %add3A_1221 : i32
      %get3A_1223 = arith.index_cast %add3A_1222 : i32 to index
      %get3A_1224 = arith.constant 32 : index
      %get3A_1225 = tpu.vector_load %arg7[%get3A_1223, %get3A_1224] {strides = array<i32>} : memref<1080x64xf32, #tpu.memory_space<vmem>>, vector<16xf32>,
      %add3A_1226 = arith.addf %add3A_1202, %get3A_1225 : vector<16xf32>
      %add3A_1227 = arith.constant 7 : i32
      %add3A_1228 = arith.addi %add3A_1044, %add3A_1227 : i32
      %get3A_1229 = arith.index_cast %add3A_1228 : i32 to index
      %get3A_1230 = arith.constant 48 : index
      %get3A_1231 = tpu.vector_load %arg7[%get3A_1229, %get3A_1230] {strides = array<i32>} : memref<1080x64xf32, #tpu.memory_space<vmem>>, vector<16xf32>,
      %add3A_1232 = arith.addf %add3A_1208, %get3A_1231 : vector<16xf32>
      %add3A_1233 = arith.constant 8 : i32
      %add3A_1234 = arith.addi %add3A_1044, %add3A_1233 : i32
      %get3A_1235 = arith.index_cast %add3A_1234 : i32 to index
      %get3A_1236 = arith.constant 0 : index
      %get3A_1237 = tpu.vector_load %arg7[%get3A_1235, %get3A_1236] {strides = array<i32>} : memref<1080x64xf32, #tpu.memory_space<vmem>>, vector<16xf32>,
      %add3A_1238 = arith.addf %add3A_1214, %get3A_1237 : vector<16xf32>
      %add3A_1239 = arith.constant 8 : i32
      %add3A_1240 = arith.addi %add3A_1044, %add3A_1239 : i32
      %get3A_1241 = arith.index_cast %add3A_1240 : i32 to index
      %get3A_1242 = arith.constant 16 : index
      %get3A_1243 = tpu.vector_load %arg7[%get3A_1241, %get3A_1242] {strides = array<i32>} : memref<1080x64xf32, #tpu.memory_space<vmem>>, vector<16xf32>,
      %add3A_1244 = arith.addf %add3A_1220, %get3A_1243 : vector<16xf32>
      %add3A_1245 = arith.constant 8 : i32
      %add3A_1246 = arith.addi %add3A_1044, %add3A_1245 : i32
      %get3A_1247 = arith.index_cast %add3A_1246 : i32 to index
      %get3A_1248 = arith.constant 32 : index
      %get3A_1249 = tpu.vector_load %arg7[%get3A_1247, %get3A_1248] {strides = array<i32>} : memref<1080x64xf32, #tpu.memory_space<vmem>>, vector<16xf32>,
      %add3A_1250 = arith.addf %add3A_1226, %get3A_1249 : vector<16xf32>
      %add3A_1251 = arith.constant 8 : i32
      %add3A_1252 = arith.addi %add3A_1044, %add3A_1251 : i32
      %get3A_1253 = arith.index_cast %add3A_1252 : i32 to index
      %get3A_1254 = arith.constant 48 : index
      %get3A_1255 = tpu.vector_load %arg7[%get3A_1253, %get3A_1254] {strides = array<i32>} : memref<1080x64xf32, #tpu.memory_space<vmem>>, vector<16xf32>,
      %add3A_1256 = arith.addf %add3A_1232, %get3A_1255 : vector<16xf32>
      %add3A_1257 = arith.constant 9 : i32
      %add3A_1258 = arith.addi %add3A_1044, %add3A_1257 : i32
      %get3A_1259 = arith.index_cast %add3A_1258 : i32 to index
      %get3A_1260 = arith.constant 0 : index
      %get3A_1261 = tpu.vector_load %arg7[%get3A_1259, %get3A_1260] {strides = array<i32>} : memref<1080x64xf32, #tpu.memory_space<vmem>>, vector<16xf32>,
      %add3A_1262 = arith.addf %add3A_1238, %get3A_1261 : vector<16xf32>
      %add3A_1263 = arith.constant 9 : i32
      %add3A_1264 = arith.addi %add3A_1044, %add3A_1263 : i32
      %get3A_1265 = arith.index_cast %add3A_1264 : i32 to index
      %get3A_1266 = arith.constant 16 : index
      %get3A_1267 = tpu.vector_load %arg7[%get3A_1265, %get3A_1266] {strides = array<i32>} : memref<1080x64xf32, #tpu.memory_space<vmem>>, vector<16xf32>,
      %add3A_1268 = arith.addf %add3A_1244, %get3A_1267 : vector<16xf32>
      %add3A_1269 = arith.constant 9 : i32
      %add3A_1270 = arith.addi %add3A_1044, %add3A_1269 : i32
      %get3A_1271 = arith.index_cast %add3A_1270 : i32 to index
      %get3A_1272 = arith.constant 32 : index
      %get3A_1273 = tpu.vector_load %arg7[%get3A_1271, %get3A_1272] {strides = array<i32>} : memref<1080x64xf32, #tpu.memory_space<vmem>>, vector<16xf32>,
      %add3A_1274 = arith.addf %add3A_1250, %get3A_1273 : vector<16xf32>
      %add3A_1275 = arith.constant 9 : i32
      %add3A_1276 = arith.addi %add3A_1044, %add3A_1275 : i32
      %get3A_1277 = arith.index_cast %add3A_1276 : i32 to index
      %get3A_1278 = arith.constant 48 : index
      %get3A_1279 = tpu.vector_load %arg7[%get3A_1277, %get3A_1278] {strides = array<i32>} : memref<1080x64xf32, #tpu.memory_space<vmem>>, vector<16xf32>,
      %add3A_1280 = arith.addf %add3A_1256, %get3A_1279 : vector<16xf32>
      %add3A_1281 = arith.constant 10 : i32
      %add3A_1282 = arith.addi %add3A_1044, %add3A_1281 : i32
      %get3A_1283 = arith.index_cast %add3A_1282 : i32 to index
      %get3A_1284 = arith.constant 0 : index
      %get3A_1285 = tpu.vector_load %arg7[%get3A_1283, %get3A_1284] {strides = array<i32>} : memref<1080x64xf32, #tpu.memory_space<vmem>>, vector<16xf32>,
      %add3A_1286 = arith.addf %add3A_1262, %get3A_1285 : vector<16xf32>
      %add3A_1287 = arith.constant 10 : i32
      %add3A_1288 = arith.addi %add3A_1044, %add3A_1287 : i32
      %get3A_1289 = arith.index_cast %add3A_1288 : i32 to index
      %get3A_1290 = arith.constant 16 : index
      %get3A_1291 = tpu.vector_load %arg7[%get3A_1289, %get3A_1290] {strides = array<i32>} : memref<1080x64xf32, #tpu.memory_space<vmem>>, vector<16xf32>,
      %add3A_1292 = arith.addf %add3A_1268, %get3A_1291 : vector<16xf32>
      %add3A_1293 = arith.constant 10 : i32
      %add3A_1294 = arith.addi %add3A_1044, %add3A_1293 : i32
      %get3A_1295 = arith.index_cast %add3A_1294 : i32 to index
      %get3A_1296 = arith.constant 32 : index
      %get3A_1297 = tpu.vector_load %arg7[%get3A_1295, %get3A_1296] {strides = array<i32>} : memref<1080x64xf32, #tpu.memory_space<vmem>>, vector<16xf32>,
      %add3A_1298 = arith.addf %add3A_1274, %get3A_1297 : vector<16xf32>
      %add3A_1299 = arith.constant 10 : i32
      %add3A_1300 = arith.addi %add3A_1044, %add3A_1299 : i32
      %get3A_1301 = arith.index_cast %add3A_1300 : i32 to index
      %get3A_1302 = arith.constant 48 : index
      %get3A_1303 = tpu.vector_load %arg7[%get3A_1301, %get3A_1302] {strides = array<i32>} : memref<1080x64xf32, #tpu.memory_space<vmem>>, vector<16xf32>,
      %add3A_1304 = arith.addf %add3A_1280, %get3A_1303 : vector<16xf32>
      %add3A_1305 = arith.constant 11 : i32
      %add3A_1306 = arith.addi %add3A_1044, %add3A_1305 : i32
      %get3A_1307 = arith.index_cast %add3A_1306 : i32 to index
      %get3A_1308 = arith.constant 0 : index
      %get3A_1309 = tpu.vector_load %arg7[%get3A_1307, %get3A_1308] {strides = array<i32>} : memref<1080x64xf32, #tpu.memory_space<vmem>>, vector<16xf32>,
      %add3A_1310 = arith.addf %add3A_1286, %get3A_1309 : vector<16xf32>
      %add3A_1311 = arith.constant 11 : i32
      %add3A_1312 = arith.addi %add3A_1044, %add3A_1311 : i32
      %get3A_1313 = arith.index_cast %add3A_1312 : i32 to index
      %get3A_1314 = arith.constant 16 : index
      %get3A_1315 = tpu.vector_load %arg7[%get3A_1313, %get3A_1314] {strides = array<i32>} : memref<1080x64xf32, #tpu.memory_space<vmem>>, vector<16xf32>,
      %add3A_1316 = arith.addf %add3A_1292, %get3A_1315 : vector<16xf32>
      %add3A_1317 = arith.constant 11 : i32
      %add3A_1318 = arith.addi %add3A_1044, %add3A_1317 : i32
      %get3A_1319 = arith.index_cast %add3A_1318 : i32 to index
      %get3A_1320 = arith.constant 32 : index
      %get3A_1321 = tpu.vector_load %arg7[%get3A_1319, %get3A_1320] {strides = array<i32>} : memref<1080x64xf32, #tpu.memory_space<vmem>>, vector<16xf32>,
      %add3A_1322 = arith.addf %add3A_1298, %get3A_1321 : vector<16xf32>
      %add3A_1323 = arith.constant 11 : i32
      %add3A_1324 = arith.addi %add3A_1044, %add3A_1323 : i32
      %get3A_1325 = arith.index_cast %add3A_1324 : i32 to index
      %get3A_1326 = arith.constant 48 : index
      %get3A_1327 = tpu.vector_load %arg7[%get3A_1325, %get3A_1326] {strides = array<i32>} : memref<1080x64xf32, #tpu.memory_space<vmem>>, vector<16xf32>,
      %add3A_1328 = arith.addf %add3A_1304, %get3A_1327 : vector<16xf32>
      %add3A_1329 = arith.constant 12 : i32
      %add3A_1330 = arith.addi %add3A_1044, %add3A_1329 : i32
      %get3A_1331 = arith.index_cast %add3A_1330 : i32 to index
      %get3A_1332 = arith.constant 0 : index
      %get3A_1333 = tpu.vector_load %arg7[%get3A_1331, %get3A_1332] {strides = array<i32>} : memref<1080x64xf32, #tpu.memory_space<vmem>>, vector<16xf32>,
      %add3A_1334 = arith.addf %add3A_1310, %get3A_1333 : vector<16xf32>
      %add3A_1335 = arith.constant 12 : i32
      %add3A_1336 = arith.addi %add3A_1044, %add3A_1335 : i32
      %get3A_1337 = arith.index_cast %add3A_1336 : i32 to index
      %get3A_1338 = arith.constant 16 : index
      %get3A_1339 = tpu.vector_load %arg7[%get3A_1337, %get3A_1338] {strides = array<i32>} : memref<1080x64xf32, #tpu.memory_space<vmem>>, vector<16xf32>,
      %add3A_1340 = arith.addf %add3A_1316, %get3A_1339 : vector<16xf32>
      %add3A_1341 = arith.constant 12 : i32
      %add3A_1342 = arith.addi %add3A_1044, %add3A_1341 : i32
      %get3A_1343 = arith.index_cast %add3A_1342 : i32 to index
      %get3A_1344 = arith.constant 32 : index
      %get3A_1345 = tpu.vector_load %arg7[%get3A_1343, %get3A_1344] {strides = array<i32>} : memref<1080x64xf32, #tpu.memory_space<vmem>>, vector<16xf32>,
      %add3A_1346 = arith.addf %add3A_1322, %get3A_1345 : vector<16xf32>
      %add3A_1347 = arith.constant 12 : i32
      %add3A_1348 = arith.addi %add3A_1044, %add3A_1347 : i32
      %get3A_1349 = arith.index_cast %add3A_1348 : i32 to index
      %get3A_1350 = arith.constant 48 : index
      %get3A_1351 = tpu.vector_load %arg7[%get3A_1349, %get3A_1350] {strides = array<i32>} : memref<1080x64xf32, #tpu.memory_space<vmem>>, vector<16xf32>,
      %add3A_1352 = arith.addf %add3A_1328, %get3A_1351 : vector<16xf32>
      %add3A_1353 = arith.constant 13 : i32
      %add3A_1354 = arith.addi %add3A_1044, %add3A_1353 : i32
      %get3A_1355 = arith.index_cast %add3A_1354 : i32 to index
      %get3A_1356 = arith.constant 0 : index
      %get3A_1357 = tpu.vector_load %arg7[%get3A_1355, %get3A_1356] {strides = array<i32>} : memref<1080x64xf32, #tpu.memory_space<vmem>>, vector<16xf32>,
      %add3A_1358 = arith.addf %add3A_1334, %get3A_1357 : vector<16xf32>
      %add3A_1359 = arith.constant 13 : i32
      %add3A_1360 = arith.addi %add3A_1044, %add3A_1359 : i32
      %get3A_1361 = arith.index_cast %add3A_1360 : i32 to index
      %get3A_1362 = arith.constant 16 : index
      %get3A_1363 = tpu.vector_load %arg7[%get3A_1361, %get3A_1362] {strides = array<i32>} : memref<1080x64xf32, #tpu.memory_space<vmem>>, vector<16xf32>,
      %add3A_1364 = arith.addf %add3A_1340, %get3A_1363 : vector<16xf32>
      %add3A_1365 = arith.constant 13 : i32
      %add3A_1366 = arith.addi %add3A_1044, %add3A_1365 : i32
      %get3A_1367 = arith.index_cast %add3A_1366 : i32 to index
      %get3A_1368 = arith.constant 32 : index
      %get3A_1369 = tpu.vector_load %arg7[%get3A_1367, %get3A_1368] {strides = array<i32>} : memref<1080x64xf32, #tpu.memory_space<vmem>>, vector<16xf32>,
      %add3A_1370 = arith.addf %add3A_1346, %get3A_1369 : vector<16xf32>
      %add3A_1371 = arith.constant 13 : i32
      %add3A_1372 = arith.addi %add3A_1044, %add3A_1371 : i32
      %get3A_1373 = arith.index_cast %add3A_1372 : i32 to index
      %get3A_1374 = arith.constant 48 : index
      %get3A_1375 = tpu.vector_load %arg7[%get3A_1373, %get3A_1374] {strides = array<i32>} : memref<1080x64xf32, #tpu.memory_space<vmem>>, vector<16xf32>,
      %add3A_1376 = arith.addf %add3A_1352, %get3A_1375 : vector<16xf32>
      %add3A_1377 = arith.constant 14 : i32
      %add3A_1378 = arith.addi %add3A_1044, %add3A_1377 : i32
      %get3A_1379 = arith.index_cast %add3A_1378 : i32 to index
      %get3A_1380 = arith.constant 0 : index
      %get3A_1381 = tpu.vector_load %arg7[%get3A_1379, %get3A_1380] {strides = array<i32>} : memref<1080x64xf32, #tpu.memory_space<vmem>>, vector<16xf32>,
      %add3A_1382 = arith.addf %add3A_1358, %get3A_1381 : vector<16xf32>
      %add3A_1383 = arith.constant 14 : i32
      %add3A_1384 = arith.addi %add3A_1044, %add3A_1383 : i32
      %get3A_1385 = arith.index_cast %add3A_1384 : i32 to index
      %get3A_1386 = arith.constant 16 : index
      %get3A_1387 = tpu.vector_load %arg7[%get3A_1385, %get3A_1386] {strides = array<i32>} : memref<1080x64xf32, #tpu.memory_space<vmem>>, vector<16xf32>,
      %add3A_1388 = arith.addf %add3A_1364, %get3A_1387 : vector<16xf32>
      %add3A_1389 = arith.constant 14 : i32
      %add3A_1390 = arith.addi %add3A_1044, %add3A_1389 : i32
      %get3A_1391 = arith.index_cast %add3A_1390 : i32 to index
      %get3A_1392 = arith.constant 32 : index
      %get3A_1393 = tpu.vector_load %arg7[%get3A_1391, %get3A_1392] {strides = array<i32>} : memref<1080x64xf32, #tpu.memory_space<vmem>>, vector<16xf32>,
      %add3A_1394 = arith.addf %add3A_1370, %get3A_1393 : vector<16xf32>
      %add3A_1395 = arith.constant 14 : i32
      %add3A_1396 = arith.addi %add3A_1044, %add3A_1395 : i32
      %get3A_1397 = arith.index_cast %add3A_1396 : i32 to index
      %get3A_1398 = arith.constant 48 : index
      %get3A_1399 = tpu.vector_load %arg7[%get3A_1397, %get3A_1398] {strides = array<i32>} : memref<1080x64xf32, #tpu.memory_space<vmem>>, vector<16xf32>,
      %add3A_1400 = arith.addf %add3A_1376, %get3A_1399 : vector<16xf32>
      %mul3A_1401 = arith.constant 0.533333361 : f32
      %mul3A_1402 = vector.broadcast %mul3A_1401 : f32 to vector<16xf32>
      %mul3A_1403 = arith.mulf %add3A_1382, %mul3A_1402 : vector<16xf32>
      %mul3A_1404 = arith.constant 3 : i32
      %mul3A_1405 = arith.muli %scan3A_233, %mul3A_1404 : i32
      %add3A_1406 = arith.constant 2 : i32
      %add3A_1407 = arith.addi %mul3A_1405, %add3A_1406 : i32
      %get3A_1408 = arith.index_cast %add3A_1407 : i32 to index
      %get3A_1409 = arith.constant 0 : index
      %get3A_1410 = tpu.vector_load %arg8[%get3A_1408, %get3A_1409] {strides = array<i32>} : memref<72x64xf32, #tpu.memory_space<vmem>>, vector<16xf32>,
      %add3A_1411 = arith.addf %mul3A_1403, %get3A_1410 : vector<16xf32>
      %mul3A_1412 = arith.constant 0.533333361 : f32
      %mul3A_1413 = vector.broadcast %mul3A_1412 : f32 to vector<16xf32>
      %mul3A_1414 = arith.mulf %add3A_1388, %mul3A_1413 : vector<16xf32>
      %mul3A_1415 = arith.constant 3 : i32
      %mul3A_1416 = arith.muli %scan3A_233, %mul3A_1415 : i32
      %add3A_1417 = arith.constant 2 : i32
      %add3A_1418 = arith.addi %mul3A_1416, %add3A_1417 : i32
      %get3A_1419 = arith.index_cast %add3A_1418 : i32 to index
      %get3A_1420 = arith.constant 16 : index
      %get3A_1421 = tpu.vector_load %arg8[%get3A_1419, %get3A_1420] {strides = array<i32>} : memref<72x64xf32, #tpu.memory_space<vmem>>, vector<16xf32>,
      %add3A_1422 = arith.addf %mul3A_1414, %get3A_1421 : vector<16xf32>
      %mul3A_1423 = arith.constant 0.533333361 : f32
      %mul3A_1424 = vector.broadcast %mul3A_1423 : f32 to vector<16xf32>
      %mul3A_1425 = arith.mulf %add3A_1394, %mul3A_1424 : vector<16xf32>
      %mul3A_1426 = arith.constant 3 : i32
      %mul3A_1427 = arith.muli %scan3A_233, %mul3A_1426 : i32
      %add3A_1428 = arith.constant 2 : i32
      %add3A_1429 = arith.addi %mul3A_1427, %add3A_1428 : i32
      %get3A_1430 = arith.index_cast %add3A_1429 : i32 to index
      %get3A_1431 = arith.constant 32 : index
      %get3A_1432 = tpu.vector_load %arg8[%get3A_1430, %get3A_1431] {strides = array<i32>} : memref<72x64xf32, #tpu.memory_space<vmem>>, vector<16xf32>,
      %add3A_1433 = arith.addf %mul3A_1425, %get3A_1432 : vector<16xf32>
      %mul3A_1434 = arith.constant 0.533333361 : f32
      %mul3A_1435 = vector.broadcast %mul3A_1434 : f32 to vector<16xf32>
      %mul3A_1436 = arith.mulf %add3A_1400, %mul3A_1435 : vector<16xf32>
      %mul3A_1437 = arith.constant 3 : i32
      %mul3A_1438 = arith.muli %scan3A_233, %mul3A_1437 : i32
      %add3A_1439 = arith.constant 2 : i32
      %add3A_1440 = arith.addi %mul3A_1438, %add3A_1439 : i32
      %get3A_1441 = arith.index_cast %add3A_1440 : i32 to index
      %get3A_1442 = arith.constant 48 : index
      %get3A_1443 = tpu.vector_load %arg8[%get3A_1441, %get3A_1442] {strides = array<i32>} : memref<72x64xf32, #tpu.memory_space<vmem>>, vector<16xf32>,
      %add3A_1444 = arith.addf %mul3A_1436, %get3A_1443 : vector<16xf32>
      %max3A_1445 = arith.maximumf %max3A, %add3A_1411 : vector<16xf32>
      %max3A_1446 = arith.maximumf %max3A_1040, %add3A_1422 : vector<16xf32>
      %max3A_1447 = arith.maximumf %max3A_1041, %add3A_1433 : vector<16xf32>
      %max3A_1448 = arith.maximumf %max3A_1042, %add3A_1444 : vector<16xf32>
      %swap3A = arith.index_cast %scan3A_233 : i32 to index
      %swap3A_1449 = arith.constant 0 : index
      %swap3A_1450 = tpu.vector_load %arg9[%swap3A, %swap3A_1449] {strides = array<i32>} : memref<24x64xf32, #tpu.memory_space<vmem>>, vector<16xf32>,
      tpu.vector_store %arg9[%swap3A, %swap3A_1449], %max3A_1445 {strides = array<i32>} : memref<24x64xf32, #tpu.memory_space<vmem>>, vector<16xf32>,
      %swap3A_1451 = arith.index_cast %scan3A_233 : i32 to index
      %swap3A_1452 = arith.constant 16 : index
      %swap3A_1453 = tpu.vector_load %arg9[%swap3A_1451, %swap3A_1452] {strides = array<i32>} : memref<24x64xf32, #tpu.memory_space<vmem>>, vector<16xf32>,
      tpu.vector_store %arg9[%swap3A_1451, %swap3A_1452], %max3A_1446 {strides = array<i32>} : memref<24x64xf32, #tpu.memory_space<vmem>>, vector<16xf32>,
      %swap3A_1454 = arith.index_cast %scan3A_233 : i32 to index
      %swap3A_1455 = arith.constant 32 : index
      %swap3A_1456 = tpu.vector_load %arg9[%swap3A_1454, %swap3A_1455] {strides = array<i32>} : memref<24x64xf32, #tpu.memory_space<vmem>>, vector<16xf32>,
      tpu.vector_store %arg9[%swap3A_1454, %swap3A_1455], %max3A_1447 {strides = array<i32>} : memref<24x64xf32, #tpu.memory_space<vmem>>, vector<16xf32>,
      %swap3A_1457 = arith.index_cast %scan3A_233 : i32 to index
      %swap3A_1458 = arith.constant 48 : index
      %swap3A_1459 = tpu.vector_load %arg9[%swap3A_1457, %swap3A_1458] {strides = array<i32>} : memref<24x64xf32, #tpu.memory_space<vmem>>, vector<16xf32>,
      tpu.vector_store %arg9[%swap3A_1457, %swap3A_1458], %max3A_1448 {strides = array<i32>} : memref<24x64xf32, #tpu.memory_space<vmem>>, vector<16xf32>,
      %scan3A_1460 = arith.constant 0 : i32
      scf.yield %scan3A_1460 : i32
    }
    %scan3A_173 = arith.constant 10 : i32
    %dma_wait3A_174 = arith.constant 4 : i32
    %dma_wait3A_175 = arith.constant 480 : i32
    %dma_wait3A_176 = arith.constant 0 : i32
    %dma_wait3A_177 = tpu.memref_slice %arg7[%dma_wait3A_175, %dma_wait3A_176] : memref<1080x64xf32, #tpu.memory_space<vmem>> -> memref<120x64xf32, #tpu.memory_space<vmem>>
    %dma_wait3A_178 = arith.constant 0 : i32
    %dma_wait3A_179 = tpu.memref_slice %arg6[%dma_wait3A_174, %dma_wait3A_178] : memref<9x120xi32, #tpu.memory_space<vmem>> -> memref<1x120xi32, #tpu.memory_space<vmem>>
    %dma_wait3A_180 = tpu.memref_squeeze %dma_wait3A_179 : memref<1x120xi32, #tpu.memory_space<vmem>> -> memref<120xi32, #tpu.memory_space<vmem>>
    %dma_wait3A_181 = arith.constant 0 : i32
    %dma_wait3A_182 = arith.constant 0 : i32
    %dma_wait3A_183 = tpu.memref_slice %arg3[%dma_wait3A_181, %dma_wait3A_182] : memref<100000x64xf32, #tpu.memory_space<hbm>> -> memref<100000x64xf32, #tpu.memory_space<hbm>>
    tpu.wait_indirect_dma semaphore(%arg11 : memref<!tpu.dma_semaphore, #tpu.memory_space<semaphore_mem>>) src(%dma_wait3A_183 : memref<100000x64xf32, #tpu.memory_space<hbm>>) dst(%dma_wait3A_177 : memref<120x64xf32, #tpu.memory_space<vmem>>)
    %dma_wait3A_184 = arith.constant 5 : i32
    %dma_wait3A_185 = arith.constant 600 : i32
    %dma_wait3A_186 = arith.constant 0 : i32
    %dma_wait3A_187 = tpu.memref_slice %arg7[%dma_wait3A_185, %dma_wait3A_186] : memref<1080x64xf32, #tpu.memory_space<vmem>> -> memref<120x64xf32, #tpu.memory_space<vmem>>
    %dma_wait3A_188 = arith.constant 0 : i32
    %dma_wait3A_189 = tpu.memref_slice %arg6[%dma_wait3A_184, %dma_wait3A_188] : memref<9x120xi32, #tpu.memory_space<vmem>> -> memref<1x120xi32, #tpu.memory_space<vmem>>
    %dma_wait3A_190 = tpu.memref_squeeze %dma_wait3A_189 : memref<1x120xi32, #tpu.memory_space<vmem>> -> memref<120xi32, #tpu.memory_space<vmem>>
    %dma_wait3A_191 = arith.constant 0 : i32
    %dma_wait3A_192 = arith.constant 0 : i32
    %dma_wait3A_193 = tpu.memref_slice %arg3[%dma_wait3A_191, %dma_wait3A_192] : memref<100000x64xf32, #tpu.memory_space<hbm>> -> memref<100000x64xf32, #tpu.memory_space<hbm>>
    tpu.wait_indirect_dma semaphore(%arg11 : memref<!tpu.dma_semaphore, #tpu.memory_space<semaphore_mem>>) src(%dma_wait3A_193 : memref<100000x64xf32, #tpu.memory_space<hbm>>) dst(%dma_wait3A_187 : memref<120x64xf32, #tpu.memory_space<vmem>>)
    %dma_wait3A_194 = arith.constant 6 : i32
    %dma_wait3A_195 = arith.constant 720 : i32
    %dma_wait3A_196 = arith.constant 0 : i32
    %dma_wait3A_197 = tpu.memref_slice %arg7[%dma_wait3A_195, %dma_wait3A_196] : memref<1080x64xf32, #tpu.memory_space<vmem>> -> memref<120x64xf32, #tpu.memory_space<vmem>>
    %dma_wait3A_198 = arith.constant 0 : i32
    %dma_wait3A_199 = tpu.memref_slice %arg6[%dma_wait3A_194, %dma_wait3A_198] : memref<9x120xi32, #tpu.memory_space<vmem>> -> memref<1x120xi32, #tpu.memory_space<vmem>>
    %dma_wait3A_200 = tpu.memref_squeeze %dma_wait3A_199 : memref<1x120xi32, #tpu.memory_space<vmem>> -> memref<120xi32, #tpu.memory_space<vmem>>
    %dma_wait3A_201 = arith.constant 0 : i32
    %dma_wait3A_202 = arith.constant 0 : i32
    %dma_wait3A_203 = tpu.memref_slice %arg3[%dma_wait3A_201, %dma_wait3A_202] : memref<100000x64xf32, #tpu.memory_space<hbm>> -> memref<100000x64xf32, #tpu.memory_space<hbm>>
    tpu.wait_indirect_dma semaphore(%arg11 : memref<!tpu.dma_semaphore, #tpu.memory_space<semaphore_mem>>) src(%dma_wait3A_203 : memref<100000x64xf32, #tpu.memory_space<hbm>>) dst(%dma_wait3A_197 : memref<120x64xf32, #tpu.memory_space<vmem>>)
    %dma_wait3A_204 = arith.constant 7 : i32
    %dma_wait3A_205 = arith.constant 840 : i32
    %dma_wait3A_206 = arith.constant 0 : i32
    %dma_wait3A_207 = tpu.memref_slice %arg7[%dma_wait3A_205, %dma_wait3A_206] : memref<1080x64xf32, #tpu.memory_space<vmem>> -> memref<120x64xf32, #tpu.memory_space<vmem>>
    %dma_wait3A_208 = arith.constant 0 : i32
    %dma_wait3A_209 = tpu.memref_slice %arg6[%dma_wait3A_204, %dma_wait3A_208] : memref<9x120xi32, #tpu.memory_space<vmem>> -> memref<1x120xi32, #tpu.memory_space<vmem>>
    %dma_wait3A_210 = tpu.memref_squeeze %dma_wait3A_209 : memref<1x120xi32, #tpu.memory_space<vmem>> -> memref<120xi32, #tpu.memory_space<vmem>>
    %dma_wait3A_211 = arith.constant 0 : i32
    %dma_wait3A_212 = arith.constant 0 : i32
    %dma_wait3A_213 = tpu.memref_slice %arg3[%dma_wait3A_211, %dma_wait3A_212] : memref<100000x64xf32, #tpu.memory_space<hbm>> -> memref<100000x64xf32, #tpu.memory_space<hbm>>
    tpu.wait_indirect_dma semaphore(%arg11 : memref<!tpu.dma_semaphore, #tpu.memory_space<semaphore_mem>>) src(%dma_wait3A_213 : memref<100000x64xf32, #tpu.memory_space<hbm>>) dst(%dma_wait3A_207 : memref<120x64xf32, #tpu.memory_space<vmem>>)
    %dma_wait3A_214 = arith.constant 8 : i32
    %dma_wait3A_215 = arith.constant 960 : i32
    %dma_wait3A_216 = arith.constant 0 : i32
    %dma_wait3A_217 = tpu.memref_slice %arg7[%dma_wait3A_215, %dma_wait3A_216] : memref<1080x64xf32, #tpu.memory_space<vmem>> -> memref<120x64xf32, #tpu.memory_space<vmem>>
    %dma_wait3A_218 = arith.constant 0 : i32
    %dma_wait3A_219 = tpu.memref_slice %arg6[%dma_wait3A_214, %dma_wait3A_218] : memref<9x120xi32, #tpu.memory_space<vmem>> -> memref<1x120xi32, #tpu.memory_space<vmem>>
    %dma_wait3A_220 = tpu.memref_squeeze %dma_wait3A_219 : memref<1x120xi32, #tpu.memory_space<vmem>> -> memref<120xi32, #tpu.memory_space<vmem>>
    %dma_wait3A_221 = arith.constant 0 : i32
    %dma_wait3A_222 = arith.constant 0 : i32
    %dma_wait3A_223 = tpu.memref_slice %arg3[%dma_wait3A_221, %dma_wait3A_222] : memref<100000x64xf32, #tpu.memory_space<hbm>> -> memref<100000x64xf32, #tpu.memory_space<hbm>>
    tpu.wait_indirect_dma semaphore(%arg11 : memref<!tpu.dma_semaphore, #tpu.memory_space<semaphore_mem>>) src(%dma_wait3A_223 : memref<100000x64xf32, #tpu.memory_space<hbm>>) dst(%dma_wait3A_217 : memref<120x64xf32, #tpu.memory_space<vmem>>)
    %scan3A_224 = arith.constant 0 : i32
    %scan3A_225 = arith.constant 10 : i32
    %scan3A_226 = arith.constant 14 : i32
    %scan3A_227 = arith.addi %scan3A_225, %scan3A_226 : i32
    %scan3A_228 = arith.constant 1 : i32
    %scan3A_229 = scf.for %scan3A_233 = %scan3A_225 to %scan3A_227 step %scan3A_228 iter_args(%scan3A_234 = %scan3A_224) -> (i32)  : i32 {
      %mul3A_235 = arith.constant 45 : i32
      %mul3A_236 = arith.muli %scan3A_233, %mul3A_235 : i32
      %add3A_237 = arith.constant 0 : i32
      %add3A_238 = arith.addi %mul3A_236, %add3A_237 : i32
      %add3A_239 = arith.constant 0 : i32
      %add3A_240 = arith.addi %add3A_238, %add3A_239 : i32
      %get3A = arith.index_cast %add3A_240 : i32 to index
      %get3A_241 = arith.constant 0 : index
      %get3A_242 = tpu.vector_load %arg7[%get3A, %get3A_241] {strides = array<i32>} : memref<1080x64xf32, #tpu.memory_space<vmem>>, vector<16xf32>,
      %add3A_243 = arith.constant 0 : i32
      %add3A_244 = arith.addi %add3A_238, %add3A_243 : i32
      %get3A_245 = arith.index_cast %add3A_244 : i32 to index
      %get3A_246 = arith.constant 16 : index
      %get3A_247 = tpu.vector_load %arg7[%get3A_245, %get3A_246] {strides = array<i32>} : memref<1080x64xf32, #tpu.memory_space<vmem>>, vector<16xf32>,
      %add3A_248 = arith.constant 0 : i32
      %add3A_249 = arith.addi %add3A_238, %add3A_248 : i32
      %get3A_250 = arith.index_cast %add3A_249 : i32 to index
      %get3A_251 = arith.constant 32 : index
      %get3A_252 = tpu.vector_load %arg7[%get3A_250, %get3A_251] {strides = array<i32>} : memref<1080x64xf32, #tpu.memory_space<vmem>>, vector<16xf32>,
      %add3A_253 = arith.constant 0 : i32
      %add3A_254 = arith.addi %add3A_238, %add3A_253 : i32
      %get3A_255 = arith.index_cast %add3A_254 : i32 to index
      %get3A_256 = arith.constant 48 : index
      %get3A_257 = tpu.vector_load %arg7[%get3A_255, %get3A_256] {strides = array<i32>} : memref<1080x64xf32, #tpu.memory_space<vmem>>, vector<16xf32>,
      %add3A_258 = arith.constant 1 : i32
      %add3A_259 = arith.addi %add3A_238, %add3A_258 : i32
      %get3A_260 = arith.index_cast %add3A_259 : i32 to index
      %get3A_261 = arith.constant 0 : index
      %get3A_262 = tpu.vector_load %arg7[%get3A_260, %get3A_261] {strides = array<i32>} : memref<1080x64xf32, #tpu.memory_space<vmem>>, vector<16xf32>,
      %add3A_263 = arith.addf %get3A_242, %get3A_262 : vector<16xf32>
      %add3A_264 = arith.constant 1 : i32
      %add3A_265 = arith.addi %add3A_238, %add3A_264 : i32
      %get3A_266 = arith.index_cast %add3A_265 : i32 to index
      %get3A_267 = arith.constant 16 : index
      %get3A_268 = tpu.vector_load %arg7[%get3A_266, %get3A_267] {strides = array<i32>} : memref<1080x64xf32, #tpu.memory_space<vmem>>, vector<16xf32>,
      %add3A_269 = arith.addf %get3A_247, %get3A_268 : vector<16xf32>
      %add3A_270 = arith.constant 1 : i32
      %add3A_271 = arith.addi %add3A_238, %add3A_270 : i32
      %get3A_272 = arith.index_cast %add3A_271 : i32 to index
      %get3A_273 = arith.constant 32 : index
      %get3A_274 = tpu.vector_load %arg7[%get3A_272, %get3A_273] {strides = array<i32>} : memref<1080x64xf32, #tpu.memory_space<vmem>>, vector<16xf32>,
      %add3A_275 = arith.addf %get3A_252, %get3A_274 : vector<16xf32>
      %add3A_276 = arith.constant 1 : i32
      %add3A_277 = arith.addi %add3A_238, %add3A_276 : i32
      %get3A_278 = arith.index_cast %add3A_277 : i32 to index
      %get3A_279 = arith.constant 48 : index
      %get3A_280 = tpu.vector_load %arg7[%get3A_278, %get3A_279] {strides = array<i32>} : memref<1080x64xf32, #tpu.memory_space<vmem>>, vector<16xf32>,
      %add3A_281 = arith.addf %get3A_257, %get3A_280 : vector<16xf32>
      %add3A_282 = arith.constant 2 : i32
      %add3A_283 = arith.addi %add3A_238, %add3A_282 : i32
      %get3A_284 = arith.index_cast %add3A_283 : i32 to index
      %get3A_285 = arith.constant 0 : index
      %get3A_286 = tpu.vector_load %arg7[%get3A_284, %get3A_285] {strides = array<i32>} : memref<1080x64xf32, #tpu.memory_space<vmem>>, vector<16xf32>,
      %add3A_287 = arith.addf %add3A_263, %get3A_286 : vector<16xf32>
      %add3A_288 = arith.constant 2 : i32
      %add3A_289 = arith.addi %add3A_238, %add3A_288 : i32
      %get3A_290 = arith.index_cast %add3A_289 : i32 to index
      %get3A_291 = arith.constant 16 : index
      %get3A_292 = tpu.vector_load %arg7[%get3A_290, %get3A_291] {strides = array<i32>} : memref<1080x64xf32, #tpu.memory_space<vmem>>, vector<16xf32>,
      %add3A_293 = arith.addf %add3A_269, %get3A_292 : vector<16xf32>
      %add3A_294 = arith.constant 2 : i32
      %add3A_295 = arith.addi %add3A_238, %add3A_294 : i32
      %get3A_296 = arith.index_cast %add3A_295 : i32 to index
      %get3A_297 = arith.constant 32 : index
      %get3A_298 = tpu.vector_load %arg7[%get3A_296, %get3A_297] {strides = array<i32>} : memref<1080x64xf32, #tpu.memory_space<vmem>>, vector<16xf32>,
      %add3A_299 = arith.addf %add3A_275, %get3A_298 : vector<16xf32>
      %add3A_300 = arith.constant 2 : i32
      %add3A_301 = arith.addi %add3A_238, %add3A_300 : i32
      %get3A_302 = arith.index_cast %add3A_301 : i32 to index
      %get3A_303 = arith.constant 48 : index
      %get3A_304 = tpu.vector_load %arg7[%get3A_302, %get3A_303] {strides = array<i32>} : memref<1080x64xf32, #tpu.memory_space<vmem>>, vector<16xf32>,
      %add3A_305 = arith.addf %add3A_281, %get3A_304 : vector<16xf32>
      %add3A_306 = arith.constant 3 : i32
      %add3A_307 = arith.addi %add3A_238, %add3A_306 : i32
      %get3A_308 = arith.index_cast %add3A_307 : i32 to index
      %get3A_309 = arith.constant 0 : index
      %get3A_310 = tpu.vector_load %arg7[%get3A_308, %get3A_309] {strides = array<i32>} : memref<1080x64xf32, #tpu.memory_space<vmem>>, vector<16xf32>,
      %add3A_311 = arith.addf %add3A_287, %get3A_310 : vector<16xf32>
      %add3A_312 = arith.constant 3 : i32
      %add3A_313 = arith.addi %add3A_238, %add3A_312 : i32
      %get3A_314 = arith.index_cast %add3A_313 : i32 to index
      %get3A_315 = arith.constant 16 : index
      %get3A_316 = tpu.vector_load %arg7[%get3A_314, %get3A_315] {strides = array<i32>} : memref<1080x64xf32, #tpu.memory_space<vmem>>, vector<16xf32>,
      %add3A_317 = arith.addf %add3A_293, %get3A_316 : vector<16xf32>
      %add3A_318 = arith.constant 3 : i32
      %add3A_319 = arith.addi %add3A_238, %add3A_318 : i32
      %get3A_320 = arith.index_cast %add3A_319 : i32 to index
      %get3A_321 = arith.constant 32 : index
      %get3A_322 = tpu.vector_load %arg7[%get3A_320, %get3A_321] {strides = array<i32>} : memref<1080x64xf32, #tpu.memory_space<vmem>>, vector<16xf32>,
      %add3A_323 = arith.addf %add3A_299, %get3A_322 : vector<16xf32>
      %add3A_324 = arith.constant 3 : i32
      %add3A_325 = arith.addi %add3A_238, %add3A_324 : i32
      %get3A_326 = arith.index_cast %add3A_325 : i32 to index
      %get3A_327 = arith.constant 48 : index
      %get3A_328 = tpu.vector_load %arg7[%get3A_326, %get3A_327] {strides = array<i32>} : memref<1080x64xf32, #tpu.memory_space<vmem>>, vector<16xf32>,
      %add3A_329 = arith.addf %add3A_305, %get3A_328 : vector<16xf32>
      %add3A_330 = arith.constant 4 : i32
      %add3A_331 = arith.addi %add3A_238, %add3A_330 : i32
      %get3A_332 = arith.index_cast %add3A_331 : i32 to index
      %get3A_333 = arith.constant 0 : index
      %get3A_334 = tpu.vector_load %arg7[%get3A_332, %get3A_333] {strides = array<i32>} : memref<1080x64xf32, #tpu.memory_space<vmem>>, vector<16xf32>,
      %add3A_335 = arith.addf %add3A_311, %get3A_334 : vector<16xf32>
      %add3A_336 = arith.constant 4 : i32
      %add3A_337 = arith.addi %add3A_238, %add3A_336 : i32
      %get3A_338 = arith.index_cast %add3A_337 : i32 to index
      %get3A_339 = arith.constant 16 : index
      %get3A_340 = tpu.vector_load %arg7[%get3A_338, %get3A_339] {strides = array<i32>} : memref<1080x64xf32, #tpu.memory_space<vmem>>, vector<16xf32>,
      %add3A_341 = arith.addf %add3A_317, %get3A_340 : vector<16xf32>
      %add3A_342 = arith.constant 4 : i32
      %add3A_343 = arith.addi %add3A_238, %add3A_342 : i32
      %get3A_344 = arith.index_cast %add3A_343 : i32 to index
      %get3A_345 = arith.constant 32 : index
      %get3A_346 = tpu.vector_load %arg7[%get3A_344, %get3A_345] {strides = array<i32>} : memref<1080x64xf32, #tpu.memory_space<vmem>>, vector<16xf32>,
      %add3A_347 = arith.addf %add3A_323, %get3A_346 : vector<16xf32>
      %add3A_348 = arith.constant 4 : i32
      %add3A_349 = arith.addi %add3A_238, %add3A_348 : i32
      %get3A_350 = arith.index_cast %add3A_349 : i32 to index
      %get3A_351 = arith.constant 48 : index
      %get3A_352 = tpu.vector_load %arg7[%get3A_350, %get3A_351] {strides = array<i32>} : memref<1080x64xf32, #tpu.memory_space<vmem>>, vector<16xf32>,
      %add3A_353 = arith.addf %add3A_329, %get3A_352 : vector<16xf32>
      %add3A_354 = arith.constant 5 : i32
      %add3A_355 = arith.addi %add3A_238, %add3A_354 : i32
      %get3A_356 = arith.index_cast %add3A_355 : i32 to index
      %get3A_357 = arith.constant 0 : index
      %get3A_358 = tpu.vector_load %arg7[%get3A_356, %get3A_357] {strides = array<i32>} : memref<1080x64xf32, #tpu.memory_space<vmem>>, vector<16xf32>,
      %add3A_359 = arith.addf %add3A_335, %get3A_358 : vector<16xf32>
      %add3A_360 = arith.constant 5 : i32
      %add3A_361 = arith.addi %add3A_238, %add3A_360 : i32
      %get3A_362 = arith.index_cast %add3A_361 : i32 to index
      %get3A_363 = arith.constant 16 : index
      %get3A_364 = tpu.vector_load %arg7[%get3A_362, %get3A_363] {strides = array<i32>} : memref<1080x64xf32, #tpu.memory_space<vmem>>, vector<16xf32>,
      %add3A_365 = arith.addf %add3A_341, %get3A_364 : vector<16xf32>
      %add3A_366 = arith.constant 5 : i32
      %add3A_367 = arith.addi %add3A_238, %add3A_366 : i32
      %get3A_368 = arith.index_cast %add3A_367 : i32 to index
      %get3A_369 = arith.constant 32 : index
      %get3A_370 = tpu.vector_load %arg7[%get3A_368, %get3A_369] {strides = array<i32>} : memref<1080x64xf32, #tpu.memory_space<vmem>>, vector<16xf32>,
      %add3A_371 = arith.addf %add3A_347, %get3A_370 : vector<16xf32>
      %add3A_372 = arith.constant 5 : i32
      %add3A_373 = arith.addi %add3A_238, %add3A_372 : i32
      %get3A_374 = arith.index_cast %add3A_373 : i32 to index
      %get3A_375 = arith.constant 48 : index
      %get3A_376 = tpu.vector_load %arg7[%get3A_374, %get3A_375] {strides = array<i32>} : memref<1080x64xf32, #tpu.memory_space<vmem>>, vector<16xf32>,
      %add3A_377 = arith.addf %add3A_353, %get3A_376 : vector<16xf32>
      %add3A_378 = arith.constant 6 : i32
      %add3A_379 = arith.addi %add3A_238, %add3A_378 : i32
      %get3A_380 = arith.index_cast %add3A_379 : i32 to index
      %get3A_381 = arith.constant 0 : index
      %get3A_382 = tpu.vector_load %arg7[%get3A_380, %get3A_381] {strides = array<i32>} : memref<1080x64xf32, #tpu.memory_space<vmem>>, vector<16xf32>,
      %add3A_383 = arith.addf %add3A_359, %get3A_382 : vector<16xf32>
      %add3A_384 = arith.constant 6 : i32
      %add3A_385 = arith.addi %add3A_238, %add3A_384 : i32
      %get3A_386 = arith.index_cast %add3A_385 : i32 to index
      %get3A_387 = arith.constant 16 : index
      %get3A_388 = tpu.vector_load %arg7[%get3A_386, %get3A_387] {strides = array<i32>} : memref<1080x64xf32, #tpu.memory_space<vmem>>, vector<16xf32>,
      %add3A_389 = arith.addf %add3A_365, %get3A_388 : vector<16xf32>
      %add3A_390 = arith.constant 6 : i32
      %add3A_391 = arith.addi %add3A_238, %add3A_390 : i32
      %get3A_392 = arith.index_cast %add3A_391 : i32 to index
      %get3A_393 = arith.constant 32 : index
      %get3A_394 = tpu.vector_load %arg7[%get3A_392, %get3A_393] {strides = array<i32>} : memref<1080x64xf32, #tpu.memory_space<vmem>>, vector<16xf32>,
      %add3A_395 = arith.addf %add3A_371, %get3A_394 : vector<16xf32>
      %add3A_396 = arith.constant 6 : i32
      %add3A_397 = arith.addi %add3A_238, %add3A_396 : i32
      %get3A_398 = arith.index_cast %add3A_397 : i32 to index
      %get3A_399 = arith.constant 48 : index
      %get3A_400 = tpu.vector_load %arg7[%get3A_398, %get3A_399] {strides = array<i32>} : memref<1080x64xf32, #tpu.memory_space<vmem>>, vector<16xf32>,
      %add3A_401 = arith.addf %add3A_377, %get3A_400 : vector<16xf32>
      %add3A_402 = arith.constant 7 : i32
      %add3A_403 = arith.addi %add3A_238, %add3A_402 : i32
      %get3A_404 = arith.index_cast %add3A_403 : i32 to index
      %get3A_405 = arith.constant 0 : index
      %get3A_406 = tpu.vector_load %arg7[%get3A_404, %get3A_405] {strides = array<i32>} : memref<1080x64xf32, #tpu.memory_space<vmem>>, vector<16xf32>,
      %add3A_407 = arith.addf %add3A_383, %get3A_406 : vector<16xf32>
      %add3A_408 = arith.constant 7 : i32
      %add3A_409 = arith.addi %add3A_238, %add3A_408 : i32
      %get3A_410 = arith.index_cast %add3A_409 : i32 to index
      %get3A_411 = arith.constant 16 : index
      %get3A_412 = tpu.vector_load %arg7[%get3A_410, %get3A_411] {strides = array<i32>} : memref<1080x64xf32, #tpu.memory_space<vmem>>, vector<16xf32>,
      %add3A_413 = arith.addf %add3A_389, %get3A_412 : vector<16xf32>
      %add3A_414 = arith.constant 7 : i32
      %add3A_415 = arith.addi %add3A_238, %add3A_414 : i32
      %get3A_416 = arith.index_cast %add3A_415 : i32 to index
      %get3A_417 = arith.constant 32 : index
      %get3A_418 = tpu.vector_load %arg7[%get3A_416, %get3A_417] {strides = array<i32>} : memref<1080x64xf32, #tpu.memory_space<vmem>>, vector<16xf32>,
      %add3A_419 = arith.addf %add3A_395, %get3A_418 : vector<16xf32>
      %add3A_420 = arith.constant 7 : i32
      %add3A_421 = arith.addi %add3A_238, %add3A_420 : i32
      %get3A_422 = arith.index_cast %add3A_421 : i32 to index
      %get3A_423 = arith.constant 48 : index
      %get3A_424 = tpu.vector_load %arg7[%get3A_422, %get3A_423] {strides = array<i32>} : memref<1080x64xf32, #tpu.memory_space<vmem>>, vector<16xf32>,
      %add3A_425 = arith.addf %add3A_401, %get3A_424 : vector<16xf32>
      %add3A_426 = arith.constant 8 : i32
      %add3A_427 = arith.addi %add3A_238, %add3A_426 : i32
      %get3A_428 = arith.index_cast %add3A_427 : i32 to index
      %get3A_429 = arith.constant 0 : index
      %get3A_430 = tpu.vector_load %arg7[%get3A_428, %get3A_429] {strides = array<i32>} : memref<1080x64xf32, #tpu.memory_space<vmem>>, vector<16xf32>,
      %add3A_431 = arith.addf %add3A_407, %get3A_430 : vector<16xf32>
      %add3A_432 = arith.constant 8 : i32
      %add3A_433 = arith.addi %add3A_238, %add3A_432 : i32
      %get3A_434 = arith.index_cast %add3A_433 : i32 to index
      %get3A_435 = arith.constant 16 : index
      %get3A_436 = tpu.vector_load %arg7[%get3A_434, %get3A_435] {strides = array<i32>} : memref<1080x64xf32, #tpu.memory_space<vmem>>, vector<16xf32>,
      %add3A_437 = arith.addf %add3A_413, %get3A_436 : vector<16xf32>
      %add3A_438 = arith.constant 8 : i32
      %add3A_439 = arith.addi %add3A_238, %add3A_438 : i32
      %get3A_440 = arith.index_cast %add3A_439 : i32 to index
      %get3A_441 = arith.constant 32 : index
      %get3A_442 = tpu.vector_load %arg7[%get3A_440, %get3A_441] {strides = array<i32>} : memref<1080x64xf32, #tpu.memory_space<vmem>>, vector<16xf32>,
      %add3A_443 = arith.addf %add3A_419, %get3A_442 : vector<16xf32>
      %add3A_444 = arith.constant 8 : i32
      %add3A_445 = arith.addi %add3A_238, %add3A_444 : i32
      %get3A_446 = arith.index_cast %add3A_445 : i32 to index
      %get3A_447 = arith.constant 48 : index
      %get3A_448 = tpu.vector_load %arg7[%get3A_446, %get3A_447] {strides = array<i32>} : memref<1080x64xf32, #tpu.memory_space<vmem>>, vector<16xf32>,
      %add3A_449 = arith.addf %add3A_425, %get3A_448 : vector<16xf32>
      %add3A_450 = arith.constant 9 : i32
      %add3A_451 = arith.addi %add3A_238, %add3A_450 : i32
      %get3A_452 = arith.index_cast %add3A_451 : i32 to index
      %get3A_453 = arith.constant 0 : index
      %get3A_454 = tpu.vector_load %arg7[%get3A_452, %get3A_453] {strides = array<i32>} : memref<1080x64xf32, #tpu.memory_space<vmem>>, vector<16xf32>,
      %add3A_455 = arith.addf %add3A_431, %get3A_454 : vector<16xf32>
      %add3A_456 = arith.constant 9 : i32
      %add3A_457 = arith.addi %add3A_238, %add3A_456 : i32
      %get3A_458 = arith.index_cast %add3A_457 : i32 to index
      %get3A_459 = arith.constant 16 : index
      %get3A_460 = tpu.vector_load %arg7[%get3A_458, %get3A_459] {strides = array<i32>} : memref<1080x64xf32, #tpu.memory_space<vmem>>, vector<16xf32>,
      %add3A_461 = arith.addf %add3A_437, %get3A_460 : vector<16xf32>
      %add3A_462 = arith.constant 9 : i32
      %add3A_463 = arith.addi %add3A_238, %add3A_462 : i32
      %get3A_464 = arith.index_cast %add3A_463 : i32 to index
      %get3A_465 = arith.constant 32 : index
      %get3A_466 = tpu.vector_load %arg7[%get3A_464, %get3A_465] {strides = array<i32>} : memref<1080x64xf32, #tpu.memory_space<vmem>>, vector<16xf32>,
      %add3A_467 = arith.addf %add3A_443, %get3A_466 : vector<16xf32>
      %add3A_468 = arith.constant 9 : i32
      %add3A_469 = arith.addi %add3A_238, %add3A_468 : i32
      %get3A_470 = arith.index_cast %add3A_469 : i32 to index
      %get3A_471 = arith.constant 48 : index
      %get3A_472 = tpu.vector_load %arg7[%get3A_470, %get3A_471] {strides = array<i32>} : memref<1080x64xf32, #tpu.memory_space<vmem>>, vector<16xf32>,
      %add3A_473 = arith.addf %add3A_449, %get3A_472 : vector<16xf32>
      %add3A_474 = arith.constant 10 : i32
      %add3A_475 = arith.addi %add3A_238, %add3A_474 : i32
      %get3A_476 = arith.index_cast %add3A_475 : i32 to index
      %get3A_477 = arith.constant 0 : index
      %get3A_478 = tpu.vector_load %arg7[%get3A_476, %get3A_477] {strides = array<i32>} : memref<1080x64xf32, #tpu.memory_space<vmem>>, vector<16xf32>,
      %add3A_479 = arith.addf %add3A_455, %get3A_478 : vector<16xf32>
      %add3A_480 = arith.constant 10 : i32
      %add3A_481 = arith.addi %add3A_238, %add3A_480 : i32
      %get3A_482 = arith.index_cast %add3A_481 : i32 to index
      %get3A_483 = arith.constant 16 : index
      %get3A_484 = tpu.vector_load %arg7[%get3A_482, %get3A_483] {strides = array<i32>} : memref<1080x64xf32, #tpu.memory_space<vmem>>, vector<16xf32>,
      %add3A_485 = arith.addf %add3A_461, %get3A_484 : vector<16xf32>
      %add3A_486 = arith.constant 10 : i32
      %add3A_487 = arith.addi %add3A_238, %add3A_486 : i32
      %get3A_488 = arith.index_cast %add3A_487 : i32 to index
      %get3A_489 = arith.constant 32 : index
      %get3A_490 = tpu.vector_load %arg7[%get3A_488, %get3A_489] {strides = array<i32>} : memref<1080x64xf32, #tpu.memory_space<vmem>>, vector<16xf32>,
      %add3A_491 = arith.addf %add3A_467, %get3A_490 : vector<16xf32>
      %add3A_492 = arith.constant 10 : i32
      %add3A_493 = arith.addi %add3A_238, %add3A_492 : i32
      %get3A_494 = arith.index_cast %add3A_493 : i32 to index
      %get3A_495 = arith.constant 48 : index
      %get3A_496 = tpu.vector_load %arg7[%get3A_494, %get3A_495] {strides = array<i32>} : memref<1080x64xf32, #tpu.memory_space<vmem>>, vector<16xf32>,
      %add3A_497 = arith.addf %add3A_473, %get3A_496 : vector<16xf32>
      %add3A_498 = arith.constant 11 : i32
      %add3A_499 = arith.addi %add3A_238, %add3A_498 : i32
      %get3A_500 = arith.index_cast %add3A_499 : i32 to index
      %get3A_501 = arith.constant 0 : index
      %get3A_502 = tpu.vector_load %arg7[%get3A_500, %get3A_501] {strides = array<i32>} : memref<1080x64xf32, #tpu.memory_space<vmem>>, vector<16xf32>,
      %add3A_503 = arith.addf %add3A_479, %get3A_502 : vector<16xf32>
      %add3A_504 = arith.constant 11 : i32
      %add3A_505 = arith.addi %add3A_238, %add3A_504 : i32
      %get3A_506 = arith.index_cast %add3A_505 : i32 to index
      %get3A_507 = arith.constant 16 : index
      %get3A_508 = tpu.vector_load %arg7[%get3A_506, %get3A_507] {strides = array<i32>} : memref<1080x64xf32, #tpu.memory_space<vmem>>, vector<16xf32>,
      %add3A_509 = arith.addf %add3A_485, %get3A_508 : vector<16xf32>
      %add3A_510 = arith.constant 11 : i32
      %add3A_511 = arith.addi %add3A_238, %add3A_510 : i32
      %get3A_512 = arith.index_cast %add3A_511 : i32 to index
      %get3A_513 = arith.constant 32 : index
      %get3A_514 = tpu.vector_load %arg7[%get3A_512, %get3A_513] {strides = array<i32>} : memref<1080x64xf32, #tpu.memory_space<vmem>>, vector<16xf32>,
      %add3A_515 = arith.addf %add3A_491, %get3A_514 : vector<16xf32>
      %add3A_516 = arith.constant 11 : i32
      %add3A_517 = arith.addi %add3A_238, %add3A_516 : i32
      %get3A_518 = arith.index_cast %add3A_517 : i32 to index
      %get3A_519 = arith.constant 48 : index
      %get3A_520 = tpu.vector_load %arg7[%get3A_518, %get3A_519] {strides = array<i32>} : memref<1080x64xf32, #tpu.memory_space<vmem>>, vector<16xf32>,
      %add3A_521 = arith.addf %add3A_497, %get3A_520 : vector<16xf32>
      %add3A_522 = arith.constant 12 : i32
      %add3A_523 = arith.addi %add3A_238, %add3A_522 : i32
      %get3A_524 = arith.index_cast %add3A_523 : i32 to index
      %get3A_525 = arith.constant 0 : index
      %get3A_526 = tpu.vector_load %arg7[%get3A_524, %get3A_525] {strides = array<i32>} : memref<1080x64xf32, #tpu.memory_space<vmem>>, vector<16xf32>,
      %add3A_527 = arith.addf %add3A_503, %get3A_526 : vector<16xf32>
      %add3A_528 = arith.constant 12 : i32
      %add3A_529 = arith.addi %add3A_238, %add3A_528 : i32
      %get3A_530 = arith.index_cast %add3A_529 : i32 to index
      %get3A_531 = arith.constant 16 : index
      %get3A_532 = tpu.vector_load %arg7[%get3A_530, %get3A_531] {strides = array<i32>} : memref<1080x64xf32, #tpu.memory_space<vmem>>, vector<16xf32>,
      %add3A_533 = arith.addf %add3A_509, %get3A_532 : vector<16xf32>
      %add3A_534 = arith.constant 12 : i32
      %add3A_535 = arith.addi %add3A_238, %add3A_534 : i32
      %get3A_536 = arith.index_cast %add3A_535 : i32 to index
      %get3A_537 = arith.constant 32 : index
      %get3A_538 = tpu.vector_load %arg7[%get3A_536, %get3A_537] {strides = array<i32>} : memref<1080x64xf32, #tpu.memory_space<vmem>>, vector<16xf32>,
      %add3A_539 = arith.addf %add3A_515, %get3A_538 : vector<16xf32>
      %add3A_540 = arith.constant 12 : i32
      %add3A_541 = arith.addi %add3A_238, %add3A_540 : i32
      %get3A_542 = arith.index_cast %add3A_541 : i32 to index
      %get3A_543 = arith.constant 48 : index
      %get3A_544 = tpu.vector_load %arg7[%get3A_542, %get3A_543] {strides = array<i32>} : memref<1080x64xf32, #tpu.memory_space<vmem>>, vector<16xf32>,
      %add3A_545 = arith.addf %add3A_521, %get3A_544 : vector<16xf32>
      %add3A_546 = arith.constant 13 : i32
      %add3A_547 = arith.addi %add3A_238, %add3A_546 : i32
      %get3A_548 = arith.index_cast %add3A_547 : i32 to index
      %get3A_549 = arith.constant 0 : index
      %get3A_550 = tpu.vector_load %arg7[%get3A_548, %get3A_549] {strides = array<i32>} : memref<1080x64xf32, #tpu.memory_space<vmem>>, vector<16xf32>,
      %add3A_551 = arith.addf %add3A_527, %get3A_550 : vector<16xf32>
      %add3A_552 = arith.constant 13 : i32
      %add3A_553 = arith.addi %add3A_238, %add3A_552 : i32
      %get3A_554 = arith.index_cast %add3A_553 : i32 to index
      %get3A_555 = arith.constant 16 : index
      %get3A_556 = tpu.vector_load %arg7[%get3A_554, %get3A_555] {strides = array<i32>} : memref<1080x64xf32, #tpu.memory_space<vmem>>, vector<16xf32>,
      %add3A_557 = arith.addf %add3A_533, %get3A_556 : vector<16xf32>
      %add3A_558 = arith.constant 13 : i32
      %add3A_559 = arith.addi %add3A_238, %add3A_558 : i32
      %get3A_560 = arith.index_cast %add3A_559 : i32 to index
      %get3A_561 = arith.constant 32 : index
      %get3A_562 = tpu.vector_load %arg7[%get3A_560, %get3A_561] {strides = array<i32>} : memref<1080x64xf32, #tpu.memory_space<vmem>>, vector<16xf32>,
      %add3A_563 = arith.addf %add3A_539, %get3A_562 : vector<16xf32>
      %add3A_564 = arith.constant 13 : i32
      %add3A_565 = arith.addi %add3A_238, %add3A_564 : i32
      %get3A_566 = arith.index_cast %add3A_565 : i32 to index
      %get3A_567 = arith.constant 48 : index
      %get3A_568 = tpu.vector_load %arg7[%get3A_566, %get3A_567] {strides = array<i32>} : memref<1080x64xf32, #tpu.memory_space<vmem>>, vector<16xf32>,
      %add3A_569 = arith.addf %add3A_545, %get3A_568 : vector<16xf32>
      %add3A_570 = arith.constant 14 : i32
      %add3A_571 = arith.addi %add3A_238, %add3A_570 : i32
      %get3A_572 = arith.index_cast %add3A_571 : i32 to index
      %get3A_573 = arith.constant 0 : index
      %get3A_574 = tpu.vector_load %arg7[%get3A_572, %get3A_573] {strides = array<i32>} : memref<1080x64xf32, #tpu.memory_space<vmem>>, vector<16xf32>,
      %add3A_575 = arith.addf %add3A_551, %get3A_574 : vector<16xf32>
      %add3A_576 = arith.constant 14 : i32
      %add3A_577 = arith.addi %add3A_238, %add3A_576 : i32
      %get3A_578 = arith.index_cast %add3A_577 : i32 to index
      %get3A_579 = arith.constant 16 : index
      %get3A_580 = tpu.vector_load %arg7[%get3A_578, %get3A_579] {strides = array<i32>} : memref<1080x64xf32, #tpu.memory_space<vmem>>, vector<16xf32>,
      %add3A_581 = arith.addf %add3A_557, %get3A_580 : vector<16xf32>
      %add3A_582 = arith.constant 14 : i32
      %add3A_583 = arith.addi %add3A_238, %add3A_582 : i32
      %get3A_584 = arith.index_cast %add3A_583 : i32 to index
      %get3A_585 = arith.constant 32 : index
      %get3A_586 = tpu.vector_load %arg7[%get3A_584, %get3A_585] {strides = array<i32>} : memref<1080x64xf32, #tpu.memory_space<vmem>>, vector<16xf32>,
      %add3A_587 = arith.addf %add3A_563, %get3A_586 : vector<16xf32>
      %add3A_588 = arith.constant 14 : i32
      %add3A_589 = arith.addi %add3A_238, %add3A_588 : i32
      %get3A_590 = arith.index_cast %add3A_589 : i32 to index
      %get3A_591 = arith.constant 48 : index
      %get3A_592 = tpu.vector_load %arg7[%get3A_590, %get3A_591] {strides = array<i32>} : memref<1080x64xf32, #tpu.memory_space<vmem>>, vector<16xf32>,
      %add3A_593 = arith.addf %add3A_569, %get3A_592 : vector<16xf32>
      %mul3A_594 = arith.constant 0.533333361 : f32
      %mul3A_595 = vector.broadcast %mul3A_594 : f32 to vector<16xf32>
      %mul3A_596 = arith.mulf %add3A_575, %mul3A_595 : vector<16xf32>
      %mul3A_597 = arith.constant 3 : i32
      %mul3A_598 = arith.muli %scan3A_233, %mul3A_597 : i32
      %add3A_599 = arith.constant 0 : i32
      %add3A_600 = arith.addi %mul3A_598, %add3A_599 : i32
      %get3A_601 = arith.index_cast %add3A_600 : i32 to index
      %get3A_602 = arith.constant 0 : index
      %get3A_603 = tpu.vector_load %arg8[%get3A_601, %get3A_602] {strides = array<i32>} : memref<72x64xf32, #tpu.memory_space<vmem>>, vector<16xf32>,
      %add3A_604 = arith.addf %mul3A_596, %get3A_603 : vector<16xf32>
      %mul3A_605 = arith.constant 0.533333361 : f32
      %mul3A_606 = vector.broadcast %mul3A_605 : f32 to vector<16xf32>
      %mul3A_607 = arith.mulf %add3A_581, %mul3A_606 : vector<16xf32>
      %mul3A_608 = arith.constant 3 : i32
      %mul3A_609 = arith.muli %scan3A_233, %mul3A_608 : i32
      %add3A_610 = arith.constant 0 : i32
      %add3A_611 = arith.addi %mul3A_609, %add3A_610 : i32
      %get3A_612 = arith.index_cast %add3A_611 : i32 to index
      %get3A_613 = arith.constant 16 : index
      %get3A_614 = tpu.vector_load %arg8[%get3A_612, %get3A_613] {strides = array<i32>} : memref<72x64xf32, #tpu.memory_space<vmem>>, vector<16xf32>,
      %add3A_615 = arith.addf %mul3A_607, %get3A_614 : vector<16xf32>
      %mul3A_616 = arith.constant 0.533333361 : f32
      %mul3A_617 = vector.broadcast %mul3A_616 : f32 to vector<16xf32>
      %mul3A_618 = arith.mulf %add3A_587, %mul3A_617 : vector<16xf32>
      %mul3A_619 = arith.constant 3 : i32
      %mul3A_620 = arith.muli %scan3A_233, %mul3A_619 : i32
      %add3A_621 = arith.constant 0 : i32
      %add3A_622 = arith.addi %mul3A_620, %add3A_621 : i32
      %get3A_623 = arith.index_cast %add3A_622 : i32 to index
      %get3A_624 = arith.constant 32 : index
      %get3A_625 = tpu.vector_load %arg8[%get3A_623, %get3A_624] {strides = array<i32>} : memref<72x64xf32, #tpu.memory_space<vmem>>, vector<16xf32>,
      %add3A_626 = arith.addf %mul3A_618, %get3A_625 : vector<16xf32>
      %mul3A_627 = arith.constant 0.533333361 : f32
      %mul3A_628 = vector.broadcast %mul3A_627 : f32 to vector<16xf32>
      %mul3A_629 = arith.mulf %add3A_593, %mul3A_628 : vector<16xf32>
      %mul3A_630 = arith.constant 3 : i32
      %mul3A_631 = arith.muli %scan3A_233, %mul3A_630 : i32
      %add3A_632 = arith.constant 0 : i32
      %add3A_633 = arith.addi %mul3A_631, %add3A_632 : i32
      %get3A_634 = arith.index_cast %add3A_633 : i32 to index
      %get3A_635 = arith.constant 48 : index
      %get3A_636 = tpu.vector_load %arg8[%get3A_634, %get3A_635] {strides = array<i32>} : memref<72x64xf32, #tpu.memory_space<vmem>>, vector<16xf32>,
      %add3A_637 = arith.addf %mul3A_629, %get3A_636 : vector<16xf32>
      %add3A_638 = arith.constant 15 : i32
      %add3A_639 = arith.addi %mul3A_236, %add3A_638 : i32
      %add3A_640 = arith.constant 0 : i32
      %add3A_641 = arith.addi %add3A_639, %add3A_640 : i32
      %get3A_642 = arith.index_cast %add3A_641 : i32 to index
      %get3A_643 = arith.constant 0 : index
      %get3A_644 = tpu.vector_load %arg7[%get3A_642, %get3A_643] {strides = array<i32>} : memref<1080x64xf32, #tpu.memory_space<vmem>>, vector<16xf32>,
      %add3A_645 = arith.constant 0 : i32
      %add3A_646 = arith.addi %add3A_639, %add3A_645 : i32
      %get3A_647 = arith.index_cast %add3A_646 : i32 to index
      %get3A_648 = arith.constant 16 : index
      %get3A_649 = tpu.vector_load %arg7[%get3A_647, %get3A_648] {strides = array<i32>} : memref<1080x64xf32, #tpu.memory_space<vmem>>, vector<16xf32>,
      %add3A_650 = arith.constant 0 : i32
      %add3A_651 = arith.addi %add3A_639, %add3A_650 : i32
      %get3A_652 = arith.index_cast %add3A_651 : i32 to index
      %get3A_653 = arith.constant 32 : index
      %get3A_654 = tpu.vector_load %arg7[%get3A_652, %get3A_653] {strides = array<i32>} : memref<1080x64xf32, #tpu.memory_space<vmem>>, vector<16xf32>,
      %add3A_655 = arith.constant 0 : i32
      %add3A_656 = arith.addi %add3A_639, %add3A_655 : i32
      %get3A_657 = arith.index_cast %add3A_656 : i32 to index
      %get3A_658 = arith.constant 48 : index
      %get3A_659 = tpu.vector_load %arg7[%get3A_657, %get3A_658] {strides = array<i32>} : memref<1080x64xf32, #tpu.memory_space<vmem>>, vector<16xf32>,
      %add3A_660 = arith.constant 1 : i32
      %add3A_661 = arith.addi %add3A_639, %add3A_660 : i32
      %get3A_662 = arith.index_cast %add3A_661 : i32 to index
      %get3A_663 = arith.constant 0 : index
      %get3A_664 = tpu.vector_load %arg7[%get3A_662, %get3A_663] {strides = array<i32>} : memref<1080x64xf32, #tpu.memory_space<vmem>>, vector<16xf32>,
      %add3A_665 = arith.addf %get3A_644, %get3A_664 : vector<16xf32>
      %add3A_666 = arith.constant 1 : i32
      %add3A_667 = arith.addi %add3A_639, %add3A_666 : i32
      %get3A_668 = arith.index_cast %add3A_667 : i32 to index
      %get3A_669 = arith.constant 16 : index
      %get3A_670 = tpu.vector_load %arg7[%get3A_668, %get3A_669] {strides = array<i32>} : memref<1080x64xf32, #tpu.memory_space<vmem>>, vector<16xf32>,
      %add3A_671 = arith.addf %get3A_649, %get3A_670 : vector<16xf32>
      %add3A_672 = arith.constant 1 : i32
      %add3A_673 = arith.addi %add3A_639, %add3A_672 : i32
      %get3A_674 = arith.index_cast %add3A_673 : i32 to index
      %get3A_675 = arith.constant 32 : index
      %get3A_676 = tpu.vector_load %arg7[%get3A_674, %get3A_675] {strides = array<i32>} : memref<1080x64xf32, #tpu.memory_space<vmem>>, vector<16xf32>,
      %add3A_677 = arith.addf %get3A_654, %get3A_676 : vector<16xf32>
      %add3A_678 = arith.constant 1 : i32
      %add3A_679 = arith.addi %add3A_639, %add3A_678 : i32
      %get3A_680 = arith.index_cast %add3A_679 : i32 to index
      %get3A_681 = arith.constant 48 : index
      %get3A_682 = tpu.vector_load %arg7[%get3A_680, %get3A_681] {strides = array<i32>} : memref<1080x64xf32, #tpu.memory_space<vmem>>, vector<16xf32>,
      %add3A_683 = arith.addf %get3A_659, %get3A_682 : vector<16xf32>
      %add3A_684 = arith.constant 2 : i32
      %add3A_685 = arith.addi %add3A_639, %add3A_684 : i32
      %get3A_686 = arith.index_cast %add3A_685 : i32 to index
      %get3A_687 = arith.constant 0 : index
      %get3A_688 = tpu.vector_load %arg7[%get3A_686, %get3A_687] {strides = array<i32>} : memref<1080x64xf32, #tpu.memory_space<vmem>>, vector<16xf32>,
      %add3A_689 = arith.addf %add3A_665, %get3A_688 : vector<16xf32>
      %add3A_690 = arith.constant 2 : i32
      %add3A_691 = arith.addi %add3A_639, %add3A_690 : i32
      %get3A_692 = arith.index_cast %add3A_691 : i32 to index
      %get3A_693 = arith.constant 16 : index
      %get3A_694 = tpu.vector_load %arg7[%get3A_692, %get3A_693] {strides = array<i32>} : memref<1080x64xf32, #tpu.memory_space<vmem>>, vector<16xf32>,
      %add3A_695 = arith.addf %add3A_671, %get3A_694 : vector<16xf32>
      %add3A_696 = arith.constant 2 : i32
      %add3A_697 = arith.addi %add3A_639, %add3A_696 : i32
      %get3A_698 = arith.index_cast %add3A_697 : i32 to index
      %get3A_699 = arith.constant 32 : index
      %get3A_700 = tpu.vector_load %arg7[%get3A_698, %get3A_699] {strides = array<i32>} : memref<1080x64xf32, #tpu.memory_space<vmem>>, vector<16xf32>,
      %add3A_701 = arith.addf %add3A_677, %get3A_700 : vector<16xf32>
      %add3A_702 = arith.constant 2 : i32
      %add3A_703 = arith.addi %add3A_639, %add3A_702 : i32
      %get3A_704 = arith.index_cast %add3A_703 : i32 to index
      %get3A_705 = arith.constant 48 : index
      %get3A_706 = tpu.vector_load %arg7[%get3A_704, %get3A_705] {strides = array<i32>} : memref<1080x64xf32, #tpu.memory_space<vmem>>, vector<16xf32>,
      %add3A_707 = arith.addf %add3A_683, %get3A_706 : vector<16xf32>
      %add3A_708 = arith.constant 3 : i32
      %add3A_709 = arith.addi %add3A_639, %add3A_708 : i32
      %get3A_710 = arith.index_cast %add3A_709 : i32 to index
      %get3A_711 = arith.constant 0 : index
      %get3A_712 = tpu.vector_load %arg7[%get3A_710, %get3A_711] {strides = array<i32>} : memref<1080x64xf32, #tpu.memory_space<vmem>>, vector<16xf32>,
      %add3A_713 = arith.addf %add3A_689, %get3A_712 : vector<16xf32>
      %add3A_714 = arith.constant 3 : i32
      %add3A_715 = arith.addi %add3A_639, %add3A_714 : i32
      %get3A_716 = arith.index_cast %add3A_715 : i32 to index
      %get3A_717 = arith.constant 16 : index
      %get3A_718 = tpu.vector_load %arg7[%get3A_716, %get3A_717] {strides = array<i32>} : memref<1080x64xf32, #tpu.memory_space<vmem>>, vector<16xf32>,
      %add3A_719 = arith.addf %add3A_695, %get3A_718 : vector<16xf32>
      %add3A_720 = arith.constant 3 : i32
      %add3A_721 = arith.addi %add3A_639, %add3A_720 : i32
      %get3A_722 = arith.index_cast %add3A_721 : i32 to index
      %get3A_723 = arith.constant 32 : index
      %get3A_724 = tpu.vector_load %arg7[%get3A_722, %get3A_723] {strides = array<i32>} : memref<1080x64xf32, #tpu.memory_space<vmem>>, vector<16xf32>,
      %add3A_725 = arith.addf %add3A_701, %get3A_724 : vector<16xf32>
      %add3A_726 = arith.constant 3 : i32
      %add3A_727 = arith.addi %add3A_639, %add3A_726 : i32
      %get3A_728 = arith.index_cast %add3A_727 : i32 to index
      %get3A_729 = arith.constant 48 : index
      %get3A_730 = tpu.vector_load %arg7[%get3A_728, %get3A_729] {strides = array<i32>} : memref<1080x64xf32, #tpu.memory_space<vmem>>, vector<16xf32>,
      %add3A_731 = arith.addf %add3A_707, %get3A_730 : vector<16xf32>
      %add3A_732 = arith.constant 4 : i32
      %add3A_733 = arith.addi %add3A_639, %add3A_732 : i32
      %get3A_734 = arith.index_cast %add3A_733 : i32 to index
      %get3A_735 = arith.constant 0 : index
      %get3A_736 = tpu.vector_load %arg7[%get3A_734, %get3A_735] {strides = array<i32>} : memref<1080x64xf32, #tpu.memory_space<vmem>>, vector<16xf32>,
      %add3A_737 = arith.addf %add3A_713, %get3A_736 : vector<16xf32>
      %add3A_738 = arith.constant 4 : i32
      %add3A_739 = arith.addi %add3A_639, %add3A_738 : i32
      %get3A_740 = arith.index_cast %add3A_739 : i32 to index
      %get3A_741 = arith.constant 16 : index
      %get3A_742 = tpu.vector_load %arg7[%get3A_740, %get3A_741] {strides = array<i32>} : memref<1080x64xf32, #tpu.memory_space<vmem>>, vector<16xf32>,
      %add3A_743 = arith.addf %add3A_719, %get3A_742 : vector<16xf32>
      %add3A_744 = arith.constant 4 : i32
      %add3A_745 = arith.addi %add3A_639, %add3A_744 : i32
      %get3A_746 = arith.index_cast %add3A_745 : i32 to index
      %get3A_747 = arith.constant 32 : index
      %get3A_748 = tpu.vector_load %arg7[%get3A_746, %get3A_747] {strides = array<i32>} : memref<1080x64xf32, #tpu.memory_space<vmem>>, vector<16xf32>,
      %add3A_749 = arith.addf %add3A_725, %get3A_748 : vector<16xf32>
      %add3A_750 = arith.constant 4 : i32
      %add3A_751 = arith.addi %add3A_639, %add3A_750 : i32
      %get3A_752 = arith.index_cast %add3A_751 : i32 to index
      %get3A_753 = arith.constant 48 : index
      %get3A_754 = tpu.vector_load %arg7[%get3A_752, %get3A_753] {strides = array<i32>} : memref<1080x64xf32, #tpu.memory_space<vmem>>, vector<16xf32>,
      %add3A_755 = arith.addf %add3A_731, %get3A_754 : vector<16xf32>
      %add3A_756 = arith.constant 5 : i32
      %add3A_757 = arith.addi %add3A_639, %add3A_756 : i32
      %get3A_758 = arith.index_cast %add3A_757 : i32 to index
      %get3A_759 = arith.constant 0 : index
      %get3A_760 = tpu.vector_load %arg7[%get3A_758, %get3A_759] {strides = array<i32>} : memref<1080x64xf32, #tpu.memory_space<vmem>>, vector<16xf32>,
      %add3A_761 = arith.addf %add3A_737, %get3A_760 : vector<16xf32>
      %add3A_762 = arith.constant 5 : i32
      %add3A_763 = arith.addi %add3A_639, %add3A_762 : i32
      %get3A_764 = arith.index_cast %add3A_763 : i32 to index
      %get3A_765 = arith.constant 16 : index
      %get3A_766 = tpu.vector_load %arg7[%get3A_764, %get3A_765] {strides = array<i32>} : memref<1080x64xf32, #tpu.memory_space<vmem>>, vector<16xf32>,
      %add3A_767 = arith.addf %add3A_743, %get3A_766 : vector<16xf32>
      %add3A_768 = arith.constant 5 : i32
      %add3A_769 = arith.addi %add3A_639, %add3A_768 : i32
      %get3A_770 = arith.index_cast %add3A_769 : i32 to index
      %get3A_771 = arith.constant 32 : index
      %get3A_772 = tpu.vector_load %arg7[%get3A_770, %get3A_771] {strides = array<i32>} : memref<1080x64xf32, #tpu.memory_space<vmem>>, vector<16xf32>,
      %add3A_773 = arith.addf %add3A_749, %get3A_772 : vector<16xf32>
      %add3A_774 = arith.constant 5 : i32
      %add3A_775 = arith.addi %add3A_639, %add3A_774 : i32
      %get3A_776 = arith.index_cast %add3A_775 : i32 to index
      %get3A_777 = arith.constant 48 : index
      %get3A_778 = tpu.vector_load %arg7[%get3A_776, %get3A_777] {strides = array<i32>} : memref<1080x64xf32, #tpu.memory_space<vmem>>, vector<16xf32>,
      %add3A_779 = arith.addf %add3A_755, %get3A_778 : vector<16xf32>
      %add3A_780 = arith.constant 6 : i32
      %add3A_781 = arith.addi %add3A_639, %add3A_780 : i32
      %get3A_782 = arith.index_cast %add3A_781 : i32 to index
      %get3A_783 = arith.constant 0 : index
      %get3A_784 = tpu.vector_load %arg7[%get3A_782, %get3A_783] {strides = array<i32>} : memref<1080x64xf32, #tpu.memory_space<vmem>>, vector<16xf32>,
      %add3A_785 = arith.addf %add3A_761, %get3A_784 : vector<16xf32>
      %add3A_786 = arith.constant 6 : i32
      %add3A_787 = arith.addi %add3A_639, %add3A_786 : i32
      %get3A_788 = arith.index_cast %add3A_787 : i32 to index
      %get3A_789 = arith.constant 16 : index
      %get3A_790 = tpu.vector_load %arg7[%get3A_788, %get3A_789] {strides = array<i32>} : memref<1080x64xf32, #tpu.memory_space<vmem>>, vector<16xf32>,
      %add3A_791 = arith.addf %add3A_767, %get3A_790 : vector<16xf32>
      %add3A_792 = arith.constant 6 : i32
      %add3A_793 = arith.addi %add3A_639, %add3A_792 : i32
      %get3A_794 = arith.index_cast %add3A_793 : i32 to index
      %get3A_795 = arith.constant 32 : index
      %get3A_796 = tpu.vector_load %arg7[%get3A_794, %get3A_795] {strides = array<i32>} : memref<1080x64xf32, #tpu.memory_space<vmem>>, vector<16xf32>,
      %add3A_797 = arith.addf %add3A_773, %get3A_796 : vector<16xf32>
      %add3A_798 = arith.constant 6 : i32
      %add3A_799 = arith.addi %add3A_639, %add3A_798 : i32
      %get3A_800 = arith.index_cast %add3A_799 : i32 to index
      %get3A_801 = arith.constant 48 : index
      %get3A_802 = tpu.vector_load %arg7[%get3A_800, %get3A_801] {strides = array<i32>} : memref<1080x64xf32, #tpu.memory_space<vmem>>, vector<16xf32>,
      %add3A_803 = arith.addf %add3A_779, %get3A_802 : vector<16xf32>
      %add3A_804 = arith.constant 7 : i32
      %add3A_805 = arith.addi %add3A_639, %add3A_804 : i32
      %get3A_806 = arith.index_cast %add3A_805 : i32 to index
      %get3A_807 = arith.constant 0 : index
      %get3A_808 = tpu.vector_load %arg7[%get3A_806, %get3A_807] {strides = array<i32>} : memref<1080x64xf32, #tpu.memory_space<vmem>>, vector<16xf32>,
      %add3A_809 = arith.addf %add3A_785, %get3A_808 : vector<16xf32>
      %add3A_810 = arith.constant 7 : i32
      %add3A_811 = arith.addi %add3A_639, %add3A_810 : i32
      %get3A_812 = arith.index_cast %add3A_811 : i32 to index
      %get3A_813 = arith.constant 16 : index
      %get3A_814 = tpu.vector_load %arg7[%get3A_812, %get3A_813] {strides = array<i32>} : memref<1080x64xf32, #tpu.memory_space<vmem>>, vector<16xf32>,
      %add3A_815 = arith.addf %add3A_791, %get3A_814 : vector<16xf32>
      %add3A_816 = arith.constant 7 : i32
      %add3A_817 = arith.addi %add3A_639, %add3A_816 : i32
      %get3A_818 = arith.index_cast %add3A_817 : i32 to index
      %get3A_819 = arith.constant 32 : index
      %get3A_820 = tpu.vector_load %arg7[%get3A_818, %get3A_819] {strides = array<i32>} : memref<1080x64xf32, #tpu.memory_space<vmem>>, vector<16xf32>,
      %add3A_821 = arith.addf %add3A_797, %get3A_820 : vector<16xf32>
      %add3A_822 = arith.constant 7 : i32
      %add3A_823 = arith.addi %add3A_639, %add3A_822 : i32
      %get3A_824 = arith.index_cast %add3A_823 : i32 to index
      %get3A_825 = arith.constant 48 : index
      %get3A_826 = tpu.vector_load %arg7[%get3A_824, %get3A_825] {strides = array<i32>} : memref<1080x64xf32, #tpu.memory_space<vmem>>, vector<16xf32>,
      %add3A_827 = arith.addf %add3A_803, %get3A_826 : vector<16xf32>
      %add3A_828 = arith.constant 8 : i32
      %add3A_829 = arith.addi %add3A_639, %add3A_828 : i32
      %get3A_830 = arith.index_cast %add3A_829 : i32 to index
      %get3A_831 = arith.constant 0 : index
      %get3A_832 = tpu.vector_load %arg7[%get3A_830, %get3A_831] {strides = array<i32>} : memref<1080x64xf32, #tpu.memory_space<vmem>>, vector<16xf32>,
      %add3A_833 = arith.addf %add3A_809, %get3A_832 : vector<16xf32>
      %add3A_834 = arith.constant 8 : i32
      %add3A_835 = arith.addi %add3A_639, %add3A_834 : i32
      %get3A_836 = arith.index_cast %add3A_835 : i32 to index
      %get3A_837 = arith.constant 16 : index
      %get3A_838 = tpu.vector_load %arg7[%get3A_836, %get3A_837] {strides = array<i32>} : memref<1080x64xf32, #tpu.memory_space<vmem>>, vector<16xf32>,
      %add3A_839 = arith.addf %add3A_815, %get3A_838 : vector<16xf32>
      %add3A_840 = arith.constant 8 : i32
      %add3A_841 = arith.addi %add3A_639, %add3A_840 : i32
      %get3A_842 = arith.index_cast %add3A_841 : i32 to index
      %get3A_843 = arith.constant 32 : index
      %get3A_844 = tpu.vector_load %arg7[%get3A_842, %get3A_843] {strides = array<i32>} : memref<1080x64xf32, #tpu.memory_space<vmem>>, vector<16xf32>,
      %add3A_845 = arith.addf %add3A_821, %get3A_844 : vector<16xf32>
      %add3A_846 = arith.constant 8 : i32
      %add3A_847 = arith.addi %add3A_639, %add3A_846 : i32
      %get3A_848 = arith.index_cast %add3A_847 : i32 to index
      %get3A_849 = arith.constant 48 : index
      %get3A_850 = tpu.vector_load %arg7[%get3A_848, %get3A_849] {strides = array<i32>} : memref<1080x64xf32, #tpu.memory_space<vmem>>, vector<16xf32>,
      %add3A_851 = arith.addf %add3A_827, %get3A_850 : vector<16xf32>
      %add3A_852 = arith.constant 9 : i32
      %add3A_853 = arith.addi %add3A_639, %add3A_852 : i32
      %get3A_854 = arith.index_cast %add3A_853 : i32 to index
      %get3A_855 = arith.constant 0 : index
      %get3A_856 = tpu.vector_load %arg7[%get3A_854, %get3A_855] {strides = array<i32>} : memref<1080x64xf32, #tpu.memory_space<vmem>>, vector<16xf32>,
      %add3A_857 = arith.addf %add3A_833, %get3A_856 : vector<16xf32>
      %add3A_858 = arith.constant 9 : i32
      %add3A_859 = arith.addi %add3A_639, %add3A_858 : i32
      %get3A_860 = arith.index_cast %add3A_859 : i32 to index
      %get3A_861 = arith.constant 16 : index
      %get3A_862 = tpu.vector_load %arg7[%get3A_860, %get3A_861] {strides = array<i32>} : memref<1080x64xf32, #tpu.memory_space<vmem>>, vector<16xf32>,
      %add3A_863 = arith.addf %add3A_839, %get3A_862 : vector<16xf32>
      %add3A_864 = arith.constant 9 : i32
      %add3A_865 = arith.addi %add3A_639, %add3A_864 : i32
      %get3A_866 = arith.index_cast %add3A_865 : i32 to index
      %get3A_867 = arith.constant 32 : index
      %get3A_868 = tpu.vector_load %arg7[%get3A_866, %get3A_867] {strides = array<i32>} : memref<1080x64xf32, #tpu.memory_space<vmem>>, vector<16xf32>,
      %add3A_869 = arith.addf %add3A_845, %get3A_868 : vector<16xf32>
      %add3A_870 = arith.constant 9 : i32
      %add3A_871 = arith.addi %add3A_639, %add3A_870 : i32
      %get3A_872 = arith.index_cast %add3A_871 : i32 to index
      %get3A_873 = arith.constant 48 : index
      %get3A_874 = tpu.vector_load %arg7[%get3A_872, %get3A_873] {strides = array<i32>} : memref<1080x64xf32, #tpu.memory_space<vmem>>, vector<16xf32>,
      %add3A_875 = arith.addf %add3A_851, %get3A_874 : vector<16xf32>
      %add3A_876 = arith.constant 10 : i32
      %add3A_877 = arith.addi %add3A_639, %add3A_876 : i32
      %get3A_878 = arith.index_cast %add3A_877 : i32 to index
      %get3A_879 = arith.constant 0 : index
      %get3A_880 = tpu.vector_load %arg7[%get3A_878, %get3A_879] {strides = array<i32>} : memref<1080x64xf32, #tpu.memory_space<vmem>>, vector<16xf32>,
      %add3A_881 = arith.addf %add3A_857, %get3A_880 : vector<16xf32>
      %add3A_882 = arith.constant 10 : i32
      %add3A_883 = arith.addi %add3A_639, %add3A_882 : i32
      %get3A_884 = arith.index_cast %add3A_883 : i32 to index
      %get3A_885 = arith.constant 16 : index
      %get3A_886 = tpu.vector_load %arg7[%get3A_884, %get3A_885] {strides = array<i32>} : memref<1080x64xf32, #tpu.memory_space<vmem>>, vector<16xf32>,
      %add3A_887 = arith.addf %add3A_863, %get3A_886 : vector<16xf32>
      %add3A_888 = arith.constant 10 : i32
      %add3A_889 = arith.addi %add3A_639, %add3A_888 : i32
      %get3A_890 = arith.index_cast %add3A_889 : i32 to index
      %get3A_891 = arith.constant 32 : index
      %get3A_892 = tpu.vector_load %arg7[%get3A_890, %get3A_891] {strides = array<i32>} : memref<1080x64xf32, #tpu.memory_space<vmem>>, vector<16xf32>,
      %add3A_893 = arith.addf %add3A_869, %get3A_892 : vector<16xf32>
      %add3A_894 = arith.constant 10 : i32
      %add3A_895 = arith.addi %add3A_639, %add3A_894 : i32
      %get3A_896 = arith.index_cast %add3A_895 : i32 to index
      %get3A_897 = arith.constant 48 : index
      %get3A_898 = tpu.vector_load %arg7[%get3A_896, %get3A_897] {strides = array<i32>} : memref<1080x64xf32, #tpu.memory_space<vmem>>, vector<16xf32>,
      %add3A_899 = arith.addf %add3A_875, %get3A_898 : vector<16xf32>
      %add3A_900 = arith.constant 11 : i32
      %add3A_901 = arith.addi %add3A_639, %add3A_900 : i32
      %get3A_902 = arith.index_cast %add3A_901 : i32 to index
      %get3A_903 = arith.constant 0 : index
      %get3A_904 = tpu.vector_load %arg7[%get3A_902, %get3A_903] {strides = array<i32>} : memref<1080x64xf32, #tpu.memory_space<vmem>>, vector<16xf32>,
      %add3A_905 = arith.addf %add3A_881, %get3A_904 : vector<16xf32>
      %add3A_906 = arith.constant 11 : i32
      %add3A_907 = arith.addi %add3A_639, %add3A_906 : i32
      %get3A_908 = arith.index_cast %add3A_907 : i32 to index
      %get3A_909 = arith.constant 16 : index
      %get3A_910 = tpu.vector_load %arg7[%get3A_908, %get3A_909] {strides = array<i32>} : memref<1080x64xf32, #tpu.memory_space<vmem>>, vector<16xf32>,
      %add3A_911 = arith.addf %add3A_887, %get3A_910 : vector<16xf32>
      %add3A_912 = arith.constant 11 : i32
      %add3A_913 = arith.addi %add3A_639, %add3A_912 : i32
      %get3A_914 = arith.index_cast %add3A_913 : i32 to index
      %get3A_915 = arith.constant 32 : index
      %get3A_916 = tpu.vector_load %arg7[%get3A_914, %get3A_915] {strides = array<i32>} : memref<1080x64xf32, #tpu.memory_space<vmem>>, vector<16xf32>,
      %add3A_917 = arith.addf %add3A_893, %get3A_916 : vector<16xf32>
      %add3A_918 = arith.constant 11 : i32
      %add3A_919 = arith.addi %add3A_639, %add3A_918 : i32
      %get3A_920 = arith.index_cast %add3A_919 : i32 to index
      %get3A_921 = arith.constant 48 : index
      %get3A_922 = tpu.vector_load %arg7[%get3A_920, %get3A_921] {strides = array<i32>} : memref<1080x64xf32, #tpu.memory_space<vmem>>, vector<16xf32>,
      %add3A_923 = arith.addf %add3A_899, %get3A_922 : vector<16xf32>
      %add3A_924 = arith.constant 12 : i32
      %add3A_925 = arith.addi %add3A_639, %add3A_924 : i32
      %get3A_926 = arith.index_cast %add3A_925 : i32 to index
      %get3A_927 = arith.constant 0 : index
      %get3A_928 = tpu.vector_load %arg7[%get3A_926, %get3A_927] {strides = array<i32>} : memref<1080x64xf32, #tpu.memory_space<vmem>>, vector<16xf32>,
      %add3A_929 = arith.addf %add3A_905, %get3A_928 : vector<16xf32>
      %add3A_930 = arith.constant 12 : i32
      %add3A_931 = arith.addi %add3A_639, %add3A_930 : i32
      %get3A_932 = arith.index_cast %add3A_931 : i32 to index
      %get3A_933 = arith.constant 16 : index
      %get3A_934 = tpu.vector_load %arg7[%get3A_932, %get3A_933] {strides = array<i32>} : memref<1080x64xf32, #tpu.memory_space<vmem>>, vector<16xf32>,
      %add3A_935 = arith.addf %add3A_911, %get3A_934 : vector<16xf32>
      %add3A_936 = arith.constant 12 : i32
      %add3A_937 = arith.addi %add3A_639, %add3A_936 : i32
      %get3A_938 = arith.index_cast %add3A_937 : i32 to index
      %get3A_939 = arith.constant 32 : index
      %get3A_940 = tpu.vector_load %arg7[%get3A_938, %get3A_939] {strides = array<i32>} : memref<1080x64xf32, #tpu.memory_space<vmem>>, vector<16xf32>,
      %add3A_941 = arith.addf %add3A_917, %get3A_940 : vector<16xf32>
      %add3A_942 = arith.constant 12 : i32
      %add3A_943 = arith.addi %add3A_639, %add3A_942 : i32
      %get3A_944 = arith.index_cast %add3A_943 : i32 to index
      %get3A_945 = arith.constant 48 : index
      %get3A_946 = tpu.vector_load %arg7[%get3A_944, %get3A_945] {strides = array<i32>} : memref<1080x64xf32, #tpu.memory_space<vmem>>, vector<16xf32>,
      %add3A_947 = arith.addf %add3A_923, %get3A_946 : vector<16xf32>
      %add3A_948 = arith.constant 13 : i32
      %add3A_949 = arith.addi %add3A_639, %add3A_948 : i32
      %get3A_950 = arith.index_cast %add3A_949 : i32 to index
      %get3A_951 = arith.constant 0 : index
      %get3A_952 = tpu.vector_load %arg7[%get3A_950, %get3A_951] {strides = array<i32>} : memref<1080x64xf32, #tpu.memory_space<vmem>>, vector<16xf32>,
      %add3A_953 = arith.addf %add3A_929, %get3A_952 : vector<16xf32>
      %add3A_954 = arith.constant 13 : i32
      %add3A_955 = arith.addi %add3A_639, %add3A_954 : i32
      %get3A_956 = arith.index_cast %add3A_955 : i32 to index
      %get3A_957 = arith.constant 16 : index
      %get3A_958 = tpu.vector_load %arg7[%get3A_956, %get3A_957] {strides = array<i32>} : memref<1080x64xf32, #tpu.memory_space<vmem>>, vector<16xf32>,
      %add3A_959 = arith.addf %add3A_935, %get3A_958 : vector<16xf32>
      %add3A_960 = arith.constant 13 : i32
      %add3A_961 = arith.addi %add3A_639, %add3A_960 : i32
      %get3A_962 = arith.index_cast %add3A_961 : i32 to index
      %get3A_963 = arith.constant 32 : index
      %get3A_964 = tpu.vector_load %arg7[%get3A_962, %get3A_963] {strides = array<i32>} : memref<1080x64xf32, #tpu.memory_space<vmem>>, vector<16xf32>,
      %add3A_965 = arith.addf %add3A_941, %get3A_964 : vector<16xf32>
      %add3A_966 = arith.constant 13 : i32
      %add3A_967 = arith.addi %add3A_639, %add3A_966 : i32
      %get3A_968 = arith.index_cast %add3A_967 : i32 to index
      %get3A_969 = arith.constant 48 : index
      %get3A_970 = tpu.vector_load %arg7[%get3A_968, %get3A_969] {strides = array<i32>} : memref<1080x64xf32, #tpu.memory_space<vmem>>, vector<16xf32>,
      %add3A_971 = arith.addf %add3A_947, %get3A_970 : vector<16xf32>
      %add3A_972 = arith.constant 14 : i32
      %add3A_973 = arith.addi %add3A_639, %add3A_972 : i32
      %get3A_974 = arith.index_cast %add3A_973 : i32 to index
      %get3A_975 = arith.constant 0 : index
      %get3A_976 = tpu.vector_load %arg7[%get3A_974, %get3A_975] {strides = array<i32>} : memref<1080x64xf32, #tpu.memory_space<vmem>>, vector<16xf32>,
      %add3A_977 = arith.addf %add3A_953, %get3A_976 : vector<16xf32>
      %add3A_978 = arith.constant 14 : i32
      %add3A_979 = arith.addi %add3A_639, %add3A_978 : i32
      %get3A_980 = arith.index_cast %add3A_979 : i32 to index
      %get3A_981 = arith.constant 16 : index
      %get3A_982 = tpu.vector_load %arg7[%get3A_980, %get3A_981] {strides = array<i32>} : memref<1080x64xf32, #tpu.memory_space<vmem>>, vector<16xf32>,
      %add3A_983 = arith.addf %add3A_959, %get3A_982 : vector<16xf32>
      %add3A_984 = arith.constant 14 : i32
      %add3A_985 = arith.addi %add3A_639, %add3A_984 : i32
      %get3A_986 = arith.index_cast %add3A_985 : i32 to index
      %get3A_987 = arith.constant 32 : index
      %get3A_988 = tpu.vector_load %arg7[%get3A_986, %get3A_987] {strides = array<i32>} : memref<1080x64xf32, #tpu.memory_space<vmem>>, vector<16xf32>,
      %add3A_989 = arith.addf %add3A_965, %get3A_988 : vector<16xf32>
      %add3A_990 = arith.constant 14 : i32
      %add3A_991 = arith.addi %add3A_639, %add3A_990 : i32
      %get3A_992 = arith.index_cast %add3A_991 : i32 to index
      %get3A_993 = arith.constant 48 : index
      %get3A_994 = tpu.vector_load %arg7[%get3A_992, %get3A_993] {strides = array<i32>} : memref<1080x64xf32, #tpu.memory_space<vmem>>, vector<16xf32>,
      %add3A_995 = arith.addf %add3A_971, %get3A_994 : vector<16xf32>
      %mul3A_996 = arith.constant 0.533333361 : f32
      %mul3A_997 = vector.broadcast %mul3A_996 : f32 to vector<16xf32>
      %mul3A_998 = arith.mulf %add3A_977, %mul3A_997 : vector<16xf32>
      %mul3A_999 = arith.constant 3 : i32
      %mul3A_1000 = arith.muli %scan3A_233, %mul3A_999 : i32
      %add3A_1001 = arith.constant 1 : i32
      %add3A_1002 = arith.addi %mul3A_1000, %add3A_1001 : i32
      %get3A_1003 = arith.index_cast %add3A_1002 : i32 to index
      %get3A_1004 = arith.constant 0 : index
      %get3A_1005 = tpu.vector_load %arg8[%get3A_1003, %get3A_1004] {strides = array<i32>} : memref<72x64xf32, #tpu.memory_space<vmem>>, vector<16xf32>,
      %add3A_1006 = arith.addf %mul3A_998, %get3A_1005 : vector<16xf32>
      %mul3A_1007 = arith.constant 0.533333361 : f32
      %mul3A_1008 = vector.broadcast %mul3A_1007 : f32 to vector<16xf32>
      %mul3A_1009 = arith.mulf %add3A_983, %mul3A_1008 : vector<16xf32>
      %mul3A_1010 = arith.constant 3 : i32
      %mul3A_1011 = arith.muli %scan3A_233, %mul3A_1010 : i32
      %add3A_1012 = arith.constant 1 : i32
      %add3A_1013 = arith.addi %mul3A_1011, %add3A_1012 : i32
      %get3A_1014 = arith.index_cast %add3A_1013 : i32 to index
      %get3A_1015 = arith.constant 16 : index
      %get3A_1016 = tpu.vector_load %arg8[%get3A_1014, %get3A_1015] {strides = array<i32>} : memref<72x64xf32, #tpu.memory_space<vmem>>, vector<16xf32>,
      %add3A_1017 = arith.addf %mul3A_1009, %get3A_1016 : vector<16xf32>
      %mul3A_1018 = arith.constant 0.533333361 : f32
      %mul3A_1019 = vector.broadcast %mul3A_1018 : f32 to vector<16xf32>
      %mul3A_1020 = arith.mulf %add3A_989, %mul3A_1019 : vector<16xf32>
      %mul3A_1021 = arith.constant 3 : i32
      %mul3A_1022 = arith.muli %scan3A_233, %mul3A_1021 : i32
      %add3A_1023 = arith.constant 1 : i32
      %add3A_1024 = arith.addi %mul3A_1022, %add3A_1023 : i32
      %get3A_1025 = arith.index_cast %add3A_1024 : i32 to index
      %get3A_1026 = arith.constant 32 : index
      %get3A_1027 = tpu.vector_load %arg8[%get3A_1025, %get3A_1026] {strides = array<i32>} : memref<72x64xf32, #tpu.memory_space<vmem>>, vector<16xf32>,
      %add3A_1028 = arith.addf %mul3A_1020, %get3A_1027 : vector<16xf32>
      %mul3A_1029 = arith.constant 0.533333361 : f32
      %mul3A_1030 = vector.broadcast %mul3A_1029 : f32 to vector<16xf32>
      %mul3A_1031 = arith.mulf %add3A_995, %mul3A_1030 : vector<16xf32>
      %mul3A_1032 = arith.constant 3 : i32
      %mul3A_1033 = arith.muli %scan3A_233, %mul3A_1032 : i32
      %add3A_1034 = arith.constant 1 : i32
      %add3A_1035 = arith.addi %mul3A_1033, %add3A_1034 : i32
      %get3A_1036 = arith.index_cast %add3A_1035 : i32 to index
      %get3A_1037 = arith.constant 48 : index
      %get3A_1038 = tpu.vector_load %arg8[%get3A_1036, %get3A_1037] {strides = array<i32>} : memref<72x64xf32, #tpu.memory_space<vmem>>, vector<16xf32>,
      %add3A_1039 = arith.addf %mul3A_1031, %get3A_1038 : vector<16xf32>
      %max3A = arith.maximumf %add3A_604, %add3A_1006 : vector<16xf32>
      %max3A_1040 = arith.maximumf %add3A_615, %add3A_1017 : vector<16xf32>
      %max3A_1041 = arith.maximumf %add3A_626, %add3A_1028 : vector<16xf32>
      %max3A_1042 = arith.maximumf %add3A_637, %add3A_1039 : vector<16xf32>
      %add3A_1043 = arith.constant 30 : i32
      %add3A_1044 = arith.addi %mul3A_236, %add3A_1043 : i32
      %add3A_1045 = arith.constant 0 : i32
      %add3A_1046 = arith.addi %add3A_1044, %add3A_1045 : i32
      %get3A_1047 = arith.index_cast %add3A_1046 : i32 to index
      %get3A_1048 = arith.constant 0 : index
      %get3A_1049 = tpu.vector_load %arg7[%get3A_1047, %get3A_1048] {strides = array<i32>} : memref<1080x64xf32, #tpu.memory_space<vmem>>, vector<16xf32>,
      %add3A_1050 = arith.constant 0 : i32
      %add3A_1051 = arith.addi %add3A_1044, %add3A_1050 : i32
      %get3A_1052 = arith.index_cast %add3A_1051 : i32 to index
      %get3A_1053 = arith.constant 16 : index
      %get3A_1054 = tpu.vector_load %arg7[%get3A_1052, %get3A_1053] {strides = array<i32>} : memref<1080x64xf32, #tpu.memory_space<vmem>>, vector<16xf32>,
      %add3A_1055 = arith.constant 0 : i32
      %add3A_1056 = arith.addi %add3A_1044, %add3A_1055 : i32
      %get3A_1057 = arith.index_cast %add3A_1056 : i32 to index
      %get3A_1058 = arith.constant 32 : index
      %get3A_1059 = tpu.vector_load %arg7[%get3A_1057, %get3A_1058] {strides = array<i32>} : memref<1080x64xf32, #tpu.memory_space<vmem>>, vector<16xf32>,
      %add3A_1060 = arith.constant 0 : i32
      %add3A_1061 = arith.addi %add3A_1044, %add3A_1060 : i32
      %get3A_1062 = arith.index_cast %add3A_1061 : i32 to index
      %get3A_1063 = arith.constant 48 : index
      %get3A_1064 = tpu.vector_load %arg7[%get3A_1062, %get3A_1063] {strides = array<i32>} : memref<1080x64xf32, #tpu.memory_space<vmem>>, vector<16xf32>,
      %add3A_1065 = arith.constant 1 : i32
      %add3A_1066 = arith.addi %add3A_1044, %add3A_1065 : i32
      %get3A_1067 = arith.index_cast %add3A_1066 : i32 to index
      %get3A_1068 = arith.constant 0 : index
      %get3A_1069 = tpu.vector_load %arg7[%get3A_1067, %get3A_1068] {strides = array<i32>} : memref<1080x64xf32, #tpu.memory_space<vmem>>, vector<16xf32>,
      %add3A_1070 = arith.addf %get3A_1049, %get3A_1069 : vector<16xf32>
      %add3A_1071 = arith.constant 1 : i32
      %add3A_1072 = arith.addi %add3A_1044, %add3A_1071 : i32
      %get3A_1073 = arith.index_cast %add3A_1072 : i32 to index
      %get3A_1074 = arith.constant 16 : index
      %get3A_1075 = tpu.vector_load %arg7[%get3A_1073, %get3A_1074] {strides = array<i32>} : memref<1080x64xf32, #tpu.memory_space<vmem>>, vector<16xf32>,
      %add3A_1076 = arith.addf %get3A_1054, %get3A_1075 : vector<16xf32>
      %add3A_1077 = arith.constant 1 : i32
      %add3A_1078 = arith.addi %add3A_1044, %add3A_1077 : i32
      %get3A_1079 = arith.index_cast %add3A_1078 : i32 to index
      %get3A_1080 = arith.constant 32 : index
      %get3A_1081 = tpu.vector_load %arg7[%get3A_1079, %get3A_1080] {strides = array<i32>} : memref<1080x64xf32, #tpu.memory_space<vmem>>, vector<16xf32>,
      %add3A_1082 = arith.addf %get3A_1059, %get3A_1081 : vector<16xf32>
      %add3A_1083 = arith.constant 1 : i32
      %add3A_1084 = arith.addi %add3A_1044, %add3A_1083 : i32
      %get3A_1085 = arith.index_cast %add3A_1084 : i32 to index
      %get3A_1086 = arith.constant 48 : index
      %get3A_1087 = tpu.vector_load %arg7[%get3A_1085, %get3A_1086] {strides = array<i32>} : memref<1080x64xf32, #tpu.memory_space<vmem>>, vector<16xf32>,
      %add3A_1088 = arith.addf %get3A_1064, %get3A_1087 : vector<16xf32>
      %add3A_1089 = arith.constant 2 : i32
      %add3A_1090 = arith.addi %add3A_1044, %add3A_1089 : i32
      %get3A_1091 = arith.index_cast %add3A_1090 : i32 to index
      %get3A_1092 = arith.constant 0 : index
      %get3A_1093 = tpu.vector_load %arg7[%get3A_1091, %get3A_1092] {strides = array<i32>} : memref<1080x64xf32, #tpu.memory_space<vmem>>, vector<16xf32>,
      %add3A_1094 = arith.addf %add3A_1070, %get3A_1093 : vector<16xf32>
      %add3A_1095 = arith.constant 2 : i32
      %add3A_1096 = arith.addi %add3A_1044, %add3A_1095 : i32
      %get3A_1097 = arith.index_cast %add3A_1096 : i32 to index
      %get3A_1098 = arith.constant 16 : index
      %get3A_1099 = tpu.vector_load %arg7[%get3A_1097, %get3A_1098] {strides = array<i32>} : memref<1080x64xf32, #tpu.memory_space<vmem>>, vector<16xf32>,
      %add3A_1100 = arith.addf %add3A_1076, %get3A_1099 : vector<16xf32>
      %add3A_1101 = arith.constant 2 : i32
      %add3A_1102 = arith.addi %add3A_1044, %add3A_1101 : i32
      %get3A_1103 = arith.index_cast %add3A_1102 : i32 to index
      %get3A_1104 = arith.constant 32 : index
      %get3A_1105 = tpu.vector_load %arg7[%get3A_1103, %get3A_1104] {strides = array<i32>} : memref<1080x64xf32, #tpu.memory_space<vmem>>, vector<16xf32>,
      %add3A_1106 = arith.addf %add3A_1082, %get3A_1105 : vector<16xf32>
      %add3A_1107 = arith.constant 2 : i32
      %add3A_1108 = arith.addi %add3A_1044, %add3A_1107 : i32
      %get3A_1109 = arith.index_cast %add3A_1108 : i32 to index
      %get3A_1110 = arith.constant 48 : index
      %get3A_1111 = tpu.vector_load %arg7[%get3A_1109, %get3A_1110] {strides = array<i32>} : memref<1080x64xf32, #tpu.memory_space<vmem>>, vector<16xf32>,
      %add3A_1112 = arith.addf %add3A_1088, %get3A_1111 : vector<16xf32>
      %add3A_1113 = arith.constant 3 : i32
      %add3A_1114 = arith.addi %add3A_1044, %add3A_1113 : i32
      %get3A_1115 = arith.index_cast %add3A_1114 : i32 to index
      %get3A_1116 = arith.constant 0 : index
      %get3A_1117 = tpu.vector_load %arg7[%get3A_1115, %get3A_1116] {strides = array<i32>} : memref<1080x64xf32, #tpu.memory_space<vmem>>, vector<16xf32>,
      %add3A_1118 = arith.addf %add3A_1094, %get3A_1117 : vector<16xf32>
      %add3A_1119 = arith.constant 3 : i32
      %add3A_1120 = arith.addi %add3A_1044, %add3A_1119 : i32
      %get3A_1121 = arith.index_cast %add3A_1120 : i32 to index
      %get3A_1122 = arith.constant 16 : index
      %get3A_1123 = tpu.vector_load %arg7[%get3A_1121, %get3A_1122] {strides = array<i32>} : memref<1080x64xf32, #tpu.memory_space<vmem>>, vector<16xf32>,
      %add3A_1124 = arith.addf %add3A_1100, %get3A_1123 : vector<16xf32>
      %add3A_1125 = arith.constant 3 : i32
      %add3A_1126 = arith.addi %add3A_1044, %add3A_1125 : i32
      %get3A_1127 = arith.index_cast %add3A_1126 : i32 to index
      %get3A_1128 = arith.constant 32 : index
      %get3A_1129 = tpu.vector_load %arg7[%get3A_1127, %get3A_1128] {strides = array<i32>} : memref<1080x64xf32, #tpu.memory_space<vmem>>, vector<16xf32>,
      %add3A_1130 = arith.addf %add3A_1106, %get3A_1129 : vector<16xf32>
      %add3A_1131 = arith.constant 3 : i32
      %add3A_1132 = arith.addi %add3A_1044, %add3A_1131 : i32
      %get3A_1133 = arith.index_cast %add3A_1132 : i32 to index
      %get3A_1134 = arith.constant 48 : index
      %get3A_1135 = tpu.vector_load %arg7[%get3A_1133, %get3A_1134] {strides = array<i32>} : memref<1080x64xf32, #tpu.memory_space<vmem>>, vector<16xf32>,
      %add3A_1136 = arith.addf %add3A_1112, %get3A_1135 : vector<16xf32>
      %add3A_1137 = arith.constant 4 : i32
      %add3A_1138 = arith.addi %add3A_1044, %add3A_1137 : i32
      %get3A_1139 = arith.index_cast %add3A_1138 : i32 to index
      %get3A_1140 = arith.constant 0 : index
      %get3A_1141 = tpu.vector_load %arg7[%get3A_1139, %get3A_1140] {strides = array<i32>} : memref<1080x64xf32, #tpu.memory_space<vmem>>, vector<16xf32>,
      %add3A_1142 = arith.addf %add3A_1118, %get3A_1141 : vector<16xf32>
      %add3A_1143 = arith.constant 4 : i32
      %add3A_1144 = arith.addi %add3A_1044, %add3A_1143 : i32
      %get3A_1145 = arith.index_cast %add3A_1144 : i32 to index
      %get3A_1146 = arith.constant 16 : index
      %get3A_1147 = tpu.vector_load %arg7[%get3A_1145, %get3A_1146] {strides = array<i32>} : memref<1080x64xf32, #tpu.memory_space<vmem>>, vector<16xf32>,
      %add3A_1148 = arith.addf %add3A_1124, %get3A_1147 : vector<16xf32>
      %add3A_1149 = arith.constant 4 : i32
      %add3A_1150 = arith.addi %add3A_1044, %add3A_1149 : i32
      %get3A_1151 = arith.index_cast %add3A_1150 : i32 to index
      %get3A_1152 = arith.constant 32 : index
      %get3A_1153 = tpu.vector_load %arg7[%get3A_1151, %get3A_1152] {strides = array<i32>} : memref<1080x64xf32, #tpu.memory_space<vmem>>, vector<16xf32>,
      %add3A_1154 = arith.addf %add3A_1130, %get3A_1153 : vector<16xf32>
      %add3A_1155 = arith.constant 4 : i32
      %add3A_1156 = arith.addi %add3A_1044, %add3A_1155 : i32
      %get3A_1157 = arith.index_cast %add3A_1156 : i32 to index
      %get3A_1158 = arith.constant 48 : index
      %get3A_1159 = tpu.vector_load %arg7[%get3A_1157, %get3A_1158] {strides = array<i32>} : memref<1080x64xf32, #tpu.memory_space<vmem>>, vector<16xf32>,
      %add3A_1160 = arith.addf %add3A_1136, %get3A_1159 : vector<16xf32>
      %add3A_1161 = arith.constant 5 : i32
      %add3A_1162 = arith.addi %add3A_1044, %add3A_1161 : i32
      %get3A_1163 = arith.index_cast %add3A_1162 : i32 to index
      %get3A_1164 = arith.constant 0 : index
      %get3A_1165 = tpu.vector_load %arg7[%get3A_1163, %get3A_1164] {strides = array<i32>} : memref<1080x64xf32, #tpu.memory_space<vmem>>, vector<16xf32>,
      %add3A_1166 = arith.addf %add3A_1142, %get3A_1165 : vector<16xf32>
      %add3A_1167 = arith.constant 5 : i32
      %add3A_1168 = arith.addi %add3A_1044, %add3A_1167 : i32
      %get3A_1169 = arith.index_cast %add3A_1168 : i32 to index
      %get3A_1170 = arith.constant 16 : index
      %get3A_1171 = tpu.vector_load %arg7[%get3A_1169, %get3A_1170] {strides = array<i32>} : memref<1080x64xf32, #tpu.memory_space<vmem>>, vector<16xf32>,
      %add3A_1172 = arith.addf %add3A_1148, %get3A_1171 : vector<16xf32>
      %add3A_1173 = arith.constant 5 : i32
      %add3A_1174 = arith.addi %add3A_1044, %add3A_1173 : i32
      %get3A_1175 = arith.index_cast %add3A_1174 : i32 to index
      %get3A_1176 = arith.constant 32 : index
      %get3A_1177 = tpu.vector_load %arg7[%get3A_1175, %get3A_1176] {strides = array<i32>} : memref<1080x64xf32, #tpu.memory_space<vmem>>, vector<16xf32>,
      %add3A_1178 = arith.addf %add3A_1154, %get3A_1177 : vector<16xf32>
      %add3A_1179 = arith.constant 5 : i32
      %add3A_1180 = arith.addi %add3A_1044, %add3A_1179 : i32
      %get3A_1181 = arith.index_cast %add3A_1180 : i32 to index
      %get3A_1182 = arith.constant 48 : index
      %get3A_1183 = tpu.vector_load %arg7[%get3A_1181, %get3A_1182] {strides = array<i32>} : memref<1080x64xf32, #tpu.memory_space<vmem>>, vector<16xf32>,
      %add3A_1184 = arith.addf %add3A_1160, %get3A_1183 : vector<16xf32>
      %add3A_1185 = arith.constant 6 : i32
      %add3A_1186 = arith.addi %add3A_1044, %add3A_1185 : i32
      %get3A_1187 = arith.index_cast %add3A_1186 : i32 to index
      %get3A_1188 = arith.constant 0 : index
      %get3A_1189 = tpu.vector_load %arg7[%get3A_1187, %get3A_1188] {strides = array<i32>} : memref<1080x64xf32, #tpu.memory_space<vmem>>, vector<16xf32>,
      %add3A_1190 = arith.addf %add3A_1166, %get3A_1189 : vector<16xf32>
      %add3A_1191 = arith.constant 6 : i32
      %add3A_1192 = arith.addi %add3A_1044, %add3A_1191 : i32
      %get3A_1193 = arith.index_cast %add3A_1192 : i32 to index
      %get3A_1194 = arith.constant 16 : index
      %get3A_1195 = tpu.vector_load %arg7[%get3A_1193, %get3A_1194] {strides = array<i32>} : memref<1080x64xf32, #tpu.memory_space<vmem>>, vector<16xf32>,
      %add3A_1196 = arith.addf %add3A_1172, %get3A_1195 : vector<16xf32>
      %add3A_1197 = arith.constant 6 : i32
      %add3A_1198 = arith.addi %add3A_1044, %add3A_1197 : i32
      %get3A_1199 = arith.index_cast %add3A_1198 : i32 to index
      %get3A_1200 = arith.constant 32 : index
      %get3A_1201 = tpu.vector_load %arg7[%get3A_1199, %get3A_1200] {strides = array<i32>} : memref<1080x64xf32, #tpu.memory_space<vmem>>, vector<16xf32>,
      %add3A_1202 = arith.addf %add3A_1178, %get3A_1201 : vector<16xf32>
      %add3A_1203 = arith.constant 6 : i32
      %add3A_1204 = arith.addi %add3A_1044, %add3A_1203 : i32
      %get3A_1205 = arith.index_cast %add3A_1204 : i32 to index
      %get3A_1206 = arith.constant 48 : index
      %get3A_1207 = tpu.vector_load %arg7[%get3A_1205, %get3A_1206] {strides = array<i32>} : memref<1080x64xf32, #tpu.memory_space<vmem>>, vector<16xf32>,
      %add3A_1208 = arith.addf %add3A_1184, %get3A_1207 : vector<16xf32>
      %add3A_1209 = arith.constant 7 : i32
      %add3A_1210 = arith.addi %add3A_1044, %add3A_1209 : i32
      %get3A_1211 = arith.index_cast %add3A_1210 : i32 to index
      %get3A_1212 = arith.constant 0 : index
      %get3A_1213 = tpu.vector_load %arg7[%get3A_1211, %get3A_1212] {strides = array<i32>} : memref<1080x64xf32, #tpu.memory_space<vmem>>, vector<16xf32>,
      %add3A_1214 = arith.addf %add3A_1190, %get3A_1213 : vector<16xf32>
      %add3A_1215 = arith.constant 7 : i32
      %add3A_1216 = arith.addi %add3A_1044, %add3A_1215 : i32
      %get3A_1217 = arith.index_cast %add3A_1216 : i32 to index
      %get3A_1218 = arith.constant 16 : index
      %get3A_1219 = tpu.vector_load %arg7[%get3A_1217, %get3A_1218] {strides = array<i32>} : memref<1080x64xf32, #tpu.memory_space<vmem>>, vector<16xf32>,
      %add3A_1220 = arith.addf %add3A_1196, %get3A_1219 : vector<16xf32>
      %add3A_1221 = arith.constant 7 : i32
      %add3A_1222 = arith.addi %add3A_1044, %add3A_1221 : i32
      %get3A_1223 = arith.index_cast %add3A_1222 : i32 to index
      %get3A_1224 = arith.constant 32 : index
      %get3A_1225 = tpu.vector_load %arg7[%get3A_1223, %get3A_1224] {strides = array<i32>} : memref<1080x64xf32, #tpu.memory_space<vmem>>, vector<16xf32>,
      %add3A_1226 = arith.addf %add3A_1202, %get3A_1225 : vector<16xf32>
      %add3A_1227 = arith.constant 7 : i32
      %add3A_1228 = arith.addi %add3A_1044, %add3A_1227 : i32
      %get3A_1229 = arith.index_cast %add3A_1228 : i32 to index
      %get3A_1230 = arith.constant 48 : index
      %get3A_1231 = tpu.vector_load %arg7[%get3A_1229, %get3A_1230] {strides = array<i32>} : memref<1080x64xf32, #tpu.memory_space<vmem>>, vector<16xf32>,
      %add3A_1232 = arith.addf %add3A_1208, %get3A_1231 : vector<16xf32>
      %add3A_1233 = arith.constant 8 : i32
      %add3A_1234 = arith.addi %add3A_1044, %add3A_1233 : i32
      %get3A_1235 = arith.index_cast %add3A_1234 : i32 to index
      %get3A_1236 = arith.constant 0 : index
      %get3A_1237 = tpu.vector_load %arg7[%get3A_1235, %get3A_1236] {strides = array<i32>} : memref<1080x64xf32, #tpu.memory_space<vmem>>, vector<16xf32>,
      %add3A_1238 = arith.addf %add3A_1214, %get3A_1237 : vector<16xf32>
      %add3A_1239 = arith.constant 8 : i32
      %add3A_1240 = arith.addi %add3A_1044, %add3A_1239 : i32
      %get3A_1241 = arith.index_cast %add3A_1240 : i32 to index
      %get3A_1242 = arith.constant 16 : index
      %get3A_1243 = tpu.vector_load %arg7[%get3A_1241, %get3A_1242] {strides = array<i32>} : memref<1080x64xf32, #tpu.memory_space<vmem>>, vector<16xf32>,
      %add3A_1244 = arith.addf %add3A_1220, %get3A_1243 : vector<16xf32>
      %add3A_1245 = arith.constant 8 : i32
      %add3A_1246 = arith.addi %add3A_1044, %add3A_1245 : i32
      %get3A_1247 = arith.index_cast %add3A_1246 : i32 to index
      %get3A_1248 = arith.constant 32 : index
      %get3A_1249 = tpu.vector_load %arg7[%get3A_1247, %get3A_1248] {strides = array<i32>} : memref<1080x64xf32, #tpu.memory_space<vmem>>, vector<16xf32>,
      %add3A_1250 = arith.addf %add3A_1226, %get3A_1249 : vector<16xf32>
      %add3A_1251 = arith.constant 8 : i32
      %add3A_1252 = arith.addi %add3A_1044, %add3A_1251 : i32
      %get3A_1253 = arith.index_cast %add3A_1252 : i32 to index
      %get3A_1254 = arith.constant 48 : index
      %get3A_1255 = tpu.vector_load %arg7[%get3A_1253, %get3A_1254] {strides = array<i32>} : memref<1080x64xf32, #tpu.memory_space<vmem>>, vector<16xf32>,
      %add3A_1256 = arith.addf %add3A_1232, %get3A_1255 : vector<16xf32>
      %add3A_1257 = arith.constant 9 : i32
      %add3A_1258 = arith.addi %add3A_1044, %add3A_1257 : i32
      %get3A_1259 = arith.index_cast %add3A_1258 : i32 to index
      %get3A_1260 = arith.constant 0 : index
      %get3A_1261 = tpu.vector_load %arg7[%get3A_1259, %get3A_1260] {strides = array<i32>} : memref<1080x64xf32, #tpu.memory_space<vmem>>, vector<16xf32>,
      %add3A_1262 = arith.addf %add3A_1238, %get3A_1261 : vector<16xf32>
      %add3A_1263 = arith.constant 9 : i32
      %add3A_1264 = arith.addi %add3A_1044, %add3A_1263 : i32
      %get3A_1265 = arith.index_cast %add3A_1264 : i32 to index
      %get3A_1266 = arith.constant 16 : index
      %get3A_1267 = tpu.vector_load %arg7[%get3A_1265, %get3A_1266] {strides = array<i32>} : memref<1080x64xf32, #tpu.memory_space<vmem>>, vector<16xf32>,
      %add3A_1268 = arith.addf %add3A_1244, %get3A_1267 : vector<16xf32>
      %add3A_1269 = arith.constant 9 : i32
      %add3A_1270 = arith.addi %add3A_1044, %add3A_1269 : i32
      %get3A_1271 = arith.index_cast %add3A_1270 : i32 to index
      %get3A_1272 = arith.constant 32 : index
      %get3A_1273 = tpu.vector_load %arg7[%get3A_1271, %get3A_1272] {strides = array<i32>} : memref<1080x64xf32, #tpu.memory_space<vmem>>, vector<16xf32>,
      %add3A_1274 = arith.addf %add3A_1250, %get3A_1273 : vector<16xf32>
      %add3A_1275 = arith.constant 9 : i32
      %add3A_1276 = arith.addi %add3A_1044, %add3A_1275 : i32
      %get3A_1277 = arith.index_cast %add3A_1276 : i32 to index
      %get3A_1278 = arith.constant 48 : index
      %get3A_1279 = tpu.vector_load %arg7[%get3A_1277, %get3A_1278] {strides = array<i32>} : memref<1080x64xf32, #tpu.memory_space<vmem>>, vector<16xf32>,
      %add3A_1280 = arith.addf %add3A_1256, %get3A_1279 : vector<16xf32>
      %add3A_1281 = arith.constant 10 : i32
      %add3A_1282 = arith.addi %add3A_1044, %add3A_1281 : i32
      %get3A_1283 = arith.index_cast %add3A_1282 : i32 to index
      %get3A_1284 = arith.constant 0 : index
      %get3A_1285 = tpu.vector_load %arg7[%get3A_1283, %get3A_1284] {strides = array<i32>} : memref<1080x64xf32, #tpu.memory_space<vmem>>, vector<16xf32>,
      %add3A_1286 = arith.addf %add3A_1262, %get3A_1285 : vector<16xf32>
      %add3A_1287 = arith.constant 10 : i32
      %add3A_1288 = arith.addi %add3A_1044, %add3A_1287 : i32
      %get3A_1289 = arith.index_cast %add3A_1288 : i32 to index
      %get3A_1290 = arith.constant 16 : index
      %get3A_1291 = tpu.vector_load %arg7[%get3A_1289, %get3A_1290] {strides = array<i32>} : memref<1080x64xf32, #tpu.memory_space<vmem>>, vector<16xf32>,
      %add3A_1292 = arith.addf %add3A_1268, %get3A_1291 : vector<16xf32>
      %add3A_1293 = arith.constant 10 : i32
      %add3A_1294 = arith.addi %add3A_1044, %add3A_1293 : i32
      %get3A_1295 = arith.index_cast %add3A_1294 : i32 to index
      %get3A_1296 = arith.constant 32 : index
      %get3A_1297 = tpu.vector_load %arg7[%get3A_1295, %get3A_1296] {strides = array<i32>} : memref<1080x64xf32, #tpu.memory_space<vmem>>, vector<16xf32>,
      %add3A_1298 = arith.addf %add3A_1274, %get3A_1297 : vector<16xf32>
      %add3A_1299 = arith.constant 10 : i32
      %add3A_1300 = arith.addi %add3A_1044, %add3A_1299 : i32
      %get3A_1301 = arith.index_cast %add3A_1300 : i32 to index
      %get3A_1302 = arith.constant 48 : index
      %get3A_1303 = tpu.vector_load %arg7[%get3A_1301, %get3A_1302] {strides = array<i32>} : memref<1080x64xf32, #tpu.memory_space<vmem>>, vector<16xf32>,
      %add3A_1304 = arith.addf %add3A_1280, %get3A_1303 : vector<16xf32>
      %add3A_1305 = arith.constant 11 : i32
      %add3A_1306 = arith.addi %add3A_1044, %add3A_1305 : i32
      %get3A_1307 = arith.index_cast %add3A_1306 : i32 to index
      %get3A_1308 = arith.constant 0 : index
      %get3A_1309 = tpu.vector_load %arg7[%get3A_1307, %get3A_1308] {strides = array<i32>} : memref<1080x64xf32, #tpu.memory_space<vmem>>, vector<16xf32>,
      %add3A_1310 = arith.addf %add3A_1286, %get3A_1309 : vector<16xf32>
      %add3A_1311 = arith.constant 11 : i32
      %add3A_1312 = arith.addi %add3A_1044, %add3A_1311 : i32
      %get3A_1313 = arith.index_cast %add3A_1312 : i32 to index
      %get3A_1314 = arith.constant 16 : index
      %get3A_1315 = tpu.vector_load %arg7[%get3A_1313, %get3A_1314] {strides = array<i32>} : memref<1080x64xf32, #tpu.memory_space<vmem>>, vector<16xf32>,
      %add3A_1316 = arith.addf %add3A_1292, %get3A_1315 : vector<16xf32>
      %add3A_1317 = arith.constant 11 : i32
      %add3A_1318 = arith.addi %add3A_1044, %add3A_1317 : i32
      %get3A_1319 = arith.index_cast %add3A_1318 : i32 to index
      %get3A_1320 = arith.constant 32 : index
      %get3A_1321 = tpu.vector_load %arg7[%get3A_1319, %get3A_1320] {strides = array<i32>} : memref<1080x64xf32, #tpu.memory_space<vmem>>, vector<16xf32>,
      %add3A_1322 = arith.addf %add3A_1298, %get3A_1321 : vector<16xf32>
      %add3A_1323 = arith.constant 11 : i32
      %add3A_1324 = arith.addi %add3A_1044, %add3A_1323 : i32
      %get3A_1325 = arith.index_cast %add3A_1324 : i32 to index
      %get3A_1326 = arith.constant 48 : index
      %get3A_1327 = tpu.vector_load %arg7[%get3A_1325, %get3A_1326] {strides = array<i32>} : memref<1080x64xf32, #tpu.memory_space<vmem>>, vector<16xf32>,
      %add3A_1328 = arith.addf %add3A_1304, %get3A_1327 : vector<16xf32>
      %add3A_1329 = arith.constant 12 : i32
      %add3A_1330 = arith.addi %add3A_1044, %add3A_1329 : i32
      %get3A_1331 = arith.index_cast %add3A_1330 : i32 to index
      %get3A_1332 = arith.constant 0 : index
      %get3A_1333 = tpu.vector_load %arg7[%get3A_1331, %get3A_1332] {strides = array<i32>} : memref<1080x64xf32, #tpu.memory_space<vmem>>, vector<16xf32>,
      %add3A_1334 = arith.addf %add3A_1310, %get3A_1333 : vector<16xf32>
      %add3A_1335 = arith.constant 12 : i32
      %add3A_1336 = arith.addi %add3A_1044, %add3A_1335 : i32
      %get3A_1337 = arith.index_cast %add3A_1336 : i32 to index
      %get3A_1338 = arith.constant 16 : index
      %get3A_1339 = tpu.vector_load %arg7[%get3A_1337, %get3A_1338] {strides = array<i32>} : memref<1080x64xf32, #tpu.memory_space<vmem>>, vector<16xf32>,
      %add3A_1340 = arith.addf %add3A_1316, %get3A_1339 : vector<16xf32>
      %add3A_1341 = arith.constant 12 : i32
      %add3A_1342 = arith.addi %add3A_1044, %add3A_1341 : i32
      %get3A_1343 = arith.index_cast %add3A_1342 : i32 to index
      %get3A_1344 = arith.constant 32 : index
      %get3A_1345 = tpu.vector_load %arg7[%get3A_1343, %get3A_1344] {strides = array<i32>} : memref<1080x64xf32, #tpu.memory_space<vmem>>, vector<16xf32>,
      %add3A_1346 = arith.addf %add3A_1322, %get3A_1345 : vector<16xf32>
      %add3A_1347 = arith.constant 12 : i32
      %add3A_1348 = arith.addi %add3A_1044, %add3A_1347 : i32
      %get3A_1349 = arith.index_cast %add3A_1348 : i32 to index
      %get3A_1350 = arith.constant 48 : index
      %get3A_1351 = tpu.vector_load %arg7[%get3A_1349, %get3A_1350] {strides = array<i32>} : memref<1080x64xf32, #tpu.memory_space<vmem>>, vector<16xf32>,
      %add3A_1352 = arith.addf %add3A_1328, %get3A_1351 : vector<16xf32>
      %add3A_1353 = arith.constant 13 : i32
      %add3A_1354 = arith.addi %add3A_1044, %add3A_1353 : i32
      %get3A_1355 = arith.index_cast %add3A_1354 : i32 to index
      %get3A_1356 = arith.constant 0 : index
      %get3A_1357 = tpu.vector_load %arg7[%get3A_1355, %get3A_1356] {strides = array<i32>} : memref<1080x64xf32, #tpu.memory_space<vmem>>, vector<16xf32>,
      %add3A_1358 = arith.addf %add3A_1334, %get3A_1357 : vector<16xf32>
      %add3A_1359 = arith.constant 13 : i32
      %add3A_1360 = arith.addi %add3A_1044, %add3A_1359 : i32
      %get3A_1361 = arith.index_cast %add3A_1360 : i32 to index
      %get3A_1362 = arith.constant 16 : index
      %get3A_1363 = tpu.vector_load %arg7[%get3A_1361, %get3A_1362] {strides = array<i32>} : memref<1080x64xf32, #tpu.memory_space<vmem>>, vector<16xf32>,
      %add3A_1364 = arith.addf %add3A_1340, %get3A_1363 : vector<16xf32>
      %add3A_1365 = arith.constant 13 : i32
      %add3A_1366 = arith.addi %add3A_1044, %add3A_1365 : i32
      %get3A_1367 = arith.index_cast %add3A_1366 : i32 to index
      %get3A_1368 = arith.constant 32 : index
      %get3A_1369 = tpu.vector_load %arg7[%get3A_1367, %get3A_1368] {strides = array<i32>} : memref<1080x64xf32, #tpu.memory_space<vmem>>, vector<16xf32>,
      %add3A_1370 = arith.addf %add3A_1346, %get3A_1369 : vector<16xf32>
      %add3A_1371 = arith.constant 13 : i32
      %add3A_1372 = arith.addi %add3A_1044, %add3A_1371 : i32
      %get3A_1373 = arith.index_cast %add3A_1372 : i32 to index
      %get3A_1374 = arith.constant 48 : index
      %get3A_1375 = tpu.vector_load %arg7[%get3A_1373, %get3A_1374] {strides = array<i32>} : memref<1080x64xf32, #tpu.memory_space<vmem>>, vector<16xf32>,
      %add3A_1376 = arith.addf %add3A_1352, %get3A_1375 : vector<16xf32>
      %add3A_1377 = arith.constant 14 : i32
      %add3A_1378 = arith.addi %add3A_1044, %add3A_1377 : i32
      %get3A_1379 = arith.index_cast %add3A_1378 : i32 to index
      %get3A_1380 = arith.constant 0 : index
      %get3A_1381 = tpu.vector_load %arg7[%get3A_1379, %get3A_1380] {strides = array<i32>} : memref<1080x64xf32, #tpu.memory_space<vmem>>, vector<16xf32>,
      %add3A_1382 = arith.addf %add3A_1358, %get3A_1381 : vector<16xf32>
      %add3A_1383 = arith.constant 14 : i32
      %add3A_1384 = arith.addi %add3A_1044, %add3A_1383 : i32
      %get3A_1385 = arith.index_cast %add3A_1384 : i32 to index
      %get3A_1386 = arith.constant 16 : index
      %get3A_1387 = tpu.vector_load %arg7[%get3A_1385, %get3A_1386] {strides = array<i32>} : memref<1080x64xf32, #tpu.memory_space<vmem>>, vector<16xf32>,
      %add3A_1388 = arith.addf %add3A_1364, %get3A_1387 : vector<16xf32>
      %add3A_1389 = arith.constant 14 : i32
      %add3A_1390 = arith.addi %add3A_1044, %add3A_1389 : i32
      %get3A_1391 = arith.index_cast %add3A_1390 : i32 to index
      %get3A_1392 = arith.constant 32 : index
      %get3A_1393 = tpu.vector_load %arg7[%get3A_1391, %get3A_1392] {strides = array<i32>} : memref<1080x64xf32, #tpu.memory_space<vmem>>, vector<16xf32>,
      %add3A_1394 = arith.addf %add3A_1370, %get3A_1393 : vector<16xf32>
      %add3A_1395 = arith.constant 14 : i32
      %add3A_1396 = arith.addi %add3A_1044, %add3A_1395 : i32
      %get3A_1397 = arith.index_cast %add3A_1396 : i32 to index
      %get3A_1398 = arith.constant 48 : index
      %get3A_1399 = tpu.vector_load %arg7[%get3A_1397, %get3A_1398] {strides = array<i32>} : memref<1080x64xf32, #tpu.memory_space<vmem>>, vector<16xf32>,
      %add3A_1400 = arith.addf %add3A_1376, %get3A_1399 : vector<16xf32>
      %mul3A_1401 = arith.constant 0.533333361 : f32
      %mul3A_1402 = vector.broadcast %mul3A_1401 : f32 to vector<16xf32>
      %mul3A_1403 = arith.mulf %add3A_1382, %mul3A_1402 : vector<16xf32>
      %mul3A_1404 = arith.constant 3 : i32
      %mul3A_1405 = arith.muli %scan3A_233, %mul3A_1404 : i32
      %add3A_1406 = arith.constant 2 : i32
      %add3A_1407 = arith.addi %mul3A_1405, %add3A_1406 : i32
      %get3A_1408 = arith.index_cast %add3A_1407 : i32 to index
      %get3A_1409 = arith.constant 0 : index
      %get3A_1410 = tpu.vector_load %arg8[%get3A_1408, %get3A_1409] {strides = array<i32>} : memref<72x64xf32, #tpu.memory_space<vmem>>, vector<16xf32>,
      %add3A_1411 = arith.addf %mul3A_1403, %get3A_1410 : vector<16xf32>
      %mul3A_1412 = arith.constant 0.533333361 : f32
      %mul3A_1413 = vector.broadcast %mul3A_1412 : f32 to vector<16xf32>
      %mul3A_1414 = arith.mulf %add3A_1388, %mul3A_1413 : vector<16xf32>
      %mul3A_1415 = arith.constant 3 : i32
      %mul3A_1416 = arith.muli %scan3A_233, %mul3A_1415 : i32
      %add3A_1417 = arith.constant 2 : i32
      %add3A_1418 = arith.addi %mul3A_1416, %add3A_1417 : i32
      %get3A_1419 = arith.index_cast %add3A_1418 : i32 to index
      %get3A_1420 = arith.constant 16 : index
      %get3A_1421 = tpu.vector_load %arg8[%get3A_1419, %get3A_1420] {strides = array<i32>} : memref<72x64xf32, #tpu.memory_space<vmem>>, vector<16xf32>,
      %add3A_1422 = arith.addf %mul3A_1414, %get3A_1421 : vector<16xf32>
      %mul3A_1423 = arith.constant 0.533333361 : f32
      %mul3A_1424 = vector.broadcast %mul3A_1423 : f32 to vector<16xf32>
      %mul3A_1425 = arith.mulf %add3A_1394, %mul3A_1424 : vector<16xf32>
      %mul3A_1426 = arith.constant 3 : i32
      %mul3A_1427 = arith.muli %scan3A_233, %mul3A_1426 : i32
      %add3A_1428 = arith.constant 2 : i32
      %add3A_1429 = arith.addi %mul3A_1427, %add3A_1428 : i32
      %get3A_1430 = arith.index_cast %add3A_1429 : i32 to index
      %get3A_1431 = arith.constant 32 : index
      %get3A_1432 = tpu.vector_load %arg8[%get3A_1430, %get3A_1431] {strides = array<i32>} : memref<72x64xf32, #tpu.memory_space<vmem>>, vector<16xf32>,
      %add3A_1433 = arith.addf %mul3A_1425, %get3A_1432 : vector<16xf32>
      %mul3A_1434 = arith.constant 0.533333361 : f32
      %mul3A_1435 = vector.broadcast %mul3A_1434 : f32 to vector<16xf32>
      %mul3A_1436 = arith.mulf %add3A_1400, %mul3A_1435 : vector<16xf32>
      %mul3A_1437 = arith.constant 3 : i32
      %mul3A_1438 = arith.muli %scan3A_233, %mul3A_1437 : i32
      %add3A_1439 = arith.constant 2 : i32
      %add3A_1440 = arith.addi %mul3A_1438, %add3A_1439 : i32
      %get3A_1441 = arith.index_cast %add3A_1440 : i32 to index
      %get3A_1442 = arith.constant 48 : index
      %get3A_1443 = tpu.vector_load %arg8[%get3A_1441, %get3A_1442] {strides = array<i32>} : memref<72x64xf32, #tpu.memory_space<vmem>>, vector<16xf32>,
      %add3A_1444 = arith.addf %mul3A_1436, %get3A_1443 : vector<16xf32>
      %max3A_1445 = arith.maximumf %max3A, %add3A_1411 : vector<16xf32>
      %max3A_1446 = arith.maximumf %max3A_1040, %add3A_1422 : vector<16xf32>
      %max3A_1447 = arith.maximumf %max3A_1041, %add3A_1433 : vector<16xf32>
      %max3A_1448 = arith.maximumf %max3A_1042, %add3A_1444 : vector<16xf32>
      %swap3A = arith.index_cast %scan3A_233 : i32 to index
      %swap3A_1449 = arith.constant 0 : index
      %swap3A_1450 = tpu.vector_load %arg9[%swap3A, %swap3A_1449] {strides = array<i32>} : memref<24x64xf32, #tpu.memory_space<vmem>>, vector<16xf32>,
      tpu.vector_store %arg9[%swap3A, %swap3A_1449], %max3A_1445 {strides = array<i32>} : memref<24x64xf32, #tpu.memory_space<vmem>>, vector<16xf32>,
      %swap3A_1451 = arith.index_cast %scan3A_233 : i32 to index
      %swap3A_1452 = arith.constant 16 : index
      %swap3A_1453 = tpu.vector_load %arg9[%swap3A_1451, %swap3A_1452] {strides = array<i32>} : memref<24x64xf32, #tpu.memory_space<vmem>>, vector<16xf32>,
      tpu.vector_store %arg9[%swap3A_1451, %swap3A_1452], %max3A_1446 {strides = array<i32>} : memref<24x64xf32, #tpu.memory_space<vmem>>, vector<16xf32>,
      %swap3A_1454 = arith.index_cast %scan3A_233 : i32 to index
      %swap3A_1455 = arith.constant 32 : index
      %swap3A_1456 = tpu.vector_load %arg9[%swap3A_1454, %swap3A_1455] {strides = array<i32>} : memref<24x64xf32, #tpu.memory_space<vmem>>, vector<16xf32>,
      tpu.vector_store %arg9[%swap3A_1454, %swap3A_1455], %max3A_1447 {strides = array<i32>} : memref<24x64xf32, #tpu.memory_space<vmem>>, vector<16xf32>,
      %swap3A_1457 = arith.index_cast %scan3A_233 : i32 to index
      %swap3A_1458 = arith.constant 48 : index
      %swap3A_1459 = tpu.vector_load %arg9[%swap3A_1457, %swap3A_1458] {strides = array<i32>} : memref<24x64xf32, #tpu.memory_space<vmem>>, vector<16xf32>,
      tpu.vector_store %arg9[%swap3A_1457, %swap3A_1458], %max3A_1448 {strides = array<i32>} : memref<24x64xf32, #tpu.memory_space<vmem>>, vector<16xf32>,
      %scan3A_1460 = arith.constant 0 : i32
      scf.yield %scan3A_1460 : i32
    }
    %scan3A_230 = arith.constant 14 : i32
    %mul3A_231 = arith.constant 24 : i32
    %mul3A_232 = arith.muli %add3A, %mul3A_231 : i32
    "tpu.region"() ({
      %run_scoped3A_233 = tpu.sem_alloc : memref<!tpu.dma_semaphore, #tpu.memory_space<semaphore_mem>>
      %dma_start3A_234 = arith.constant 0 : i32
      %dma_start3A_235 = tpu.memref_slice %arg5[%mul3A_232, %dma_start3A_234] : memref<768x64xf32, #tpu.memory_space<hbm>> -> memref<24x64xf32, #tpu.memory_space<hbm>>
      %dma_start3A_236 = arith.constant 0 : i32
      %dma_start3A_237 = tpu.memref_slice %arg5[%mul3A_232, %dma_start3A_236] : memref<768x64xf32, #tpu.memory_space<hbm>> -> memref<24x64xf32, #tpu.memory_space<hbm>>
      tpu.enqueue_dma source(%arg9 : memref<24x64xf32, #tpu.memory_space<vmem>>) target(%dma_start3A_237 : memref<24x64xf32, #tpu.memory_space<hbm>>) target_semaphore(%run_scoped3A_233 : memref<!tpu.dma_semaphore, #tpu.memory_space<semaphore_mem>>)
      %dma_wait3A_238 = arith.constant 0 : i32
      %dma_wait3A_239 = tpu.memref_slice %arg5[%mul3A_232, %dma_wait3A_238] : memref<768x64xf32, #tpu.memory_space<hbm>> -> memref<24x64xf32, #tpu.memory_space<hbm>>
      %dma_wait3A_240 = arith.constant 0 : i32
      %dma_wait3A_241 = tpu.memref_slice %arg5[%mul3A_232, %dma_wait3A_240] : memref<768x64xf32, #tpu.memory_space<hbm>> -> memref<24x64xf32, #tpu.memory_space<hbm>>
      tpu.wait_dma2 semaphore(%run_scoped3A_233 : memref<!tpu.dma_semaphore, #tpu.memory_space<semaphore_mem>>) src(%arg9 : memref<24x64xf32, #tpu.memory_space<vmem>>) dst(%dma_wait3A_241 : memref<24x64xf32, #tpu.memory_space<hbm>>)
      tpu.yield
    }) : () -> ()
    return
  }
}

</mosaic_0001>

<sc_bundles>
// kernel: _encode.3.cloned.1.call-start
scs
__scs_entry_jumppad:
0x0: {  	(pc) =	sbr.rel $0x88, $3  }
0x1: {  	(tag) =	ssettag $0x0;
	lr =	simm.s32 $0x1  }
0x2: {  	[smem:$0x3F9E] =	sst lr;
	_ =	strace $0xD0000000  }
0x3: {  	_ = 	snop  }
0x4: {  	_ = 	snop  }
0x5: {  	_ = 	snop  }
0x6: {  	_ = 	snop  }
0x7: {  	_ = 	snop  }
__scs_overlays_trampoline_lowered:
0x8: {  	[smem:$0x3FAD] =	sst s0  }
0x9: {  	[smem:$0x3FAE] =	sst s1  }
0xa: {  	[smem:$0x3FAF] =	sst s2  }
0xb: {  	[smem:$0x3FB0] =	sst s3  }
0xc: {  	[smem:$0x3FB1] =	sst s4  }
0xd: {  	[smem:$0x3FB2] =	sst s5  }
0xe: {  	[smem:$0x3FB3] =	sst s6  }
0xf: {  	[smem:$0x3FB4] =	sst s7  }
0x10: {  	[smem:$0x3FB5] =	sst s8  }
0x11: {  	[smem:$0x3FB6] =	sst s9;
	s0 =	simm.s32 @!p0 $0x0  }
0x12: {  	s1 =	sld [smem:$0x3F9C];
	s0 =	simm.s32 @p0 $0x1  }
0x13: {  	[smem:$0x3FB7] =	sst s0;
	s0 =	simm.s32 @!p1 $0x0  }
0x14: {  	s2 =	sld [smem:$0x3F9B];
	s0 =	simm.s32 @p1 $0x1  }
0x15: {  	[smem:$0x3FB8] =	sst s0;
	s0 =	simm.s32 @!p2 $0x0  }
0x16: {  	s3 =	sld [smem:$0x3FDB];
	s0 =	simm.s32 @p2 $0x1  }
0x17: {  	s4 =	simm.s32 $0x1BF5;
	[smem:$0x3FBA] =	sst s0  }
0x18: {  	s0 =	sld [smem:$0x3F9D];
	_ =	swait.ge [sflag:s4], $0x0  }
0x19: {  	s7 =	sld [smem:$0x3F9E]  }
0x1a: {  	s8 =	sadd.s32 $0xFFFFE003, lr  }
0x1b: {  	s9 =	sadd.s32 $0xFFFFFEF7, lr;
	s5 =	simm.s32 $0xFFFFFFFF;
	p2 =	slt.u32 s8, $0xFFFFF086  }
0x1c: {  	p1 =	slt.u32 s9, $0xF7A;
	s5 =	simm.s32 @!p2 $0x0  }
0x1d: {  	s5 =	simm.s32 @p1 $0x1;
	p0 =	seq.s32 s7, s2  }
0x1e: {  	s7 =	smul.u32 @!p0 $0xF7A, s2;
	p2 =	seq.s32 @!p0 s5, $0x0  }
0x1f: {  	s9 =	smul.u32 $0xF7A, s1;
	s8 =	simm.s32 @!p0 $0x1BF5;
	p2 =	por !p2, p0  }
0x20: {  	[sflag:s8] =	ssyncset.s32 @!p0 $0xFFFFF086;
	s6 =	sadd.s32 @!p0 s3, s7;
	s7 =	simm.s32 @!p0 $0x108  }
0x21: {  	s3 =	sadd.s32 s3, s9;
	s6 =	sadd.s32 @!p0 $0x88, s6;
	s7 =	simm.s32 @p2 $0x1082  }
0x22: {  	[simem:s7], [sflag:s8] =	dma.local @!p0 [hbm:s6], $0xF7A  }
0x23: {  	s9 =	sor.u32 $0xD0000000, s2;
	s6 =	simm.s32 $0x108;
	_ =	swait.ge @!p0 [sflag:s8], $0x0  }
0x24: {  	s3 =	sadd.s32 $0x88, s3;
	s6 =	simm.s32 @!p1 $0x1082;
	[sflag:s4] =	ssyncset.s32 $0xFFFFF086  }
0x25: {  	[simem:s6], [sflag:s4] =	dma.local [hbm:s3], $0xF7A  }
0x26: {  	[smem:$0x3F9E] =	sst s1;
	(tag) =	ssettag s2;
	_ =	strace s9  }
0x27: {  	s1 =	sld [smem:$0x3FAE]  }
0x28: {  	s2 =	sld [smem:$0x3FAF]  }
0x29: {  	s4 =	sld [smem:$0x3FB1]  }
0x2a: {  	p0 =	seq.s32 s5, $0x0;
	s5 =	sld [smem:$0x3FB2]  }
0x2b: {  	s6 =	sld [smem:$0x3FB3]  }
0x2c: {  	s7 =	sld [smem:$0x3FB4]  }
0x2d: {  	s3 =	simm.s32 $0x108;
	s8 =	sld [smem:$0x3FB5]  }
0x2e: {  	s3 =	simm.s32 @!p0 $0x1082;
	s9 =	sld [smem:$0x3FB6]  }
0x2f: {  	lr =	sadd.s32 s0, s3;
	s0 =	sld [smem:$0x3FAD]  }
0x30: {  	s3 =	sld [smem:$0x3FB0]  }
0x31: {  	[smem:$0x3FB9] =	sst s10  }
0x32: {  	s10 =	sld [smem:$0x3FB7];
	_ =	sdelay $0x3  }
0x33: {  	p0 =	seq.s32 s10, $0x1;
	s10 =	sld [smem:$0x3FB9];
	_ =	sdelay $0x3  }
0x34: {  	[smem:$0x3FB9] =	sst s10  }
0x35: {  	s10 =	sld [smem:$0x3FB8];
	_ =	sdelay $0x3  }
0x36: {  	p1 =	seq.s32 s10, $0x1;
	s10 =	sld [smem:$0x3FB9];
	_ =	sdelay $0x3  }
0x37: {  	[smem:$0x3FB9] =	sst s10  }
0x38: {  	s10 =	sld [smem:$0x3FBA]  }
0x39: {  	_ = 	snop;
	(pc) =	sbr.ind lr, $3  }
0x3a: {  	_ = 	snop  }
0x3b: {  	_ = 	snop  }
0x3c: {  	p2 =	seq.s32 s10, $0x1;
	s10 =	sld [smem:$0x3FB9]  }
0x3d: {  	_ =	shalt  }
0x3e: {  	_ =	shalt  }
0x3f: {  	_ =	shalt  }
0x40: {  	_ =	shalt  }
0x41: {  	_ =	shalt  }
0x42: {  	_ =	shalt  }
0x43: {  	_ =	shalt  }
0x44: {  	_ =	shalt  }
0x45: {  	_ =	shalt  }
0x46: {  	_ =	shalt  }
0x47: {  	_ =	shalt  }
0x48: {  	_ =	shalt  }
0x49: {  	_ =	shalt  }
0x4a: {  	_ =	shalt  }
0x4b: {  	_ =	shalt  }
0x4c: {  	_ =	shalt  }
0x4d: {  	_ =	shalt  }
0x4e: {  	_ =	shalt  }
0x4f: {  	_ =	shalt  }
0x50: {  	_ =	shalt  }
0x51: {  	_ =	shalt  }
0x52: {  	_ =	shalt  }
0x53: {  	_ =	shalt  }
0x54: {  	_ =	shalt  }
0x55: {  	_ =	shalt  }
0x56: {  	_ =	shalt  }
0x57: {  	_ =	shalt  }
0x58: {  	_ =	shalt  }
0x59: {  	_ =	shalt  }
0x5a: {  	_ =	shalt  }
0x5b: {  	_ =	shalt  }
0x5c: {  	_ =	shalt  }
0x5d: {  	_ =	shalt  }
0x5e: {  	_ =	shalt  }
0x5f: {  	_ =	shalt  }
0x60: {  	_ =	shalt  }
0x61: {  	_ =	shalt  }
0x62: {  	_ =	shalt  }
0x63: {  	_ =	shalt  }
0x64: {  	_ =	shalt  }
0x65: {  	_ =	shalt  }
0x66: {  	_ =	shalt  }
0x67: {  	_ =	shalt  }
0x68: {  	_ =	shalt  }
0x69: {  	_ =	shalt  }
0x6a: {  	_ =	shalt  }
0x6b: {  	_ =	shalt  }
0x6c: {  	_ =	shalt  }
0x6d: {  	_ =	shalt  }
0x6e: {  	_ =	shalt  }
0x6f: {  	_ =	shalt  }
0x70: {  	_ =	shalt  }
0x71: {  	_ =	shalt  }
0x72: {  	_ =	shalt  }
0x73: {  	_ =	shalt  }
0x74: {  	_ =	shalt  }
0x75: {  	_ =	shalt  }
0x76: {  	_ =	shalt  }
0x77: {  	_ =	shalt  }
0x78: {  	_ =	shalt  }
0x79: {  	_ =	shalt  }
0x7a: {  	_ =	shalt  }
0x7b: {  	_ =	shalt  }
0x7c: {  	_ =	shalt  }
0x7d: {  	_ =	shalt  }
0x7e: {  	_ =	shalt  }
0x7f: {  	_ =	shalt  }
0x80: {  	_ =	shalt  }
0x81: {  	_ =	shalt  }
0x82: {  	_ =	shalt  }
0x83: {  	_ =	shalt  }
0x84: {  	_ =	shalt  }
0x85: {  	_ =	shalt  }
0x86: {  	_ =	shalt  }
0x87: {  	_ =	shalt  }
.Lfunc_end0:
.L_simem_size_0:
called_computation_lowered:
.L_overlay_start_0:
0x88: {  	s2 =	sld [smem:$0x3FD9]  }
0x89: {  	s3 =	sld [smem:$0x3FFE];
	_ =	sdelay $0x1  }
0x8a: {  	s1 =	srdreg.scid  }
0x8b: {  	s0 =	sand.u32 $0x1, s1  }
0x8c: {  	s17 =	sshll.u32 s0, $0xA;
	s2 =	sadd.s32 s3, s2  }
0x8d: {  	s2 =	sadd.s32 s2, s17  }
0x8e: {  	[smem:$0x3FC5] =	sst s2  }
0x8f: {  	_ = 	snop  }
0x90: {  	s2 =	sld [smem:$0x3FC9]  }
0x91: {  	s18 =	sld [smem:$0x3FD0];
	(tm) =	ssettm $0x1  }
0x92: {  	s4 =	sld [smem:$0x3FFB];
	_ =	sdelay $0x3  }
0x93: {  	_ =	strace s4  }
0x94: {  	s4 =	sld [smem:$0x3FFC];
	_ =	sdelay $0x3  }
0x95: {  	_ =	strace s4  }
0x96: {  	s4 =	sld [smem:$0x3FFD];
	_ =	sdelay $0x3  }
0x97: {  	_ =	strace s4  }
0x98: {  	_ =	strace $0x8FFFFFFF  }
0x99: {  	s19 =	sld [smem:$0x3FDB];
	_ =	sdelay $0x1  }
0x9a: {  	s5 =	simm.s32 $_scs_section_size  }
0x9b: {  	s6 =	simm.s32 $_size__tile_overlayer_lowered;
	s7 =	simm.s32 $_tile_overlayer_lowered  }
0x9c: {  	s22 =	simm.s32 $0x1BFF;
	s21 =	sshll.u32 s7, $0x1;
	s4 =	sadd.s32 s5, s19  }
0x9d: {  	s8 =	simm.s32 $0x0;
	s20 =	sshll.u32 s6, $0x1;
	s6 =	sadd.s32 s21, s4  }
0x9e: {  	[timem:s8], [sflag:s22] =	dma.local [hbm:s6], s20  }
0x9f: {  	_ =	swait.ge [sflag:s22], s20  }
0xa0: {  	s5 =	ssub.s32 $0x0, s20;
	[sflag:s22] =	ssyncset.done $0x0  }
0xa1: {  	[sflag:s22] =	ssyncadd.s32 s5;
	_ =	sdelay $0x1  }
0xa2: {  	s23 =	simm.s32 $0x1B8B  }
0xa3: {  	_ =	swait.ge [sflag:s23], $0x1  }
0xa4: {  	[sflag:s23] =	ssyncset.done $0x0  }
0xa5: {  	s25 =	simm.s32 $0x1B8E;
	s24 =	sld [smem:$0x3FFE];
	[sflag:s23] =	ssyncadd.s32 $0xFFFFFFFF  }
0xa6: {  	s26 =	simm.s32 $execute0_lowered;
	[smem:$0x3FD2] =	sst s25  }
0xa7: {  	s6 =	sshll.u32 s26, $0x1;
	_ =	strace $0x80000046;
	[dreg:$0x1] =	wrdreg $0xFFFFFFFF  }
0xa8: {  	s28 =	simm.s32 $_size_execute0_lowered;
	s4 =	sadd.s32 s4, s6;
	[dreg:$0x0] =	wrdreg $0x0  }
0xa9: {  	s6 =	sshll.u32 s28, $0x1;
	[dreg:$0x2] =	wrdreg s4  }
0xaa: {  	[dreg:$0x3] =	wrdreg s6  }
0xab: {  	[dreg:$0x4] =	wrdreg $0xC0  }
0xac: {  	_ =	task [dreg:s8], $0x5FFFF  }
0xad: {  	[dreg:$0x1] =	wrdreg $0xFFFFFFFF  }
0xae: {  	[dreg:$0x0] =	wrdreg $0x60  }
0xaf: {  	[dreg:$0x2] =	wrdreg s2  }
0xb0: {  	[dreg:$0x3] =	wrdreg s24  }
0xb1: {  	[dreg:$0x4] =	wrdreg s18  }
0xb2: {  	[dreg:$0x5] =	wrdreg $0x9  }
0xb3: {  	_ =	task.clear_ibuf [dreg:s8], $0x6FFFF;
	_ =	strace $0x90000046  }
0xb4: {  	s29 =	simm.s32 $0x9;
	_ =	strace $0x80000048  }
0xb5: {  	_ =	swait.ge [sflag:s29], $0x1  }
0xb6: {  	[sflag:s29] =	ssyncadd.s32 $0xFFFFFFFF  }
0xb7: {  	_ =	strace $0x90000048  }
0xb8: {  	_ =	sfence  }
0xb9: {  	s30 =	sld [smem:$0x0];
	_ =	sdelay $0x2  }
0xba: {  	s31 =	sshll.u32 s1, $0xD;
	s1 =	sshrl.u32 s1, $0x2  }
0xbb: {  	s3 =	sand.u32 $0x4000, s31;
	s1 =	sadd.s32 s1, s30  }
0xbc: {  	s0 =	sor.u32 s3, s0;
	s1 =	sshll.u32 s1, $0x11  }
0xbd: {  	s0 =	sor.u32 s1, s0  }
0xbe: {  	s0 =	sadd.s32 $0x8F2B, s0  }
0xbf: {  	[sflag:s0] =	ssyncadd.remote.s32 $0x1  }
0xc0: {  	_ =	sfence.sel $0xFFFF  }
0xc1: {  	[dreg:$0x0] =	wrdreg $0xFFFFFFFF;
	(pc) =	sbr.abs _section_cstart, $3  }
0xc2: {  	[dreg:$0x1] =	wrdreg $0xFFFFFFFF  }
0xc3: {  	_ =	task.clear_ibuf [dreg:s8], $0x2FFFF;
	_ =	strace $0x9FFFFFFF  }
0xc4: {  	(tm) =	ssettm $0x7FFFFFFF  }
0xc5: {  	_ =	shalt  }
tec
execute0_lowered:
.L_overlay_start_1:
0x0: {  	(tag) =	ssettag $0x1  }
0x1: {  	s0 =	rddreg [dreg:$0x0]  }
0x2: {  	s1 =	rddreg [dreg:$0x1]  }
0x3: {  	s14 =	rddreg [dreg:$0x2];
	s2 =	simm.s32 $0x0;
	s7 =	stileid.u32  }
0x4: {  	s3 =	srdreg.scid;
	s5 =	simm.s32 $0x240;
	s17 =	simm.s32 $0x78  }
0x5: {  	s20 =	simm.s32 $0xF0;
	s29 =	simm.s32 $0x2D0;
	s31 =	simm.s32 $0x348  }
0x6: {  	s21 =	simm.s32 $0x1;
	s28 =	simm.s32 $0x0;
	[smem:$0x7FF] =	sst s2  }
0x7: {  	s4 =	sand.u32 $0x1, s7;
	s3 =	sand.u32 $0x1, s3;
	_ =	strace $0x80000047  }
0x8: {  	p0 =	seq.s32 s4, $0x1;
	s22 =	sshll.u32 s3, $0x4;
	s6 =	ssub.s32 $0x2, s3  }
0x9: {  	s3 =	sadd.s32 $0x187000, s1;
	s9 =	sor.u32 s7, s22;
	s5 =	simm.s32 @!p0 $0x0  }
0xa: {  	s23 =	sshrl.u32 s6, $0x1;
	s22 =	simm.s32 $0x168;
	s10 =	smul.u32 $0x438, s9  }
0xb: {  	s1 =	sadd.s32 s5, s1;
	s15 =	ssub.s32 s6, s23;
	s16 =	smul.u32 $0xC0, s9  }
0xc: {  	s23 =	simm.s32 $0x2;
	s13 =	sadd.s32 $0x600, s1;
	s15 =	smax.u32 s15, $0x1  }
0xd: {  	s1 =	simm.s32 $0x3C0;
	s24 =	sshrl.u32 s10, $0x3;
	s25 =	sadd.s32 $0x78, s10  }
0xe: {  	s26 =	sadd.s32 $0x168, s10;
	s11 =	sadd.s32 $0x258, s10;
	s10 =	sadd.s32 $0x348, s10  }
0xf: {  	s14 =	sadd.s32 s14, s16;
	s16 =	simm.s32 $0x3;
	s4 =	sadd.s32 s0, s24  }
0x10: {  	s5 =	sshrl.u32 s25, $0x3;
	s30 =	sshrl.u32 s26, $0x3;
	s11 =	sshrl.u32 s11, $0x3  }
0x11: {  	s12 =	sshrl.u32 s10, $0x3;
	s24 =	simm.s32 $0x1E0;
	s26 =	simm.s32 $0x258  }
0x12: {  	s25 =	simm.s32 $0x12438;
	s5 =	sadd.s32 s0, s5;
	s6 =	sadd.s32 $0x1E, s4  }
0x13: {  	s7 =	sadd.s32 s0, s30;
	s8 =	sadd.s32 $0x3C, s4;
	s9 =	sadd.s32 s0, s11  }
0x14: {  	s10 =	sadd.s32 $0x5A, s4;
	s11 =	sadd.s32 s0, s12;
	s12 =	sadd.s32 $0x78, s4  }
.LBB2_1:
0x15: {  	[tilespmem:s2], [sflag:$0x3] =	stream.linear.gather [hbm4b:s4+s2], $0x78, $0x38;
	[tilespmem:$0x12A38] =	vst v63  }
0x16: {  	_ =	swait.ge [sflag:s16], $0x78  }
0x17: {  	[sflag:s16] =	ssyncset.done $0x0  }
0x18: {  	s0 =	simm.s32 $0x438;
	[sflag:s16] =	ssyncadd.s32 $0xFFFFFF88  }
0x19: {  	[tilespmem:s0], [sflag:$0x1] =	stream.indirect.gather [hbm4b:s3+s17], $0x40, s2, s17, $0xb8;
	[tilespmem:$0x12A38] =	vst v63  }
0x1a: {  	_ = 	snop  }
0x1b: {  	[tilespmem:s17], [sflag:$0x3] =	stream.linear.gather [hbm4b:s5+s2], $0x78, $0x38;
	[tilespmem:$0x12A38] =	vst v63  }
0x1c: {  	_ =	swait.ge [sflag:s16], $0x78  }
0x1d: {  	[sflag:s16] =	ssyncset.done $0x0  }
0x1e: {  	s19 =	simm.s32 $0x2238;
	[sflag:s16] =	ssyncadd.s32 $0xFFFFFF88  }
0x1f: {  	[tilespmem:s19], [sflag:$0x1] =	stream.indirect.gather [hbm4b:s3+s17], $0x40, s17, s17, $0xb8;
	[tilespmem:$0x12A38] =	vst v63  }
0x20: {  	_ = 	snop  }
0x21: {  	[tilespmem:s20], [sflag:$0x3] =	stream.linear.gather [hbm4b:s6+s2], $0x78, $0x38;
	[tilespmem:$0x12A38] =	vst v63  }
0x22: {  	_ =	swait.ge [sflag:s16], $0x78  }
0x23: {  	[sflag:s16] =	ssyncset.done $0x0  }
0x24: {  	s18 =	simm.s32 $0x4038;
	[sflag:s16] =	ssyncadd.s32 $0xFFFFFF88  }
0x25: {  	[tilespmem:s18], [sflag:$0x1] =	stream.indirect.gather [hbm4b:s3+s17], $0x40, s20, s17, $0xb8;
	[tilespmem:$0x12A38] =	vst v63  }
0x26: {  	_ = 	snop  }
0x27: {  	[tilespmem:s22], [sflag:$0x3] =	stream.linear.gather [hbm4b:s7+s2], $0x78, $0x38;
	[tilespmem:$0x12A38] =	vst v63  }
0x28: {  	_ =	swait.ge [sflag:s16], $0x78  }
0x29: {  	[sflag:s16] =	ssyncset.done $0x0  }
0x2a: {  	s19 =	simm.s32 $0x5E38;
	[sflag:s16] =	ssyncadd.s32 $0xFFFFFF88  }
0x2b: {  	[tilespmem:s19], [sflag:$0x1] =	stream.indirect.gather [hbm4b:s3+s17], $0x40, s22, s17, $0xb8;
	[tilespmem:$0x12A38] =	vst v63  }
0x2c: {  	_ = 	snop  }
0x2d: {  	[tilespmem:s24], [sflag:$0x3] =	stream.linear.gather [hbm4b:s8+s2], $0x78, $0x38;
	[tilespmem:$0x12A38] =	vst v63  }
0x2e: {  	_ =	swait.ge [sflag:s16], $0x78  }
0x2f: {  	[sflag:s16] =	ssyncset.done $0x0  }
0x30: {  	s18 =	simm.s32 $0x7C38;
	[sflag:s16] =	ssyncadd.s32 $0xFFFFFF88  }
0x31: {  	[tilespmem:s18], [sflag:$0x2] =	stream.indirect.gather [hbm4b:s3+s17], $0x40, s24, s17, $0xb8;
	[tilespmem:$0x12A38] =	vst v63  }
0x32: {  	_ = 	snop  }
0x33: {  	[tilespmem:s26], [sflag:$0x3] =	stream.linear.gather [hbm4b:s9+s2], $0x78, $0x38;
	[tilespmem:$0x12A38] =	vst v63  }
0x34: {  	_ =	swait.ge [sflag:s16], $0x78  }
0x35: {  	[sflag:s16] =	ssyncset.done $0x0  }
0x36: {  	s19 =	simm.s32 $0x9A38;
	[sflag:s16] =	ssyncadd.s32 $0xFFFFFF88  }
0x37: {  	[tilespmem:s19], [sflag:$0x2] =	stream.indirect.gather [hbm4b:s3+s17], $0x40, s26, s17, $0xb8;
	[tilespmem:$0x12A38] =	vst v63  }
0x38: {  	_ = 	snop  }
0x39: {  	[tilespmem:s29], [sflag:$0x3] =	stream.linear.gather [hbm4b:s10+s2], $0x78, $0x38;
	[tilespmem:$0x12A38] =	vst v63  }
0x3a: {  	_ =	swait.ge [sflag:s16], $0x78  }
0x3b: {  	[sflag:s16] =	ssyncset.done $0x0  }
0x3c: {  	s18 =	simm.s32 $0xB838;
	[sflag:s16] =	ssyncadd.s32 $0xFFFFFF88  }
0x3d: {  	[tilespmem:s18], [sflag:$0x2] =	stream.indirect.gather [hbm4b:s3+s17], $0x40, s29, s17, $0xb8;
	[tilespmem:$0x12A38] =	vst v63  }
0x3e: {  	_ = 	snop  }
0x3f: {  	[tilespmem:s31], [sflag:$0x3] =	stream.linear.gather [hbm4b:s11+s2], $0x78, $0x38;
	[tilespmem:$0x12A38] =	vst v63  }
0x40: {  	_ =	swait.ge [sflag:s16], $0x78  }
0x41: {  	[sflag:s16] =	ssyncset.done $0x0  }
0x42: {  	s19 =	simm.s32 $0xD638;
	[sflag:s16] =	ssyncadd.s32 $0xFFFFFF88  }
0x43: {  	[tilespmem:s19], [sflag:$0x2] =	stream.indirect.gather [hbm4b:s3+s17], $0x40, s31, s17, $0xb8;
	[tilespmem:$0x12A38] =	vst v63  }
0x44: {  	_ = 	snop  }
0x45: {  	[tilespmem:s1], [sflag:$0x3] =	stream.linear.gather [hbm4b:s12+s2], $0x78, $0x38;
	[tilespmem:$0x12A38] =	vst v63  }
0x46: {  	_ =	swait.ge [sflag:s16], $0x78  }
0x47: {  	[sflag:s16] =	ssyncset.done $0x0  }
0x48: {  	s18 =	simm.s32 $0xF438;
	[sflag:s16] =	ssyncadd.s32 $0xFFFFFF88  }
0x49: {  	[tilespmem:s18], [sflag:$0x2] =	stream.indirect.gather [hbm4b:s3+s17], $0x40, s1, s17, $0xb8;
	[tilespmem:$0x12A38] =	vst v63  }
0x4a: {  	s19 =	simm.s32 $0x11238  }
0x4b: {  	[tilespmem:s19], [sflag:$0x3] =	stream.linear.gather [hbm4b:s13+s2], $0x1200, $0x38;
	[tilespmem:$0x12A38] =	vst v63  }
0x4c: {  	_ =	swait.ge [sflag:s16], $0x1200  }
0x4d: {  	[sflag:s16] =	ssyncset.done $0x0  }
0x4e: {  	[sflag:s16] =	ssyncadd.s32 $0xFFFFEE00  }
0x4f: {  	_ =	swait.ge [sflag:s21], $0x1E00  }
0x50: {  	[sflag:s21] =	ssyncset.done $0x0  }
0x51: {  	[sflag:s21] =	ssyncadd.s32 $0xFFFFE200  }
0x52: {  	_ =	swait.ge [sflag:s21], $0x1E00  }
0x53: {  	[sflag:s21] =	ssyncset.done $0x0  }
0x54: {  	[sflag:s21] =	ssyncadd.s32 $0xFFFFE200  }
0x55: {  	_ =	swait.ge [sflag:s21], $0x1E00  }
0x56: {  	[sflag:s21] =	ssyncset.done $0x0  }
0x57: {  	[sflag:s21] =	ssyncadd.s32 $0xFFFFE200  }
0x58: {  	_ =	swait.ge [sflag:s21], $0x1E00  }
0x59: {  	s30 =	simm.s32 $0x11298;
	[sflag:s21] =	ssyncset.done $0x0  }
0x5a: {  	s0 =	simm.s32 $0x9D8;
	s18 =	simm.s32 $0x0;
	[sflag:s21] =	ssyncadd.s32 $0xFFFFE200  }
.LBB2_2:
0x5b: {  	v2 =	vld [tilespmem:s0+$0xFFFFFA60]  }
0x5c: {  	v3 =	vld [tilespmem:s0+$0xFFFFFA70]  }
0x5d: {  	v16 =	vld [tilespmem:s0+$0xFFFFFA80]  }
0x5e: {  	v21 =	vld [tilespmem:s0+$0xFFFFFA90]  }
0x5f: {  	v9 =	vld [tilespmem:s0+$0xFFFFFAA0]  }
0x60: {  	v10 =	vld [tilespmem:s0+$0xFFFFFAB0]  }
0x61: {  	v24 =	vld [tilespmem:s0+$0xFFFFFAC0]  }
0x62: {  	v29 =	vld [tilespmem:s0+$0xFFFFFAD0]  }
0x63: {  	v13 =	vld [tilespmem:s0+$0xFFFFFAE0]  }
0x64: {  	v32 =	vld [tilespmem:s0+$0xFFFFFAF0]  }
0x65: {  	v38 =	vld [tilespmem:s0+$0xFFFFFB00]  }
0x66: {  	v44 =	vld [tilespmem:s0+$0xFFFFFB10]  }
0x67: {  	v48 =	vld [tilespmem:s0+$0xFFFFFB20]  }
0x68: {  	v49 =	vld [tilespmem:s0+$0xFFFFFB30]  }
0x69: {  	v50 =	vld [tilespmem:s0+$0xFFFFFB40]  }
0x6a: {  	v46 =	vld [tilespmem:s30+$0xFFFFFFC0]  }
0x6b: {  	v51 =	vld [tilespmem:s0+$0xFFFFFB50]  }
0x6c: {  	v52 =	vld [tilespmem:s0+$0xFFFFFB60]  }
0x6d: {  	v53 =	vld [tilespmem:s0+$0xFFFFFB70]  }
0x6e: {  	v54 =	vld [tilespmem:s0+$0xFFFFFB80]  }
0x6f: {  	[tilespmem:$0x1FFE0] =	vst v46;
	v46 =	vld [tilespmem:s0+$0xFFFFFE50]  }
0x70: {  	v55 =	vld [tilespmem:s0+$0xFFFFFB90]  }
0x71: {  	v56 =	vld [tilespmem:s0+$0xFFFFFBA0]  }
0x72: {  	v57 =	vld [tilespmem:s0+$0xFFFFFBB0]  }
0x73: {  	v58 =	vld [tilespmem:s0+$0xFFFFFBC0]  }
0x74: {  	[tilespmem:$0x1FE00] =	vst v46;
	v46 =	vld [tilespmem:s0+$0xFFFFFEB0]  }
0x75: {  	v59 =	vld [tilespmem:s0+$0xFFFFFBD0]  }
0x76: {  	v60 =	vld [tilespmem:s0+$0xFFFFFBE0]  }
0x77: {  	v61 =	vld [tilespmem:s0+$0xFFFFFBF0]  }
0x78: {  	v62 =	vld [tilespmem:s0+$0xFFFFFC00]  }
0x79: {  	[tilespmem:$0x1FE10] =	vst v46;
	v46 =	vld [tilespmem:s0+$0xFFFFFEC0]  }
0x7a: {  	v63 =	vld [tilespmem:s0+$0xFFFFFC10]  }
0x7b: {  	v0 =	vld [tilespmem:s0+$0xFFFFFC20]  }
0x7c: {  	v1 =	vld [tilespmem:s0+$0xFFFFFC30]  }
0x7d: {  	v7 =	vld [tilespmem:s0+$0xFFFFFC40]  }
0x7e: {  	[tilespmem:$0x1FE20] =	vst v46;
	v46 =	vld [tilespmem:s0+$0xFFFFFED0]  }
0x7f: {  	v14 =	vld [tilespmem:s0+$0xFFFFFC50]  }
0x80: {  	v4 =	vld [tilespmem:s0+$0xFFFFFC60]  }
0x81: {  	v5 =	vld [tilespmem:s0+$0xFFFFFC70]  }
0x82: {  	v12 =	vld [tilespmem:s0+$0xFFFFFC80]  }
0x83: {  	[tilespmem:$0x1FE30] =	vst v46;
	v46 =	vld [tilespmem:s0+$0xFFFFFEE0]  }
0x84: {  	v19 =	vld [tilespmem:s0+$0xFFFFFC90]  }
0x85: {  	v6 =	vld [tilespmem:s0+$0xFFFFFCA0]  }
0x86: {  	v8 =	vld [tilespmem:s0+$0xFFFFFCB0]  }
0x87: {  	v18 =	vld [tilespmem:s0+$0xFFFFFCC0]  }
0x88: {  	[tilespmem:$0x1FE40] =	vst v46;
	v46 =	vld [tilespmem:s0+$0xFFFFFEF0]  }
0x89: {  	v25 =	vld [tilespmem:s0+$0xFFFFFCD0]  }
0x8a: {  	v11 =	vld [tilespmem:s0+$0xFFFFFCE0]  }
0x8b: {  	v15 =	vld [tilespmem:s0+$0xFFFFFCF0]  }
0x8c: {  	v23 =	vld [tilespmem:s0+$0xFFFFFD00]  }
0x8d: {  	[tilespmem:$0x1FE50] =	vst v46;
	v46 =	vld [tilespmem:s0+$0xFFFFFF00]  }
0x8e: {  	v30 =	vld [tilespmem:s0+$0xFFFFFD10]  }
0x8f: {  	v17 =	vld [tilespmem:s0+$0xFFFFFD20]  }
0x90: {  	v20 =	vld [tilespmem:s0+$0xFFFFFD30]  }
0x91: {  	v28 =	vld [tilespmem:s0+$0xFFFFFD40]  }
0x92: {  	[tilespmem:$0x1FE60] =	vst v46;
	v46 =	vld [tilespmem:s0+$0xFFFFFF10]  }
0x93: {  	v35 =	vld [tilespmem:s0+$0xFFFFFD50]  }
0x94: {  	v22 =	vld [tilespmem:s0+$0xFFFFFD60]  }
0x95: {  	v26 =	vld [tilespmem:s0+$0xFFFFFD70]  }
0x96: {  	v34 =	vld [tilespmem:s0+$0xFFFFFD80]  }
0x97: {  	[tilespmem:$0x1FE70] =	vst v46;
	v46 =	vld [tilespmem:s0+$0xFFFFFF20]  }
0x98: {  	v40 =	vld [tilespmem:s0+$0xFFFFFD90]  }
0x99: {  	v27 =	vld [tilespmem:s0+$0xFFFFFDA0]  }
0x9a: {  	v31 =	vld [tilespmem:s0+$0xFFFFFDB0]  }
0x9b: {  	v39 =	vld [tilespmem:s0+$0xFFFFFDC0]  }
0x9c: {  	[tilespmem:$0x1FE80] =	vst v46;
	v46 =	vld [tilespmem:s0+$0xFFFFFF30]  }
0x9d: {  	v47 =	vld [tilespmem:s0+$0xFFFFFDD0]  }
0x9e: {  	v33 =	vld [tilespmem:s0+$0xFFFFFDE0]  }
0x9f: {  	v36 =	vld [tilespmem:s0+$0xFFFFFDF0]  }
0xa0: {  	v37 =	vld [tilespmem:s0+$0xFFFFFE00]  }
0xa1: {  	[tilespmem:$0x1FE90] =	vst v46;
	v46 =	vld [tilespmem:s0+$0xFFFFFF40]  }
0xa2: {  	v42 =	vld [tilespmem:s0+$0xFFFFFE10]  }
0xa3: {  	v43 =	vld [tilespmem:s30+$0xFFFFFFA0]  }
0xa4: {  	v45 =	vld [tilespmem:s30+$0xFFFFFFB0]  }
0xa5: {  	v41 =	vld [tilespmem:s30+$0xFFFFFFD0]  }
0xa6: {  	[tilespmem:$0x1FEA0] =	vst v46;
	v46 =	vld [tilespmem:s0+$0xFFFFFF50]  }
0xa7: {  	[tilespmem:$0x1FDA0] =	vst v42;
	v42 =	vld [tilespmem:s0+$0xFFFFFE20]  }
0xa8: {  	[tilespmem:$0x1FDB0] =	vst v43;
	v43 =	vld [tilespmem:s0+$0xFFFFFE30]  }
0xa9: {  	[tilespmem:$0x1FDC0] =	vst v45;
	v45 =	vld [tilespmem:s0+$0xFFFFFE40]  }
0xaa: {  	[tilespmem:$0x1FD90] =	vst v37;
	v37 =	vld [tilespmem:s0+$0xFFFFFE60]  }
0xab: {  	[tilespmem:$0x1FEB0] =	vst v46;
	v46 =	vld [tilespmem:s0+$0xFFFFFF60]  }
0xac: {  	[tilespmem:$0x1FFF0] =	vst v41;
	v41 =	vld [tilespmem:s0+$0xFFFFFE70]  }
0xad: {  	v2 =	vadd.f32 v9, v2;
	v9 =	vld [tilespmem:s0+$0x80]  }
0xae: {  	v3 =	vadd.f32 v10, v3;
	v10 =	vld [tilespmem:s0+$0x90]  }
0xaf: {  	v24 =	vadd.f32 v24, v16;
	v16 =	vld [tilespmem:s0+$0xB0]  }
0xb0: {  	[tilespmem:$0x1FEC0] =	vst v46;
	v46 =	vld [tilespmem:s0+$0xFFFFFF70]  }
0xb1: {  	v29 =	vadd.f32 v29, v21;
	v21 =	vld [tilespmem:s0+$0xC0]  }
0xb2: {  	v2 =	vadd.f32 v13, v2;
	v13 =	vld [tilespmem:s0+$0xA0]  }
0xb3: {  	v3 =	vadd.f32 v32, v3;
	v32 =	vld [tilespmem:s0+$0xF0]  }
0xb4: {  	v2 =	vadd.f32 v48, v2;
	v48 =	vadd.f32 v38, v24;
	v24 =	vld [tilespmem:s0+$0xD0]  }
0xb5: {  	[tilespmem:$0x1FED0] =	vst v46;
	v46 =	vld [tilespmem:s0+$0xFFFFFF80]  }
0xb6: {  	v3 =	vadd.f32 v49, v3;
	v49 =	vadd.f32 v44, v29;
	v29 =	vld [tilespmem:s0+$0xE0]  }
0xb7: {  	v38 =	vld [tilespmem:s0+$0x100]  }
0xb8: {  	v44 =	vld [tilespmem:s0+$0x110]  }
0xb9: {  	[tilespmem:$0x1FDD0] =	vst v42;
	v42 =	vld [tilespmem:s0+$0xFFFFFE80]  }
0xba: {  	[tilespmem:$0x1FEE0] =	vst v46;
	v46 =	vld [tilespmem:s0+$0xFFFFFF90]  }
0xbb: {  	[tilespmem:$0x1FDE0] =	vst v43;
	v43 =	vld [tilespmem:s0+$0xFFFFFE90]  }
0xbc: {  	[tilespmem:$0x1FDF0] =	vst v45;
	v45 =	vld [tilespmem:s0+$0xFFFFFEA0]  }
0xbd: {  	v2 =	vadd.f32 v52, v2;
	v52 =	vadd.f32 v50, v48;
	v50 =	vld [tilespmem:s0+$0x120]  }
0xbe: {  	v3 =	vadd.f32 v53, v3;
	v53 =	vadd.f32 v51, v49;
	v51 =	vld [tilespmem:s0+$0x130]  }
0xbf: {  	[tilespmem:$0x1FEF0] =	vst v46;
	v46 =	vld [tilespmem:s0+$0xFFFFFFA0]  }
0xc0: {  	v2 =	vadd.f32 v56, v2;
	v56 =	vadd.f32 v54, v52;
	v52 =	vld [tilespmem:s0+$0x140]  }
0xc1: {  	v48 =	vadd.f32 v55, v53;
	v53 =	vld [tilespmem:$0x1FDF0]  }
0xc2: {  	v54 =	vld [tilespmem:$0x1FE00]  }
0xc3: {  	v3 =	vadd.f32 v57, v3;
	v49 =	vadd.f32 v58, v56;
	v55 =	vld [tilespmem:$0x1FE10]  }
0xc4: {  	v2 =	vadd.f32 v60, v2;
	v48 =	vadd.f32 v59, v48;
	[tilespmem:$0x1FF00] =	vst v46;
	v46 =	vld [tilespmem:s0+$0xFFFFFFB0]  }
0xc5: {  	v3 =	vadd.f32 v61, v3;
	v62 =	vadd.f32 v62, v49;
	v49 =	vld [tilespmem:s0+$0x150]  }
0xc6: {  	v0 =	vadd.f32 v0, v2;
	v63 =	vadd.f32 v63, v48;
	v48 =	vld [tilespmem:s0+$0x160]  }
0xc7: {  	v1 =	vadd.f32 v1, v3;
	v2 =	vadd.f32 v7, v62;
	v7 =	vld [tilespmem:s0+$0x170]  }
0xc8: {  	v0 =	vadd.f32 v4, v0;
	v3 =	vadd.f32 v14, v63;
	v14 =	vld [tilespmem:s0+$0x1C0]  }
0xc9: {  	v1 =	vadd.f32 v5, v1;
	[tilespmem:$0x1FF10] =	vst v46;
	v46 =	vld [tilespmem:s0+$0xFFFFFFC0]  }
0xca: {  	v0 =	vadd.f32 v6, v0;
	v6 =	vld [tilespmem:s0+$0x180]  }
0xcb: {  	v1 =	vadd.f32 v8, v1;
	v8 =	vld [tilespmem:s0+$0x190]  }
0xcc: {  	v2 =	vadd.f32 v12, v2;
	v12 =	vld [tilespmem:s0+$0x1B0]  }
0xcd: {  	v3 =	vadd.f32 v19, v3;
	v19 =	vld [tilespmem:s0+$0x1E0]  }
0xce: {  	[tilespmem:$0x1FF20] =	vst v46;
	v46 =	vld [tilespmem:s0+$0xFFFFFFD0]  }
0xcf: {  	v56 =	vld [tilespmem:$0x1FE20]  }
0xd0: {  	v0 =	vadd.f32 v11, v0;
	v11 =	vld [tilespmem:s0+$0x1A0]  }
0xd1: {  	v1 =	vadd.f32 v15, v1;
	v15 =	vld [tilespmem:s0+$0x1D0]  }
0xd2: {  	v2 =	vadd.f32 v18, v2;
	v18 =	vld [tilespmem:s30+$0xFFFFFFF0]  }
0xd3: {  	[tilespmem:$0x1FF30] =	vst v46;
	v46 =	vld [tilespmem:s0+$0xFFFFFFE0]  }
0xd4: {  	v3 =	vadd.f32 v25, v3;
	v25 =	vld [tilespmem:s0+$0x210]  }
0xd5: {  	v0 =	vadd.f32 v17, v0;
	v17 =	vld [tilespmem:s30+$0xFFFFFFE0]  }
0xd6: {  	v1 =	vadd.f32 v20, v1;
	v20 =	vld [tilespmem:s0+$0x1F0]  }
0xd7: {  	v2 =	vadd.f32 v23, v2;
	v57 =	vld [tilespmem:$0x1FE30]  }
0xd8: {  	v3 =	vadd.f32 v30, v3;
	[tilespmem:$0x1FF40] =	vst v46;
	v46 =	vld [tilespmem:s0+$0xFFFFFFF0]  }
0xd9: {  	v28 =	vadd.f32 v28, v2;
	v2 =	vld [tilespmem:s30+$0x0]  }
0xda: {  	v30 =	vadd.f32 v35, v3;
	v3 =	vld [tilespmem:s30+$0x10]  }
0xdb: {  	v0 =	vadd.f32 v22, v0;
	v22 =	vld [tilespmem:s0+$0x200]  }
0xdc: {  	v35 =	vld [tilespmem:$0x1FD90]  }
0xdd: {  	[tilespmem:$0x1FF50] =	vst v46;
	v46 =	vld [tilespmem:s0+$0x0]  }
0xde: {  	v1 =	vadd.f32 v26, v1;
	v5 =	vadd.f32 v40, v30;
	v40 =	vld [tilespmem:$0x1FDC0]  }
0xdf: {  	v0 =	vadd.f32 v27, v0;
	v27 =	vld [tilespmem:s0+$0x230]  }
0xe0: {  	v1 =	vadd.f32 v31, v1;
	v31 =	vld [tilespmem:s0+$0x240]  }
0xe1: {  	v4 =	vadd.f32 v34, v28;
	v34 =	vld [tilespmem:s0+$0x250]  }
0xe2: {  	[tilespmem:$0x1FF60] =	vst v46;
	v46 =	vld [tilespmem:s0+$0x10]  }
0xe3: {  	v30 =	vadd.f32 v42, v53;
	v42 =	vld [tilespmem:s0+$0x2C0]  }
0xe4: {  	v1 =	vadd.f32 v36, v1;
	v36 =	vld [tilespmem:$0x1FDA0]  }
0xe5: {  	v4 =	vadd.f32 v39, v4;
	v39 =	vld [tilespmem:$0x1FDB0]  }
0xe6: {  	v5 =	vadd.f32 v47, v5;
	v47 =	vld [tilespmem:$0x1FDE0]  }
0xe7: {  	v0 =	vadd.f32 v33, v0;
	[tilespmem:$0x1FF70] =	vst v46;
	v46 =	vld [tilespmem:s0+$0x20]  }
0xe8: {  	v58 =	vld [tilespmem:$0x1FE40]  }
0xe9: {  	v33 =	vadd.f32 v43, v54;
	v43 =	vld [tilespmem:s0+$0x2D0];
	v0 =	vmul.f32 $5.333333610e-01, v0  }
0xea: {  	v23 =	vadd.f32 v35, v4;
	v35 =	vld [tilespmem:s0+$0x260]  }
0xeb: {  	v1 =	vmul.f32 $5.333333610e-01, v1;
	v26 =	vadd.f32 v36, v5;
	v5 =	vadd.f32 v39, v0;
	v0 =	vld [tilespmem:s0+$0x220]  }
0xec: {  	[tilespmem:$0x1FF80] =	vst v46;
	v46 =	vld [tilespmem:s0+$0x30]  }
0xed: {  	v4 =	vadd.f32 v40, v1;
	v40 =	vld [tilespmem:s0+$0x2A0]  }
0xee: {  	v36 =	vld [tilespmem:s0+$0x270]  }
0xef: {  	v59 =	vld [tilespmem:$0x1FE50]  }
0xf0: {  	v39 =	vld [tilespmem:s0+$0x290];
	v0 =	vadd.f32 v0, v19  }
0xf1: {  	[tilespmem:$0x1FF90] =	vst v46;
	v46 =	vld [tilespmem:s0+$0x40]  }
0xf2: {  	v28 =	vadd.f32 v41, v47;
	v41 =	vld [tilespmem:s0+$0x2B0];
	v0 =	vadd.f32 v35, v0  }
0xf3: {  	v60 =	vld [tilespmem:$0x1FE60]  }
0xf4: {  	v0 =	vadd.f32 v40, v0;
	v40 =	vld [tilespmem:s0+$0x4E0]  }
0xf5: {  	v63 =	vld [tilespmem:$0x1FE90]  }
0xf6: {  	[tilespmem:$0x1FFA0] =	vst v46;
	v46 =	vld [tilespmem:s0+$0x50]  }
0xf7: {  	v28 =	vadd.f32 v55, v28;
	v61 =	vld [tilespmem:$0x1FE70]  }
0xf8: {  	v53 =	vld [tilespmem:$0x1FED0]  }
0xf9: {  	v28 =	vadd.f32 v59, v28;
	v62 =	vld [tilespmem:$0x1FE80]  }
0xfa: {  	v47 =	vld [tilespmem:$0x1FEC0]  }
0xfb: {  	v28 =	vadd.f32 v63, v28;
	[tilespmem:$0x1FFB0] =	vst v46;
	v46 =	vld [tilespmem:s0+$0x60]  }
0xfc: {  	v54 =	vld [tilespmem:$0x1FEE0]  }
0xfd: {  	v28 =	vadd.f32 v53, v28;
	v53 =	vld [tilespmem:s0+$0x310]  }
0xfe: {  	v55 =	vld [tilespmem:$0x1FEF0]  }
0xff: {  	v33 =	vadd.f32 v57, v33;
	v57 =	vld [tilespmem:$0x1FF10]  }
0x100: {  	[tilespmem:$0x1FFC0] =	vst v46;
	v46 =	vld [tilespmem:s0+$0x70]  }
0x101: {  	v30 =	vadd.f32 v56, v30;
	v56 =	vld [tilespmem:$0x1FF00]  }
0x102: {  	v33 =	vadd.f32 v61, v33;
	v61 =	vld [tilespmem:$0x1FF50]  }
0x103: {  	v59 =	vld [tilespmem:$0x1FF30]  }
0x104: {  	v28 =	vadd.f32 v57, v28;
	v57 =	vld [tilespmem:$0x1FF90]  }
0x105: {  	[tilespmem:$0x1FFD0] =	vst v46;
	v46 =	vld [tilespmem:$0x1FDD0]  }
0x106: {  	v30 =	vadd.f32 v60, v30;
	v60 =	vld [tilespmem:$0x1FF40]  }
0x107: {  	v28 =	vadd.f32 v61, v28;
	v61 =	vld [tilespmem:$0x1FFD0]  }
0x108: {  	v63 =	vld [tilespmem:$0x1FF70]  }
0x109: {  	v28 =	vadd.f32 v57, v28;
	v57 =	vld [tilespmem:s0+$0x440]  }
0x10a: {  	v1 =	vadd.f32 v37, v46;
	v37 =	vld [tilespmem:s0+$0x280]  }
0x10b: {  	v46 =	vld [tilespmem:$0x1FEB0]  }
0x10c: {  	v28 =	vadd.f32 v61, v28;
	v61 =	vld [tilespmem:s0+$0x480]  }
0x10d: {  	v1 =	vadd.f32 v45, v1;
	v45 =	vld [tilespmem:$0x1FEA0]  }
0x10e: {  	v16 =	vadd.f32 v16, v28;
	v28 =	vld [tilespmem:s0+$0x380]  }
0x10f: {  	v1 =	vadd.f32 v58, v1;
	v58 =	vld [tilespmem:$0x1FF20]  }
0x110: {  	v33 =	vadd.f32 v46, v33;
	v46 =	vld [tilespmem:s0+$0x2F0]  }
0x111: {  	v16 =	vadd.f32 v32, v16;
	v32 =	vld [tilespmem:s0+$0x3A0];
	v1 =	vadd.f32 v62, v1  }
0x112: {  	v62 =	vld [tilespmem:$0x1FF60]  }
0x113: {  	v30 =	vadd.f32 v45, v30;
	v45 =	vld [tilespmem:s0+$0x2E0];
	v1 =	vadd.f32 v47, v1  }
0x114: {  	v33 =	vadd.f32 v55, v33;
	v55 =	vld [tilespmem:s0+$0x330]  }
0x115: {  	v1 =	vadd.f32 v56, v1;
	v56 =	vld [tilespmem:$0x1FF80]  }
0x116: {  	v16 =	vadd.f32 v51, v16;
	v47 =	vld [tilespmem:s0+$0x300]  }
0x117: {  	v51 =	vadd.f32 v31, v22;
	v1 =	vadd.f32 v60, v1;
	v60 =	vld [tilespmem:$0x1FFC0]  }
0x118: {  	v30 =	vadd.f32 v54, v30;
	v33 =	vadd.f32 v59, v33;
	v54 =	vld [tilespmem:s0+$0x320]  }
0x119: {  	v59 =	vld [tilespmem:$0x1FFB0];
	v7 =	vadd.f32 v7, v16;
	v19 =	vadd.f32 v37, v51  }
0x11a: {  	v37 =	vld [tilespmem:s0+$0x4B0];
	v30 =	vadd.f32 v58, v30;
	v1 =	vadd.f32 v56, v1  }
0x11b: {  	v51 =	vld [tilespmem:s0+$0x580];
	v33 =	vadd.f32 v63, v33;
	v7 =	vadd.f32 v12, v7  }
0x11c: {  	v58 =	vld [tilespmem:$0x1FFA0];
	v19 =	vadd.f32 v42, v19;
	v1 =	vadd.f32 v60, v1  }
0x11d: {  	v63 =	vmul.f32 $5.333333610e-01, v26;
	v26 =	vld [tilespmem:$0x1FFE0];
	v0 =	vadd.f32 v45, v0;
	v30 =	vadd.f32 v62, v30  }
0x11e: {  	v45 =	vld [tilespmem:s0+$0x520];
	v7 =	vmul.f32 $5.333333610e-01, v7;
	v19 =	vadd.f32 v47, v19;
	v1 =	vadd.f32 v13, v1  }
0x11f: {  	v62 =	vmul.f32 $5.333333610e-01, v23;
	v23 =	vld [tilespmem:s0+$0x3F0];
	v33 =	vadd.f32 v59, v33;
	v0 =	vadd.f32 v54, v0  }
0x120: {  	v47 =	vld [tilespmem:s0+$0x540];
	v7 =	vadd.f32 v18, v7;
	v1 =	vadd.f32 v29, v1  }
0x121: {  	v59 =	vld [tilespmem:s0+$0x460];
	v56 =	vadd.f32 v34, v25;
	v30 =	vadd.f32 v58, v30  }
0x122: {  	v10 =	vadd.f32 v10, v33;
	v33 =	vld [tilespmem:s0+$0x3B0];
	v1 =	vadd.f32 v50, v1  }
0x123: {  	v58 =	vld [tilespmem:s0+$0x450];
	v22 =	vadd.f32 v39, v56;
	v9 =	vadd.f32 v9, v30  }
0x124: {  	v30 =	vld [tilespmem:s0+$0x340];
	v10 =	vadd.f32 v24, v10;
	v1 =	vadd.f32 v48, v1  }
0x125: {  	v12 =	vadd.f32 v26, v62;
	v62 =	vld [tilespmem:s0+$0x490];
	v22 =	vadd.f32 v43, v22  }
0x126: {  	v24 =	vld [tilespmem:s0+$0x370];
	v10 =	vadd.f32 v44, v10;
	v1 =	vadd.f32 v11, v1  }
0x127: {  	v13 =	vld [tilespmem:s0+$0x350];
	v9 =	vadd.f32 v21, v9;
	v22 =	vadd.f32 v53, v22  }
0x128: {  	v21 =	vld [tilespmem:s0+$0x360];
	v10 =	vadd.f32 v49, v10;
	v49 =	vadd.f32 v27, v20;
	v1 =	vmul.f32 $5.333333610e-01, v1  }
0x129: {  	v44 =	vld [tilespmem:s0+$0x400];
	v9 =	vadd.f32 v38, v9;
	v19 =	vadd.f32 v30, v19  }
0x12a: {  	v29 =	vld [tilespmem:s0+$0x390];
	v1 =	vadd.f32 v17, v1;
	v17 =	vadd.f32 v36, v49  }
0x12b: {  	v38 =	vld [tilespmem:$0x1FFF0];
	v9 =	vadd.f32 v52, v9;
	v8 =	vadd.f32 v8, v10  }
0x12c: {  	v10 =	vld [tilespmem:s0+$0x3E0];
	v13 =	vadd.f32 v13, v22;
	v17 =	vadd.f32 v41, v17  }
0x12d: {  	v0 =	vadd.f32 v21, v0;
	v6 =	vadd.f32 v6, v9;
	v9 =	vld [tilespmem:s0+$0x3C0]  }
0x12e: {  	v19 =	vadd.f32 v28, v19;
	v11 =	vld [tilespmem:s0+$0x3D0];
	v17 =	vadd.f32 v46, v17  }
0x12f: {  	v50 =	vld [tilespmem:s0+$0x420];
	v8 =	vadd.f32 v15, v8;
	v13 =	vadd.f32 v29, v13  }
0x130: {  	v48 =	vld [tilespmem:s0+$0x410];
	v16 =	vadd.f32 v38, v63;
	v17 =	vadd.f32 v55, v17  }
0x131: {  	v60 =	vld [tilespmem:s0+$0x470];
	v0 =	vadd.f32 v32, v0;
	v6 =	vadd.f32 v14, v6  }
0x132: {  	v39 =	vld [tilespmem:s0+$0x4D0];
	v9 =	vadd.f32 v9, v19;
	v17 =	vadd.f32 v24, v17  }
0x133: {  	v52 =	vld [tilespmem:s0+$0x430];
	v0 =	vadd.f32 v10, v0;
	v11 =	vadd.f32 v11, v13  }
0x134: {  	v63 =	vld [tilespmem:s0+$0x4A0];
	v9 =	vadd.f32 v44, v9;
	v17 =	vadd.f32 v33, v17  }
0x135: {  	v38 =	vld [tilespmem:s0+$0x4C0];
	v0 =	vadd.f32 v50, v0;
	v11 =	vadd.f32 v48, v11  }
0x136: {  	v43 =	vld [tilespmem:s0+$0x500];
	v9 =	vadd.f32 v57, v9;
	v42 =	vadd.f32 v23, v17  }
0x137: {  	v49 =	vld [tilespmem:s0+$0x560];
	v0 =	vadd.f32 v59, v0;
	v11 =	vadd.f32 v58, v11  }
0x138: {  	v44 =	vld [tilespmem:s0+$0x510];
	v9 =	vadd.f32 v61, v9;
	v13 =	vadd.f32 v52, v42  }
0x139: {  	v41 =	vld [tilespmem:s0+$0x4F0];
	v0 =	vadd.f32 v63, v0;
	v11 =	vadd.f32 v62, v11  }
0x13a: {  	v48 =	vld [tilespmem:s0+$0x550];
	v9 =	vadd.f32 v38, v9;
	v13 =	vadd.f32 v60, v13  }
0x13b: {  	v46 =	vld [tilespmem:s0+$0x530];
	v0 =	vadd.f32 v40, v0;
	v11 =	vadd.f32 v39, v11  }
0x13c: {  	v9 =	vadd.f32 v43, v9;
	v52 =	vld [tilespmem:s0+$0x590];
	v13 =	vadd.f32 v37, v13  }
0x13d: {  	v50 =	vld [tilespmem:s0+$0x570];
	v0 =	vadd.f32 v45, v0;
	v11 =	vadd.f32 v44, v11  }
0x13e: {  	v53 =	vld [tilespmem:s30+$0x20];
	v9 =	vadd.f32 v47, v9;
	v10 =	vadd.f32 v41, v13  }
0x13f: {  	v55 =	vld [tilespmem:s30+$0x40];
	v0 =	vadd.f32 v49, v0;
	v11 =	vadd.f32 v48, v11  }
0x140: {  	v56 =	vld [tilespmem:s30+$0x50];
	v8 =	vmul.f32 $5.333333610e-01, v8;
	v9 =	vadd.f32 v51, v9;
	v10 =	vadd.f32 v46, v10  }
0x141: {  	v54 =	vld [tilespmem:s30+$0x30];
	v6 =	vmul.f32 $5.333333610e-01, v6;
	v0 =	vmul.f32 $5.333333610e-01, v0;
	v57 =	vadd.f32 v52, v11  }
0x142: {  	v3 =	vadd.f32 v3, v8;
	v58 =	vmul.f32 $5.333333610e-01, v9;
	v10 =	vadd.f32 v50, v10  }
0x143: {  	v2 =	vadd.f32 v2, v6;
	v0 =	vadd.f32 v53, v0;
	v6 =	vmul.f32 $5.333333610e-01, v57  }
0x144: {  	p0 =	sne.s32 s18, $0x900;
	v1 =	vmax.f32 v5, v1;
	v60 =	vadd.f32 v55, v58;
	v10 =	vmul.f32 $5.333333610e-01, v10  }
.Ltmp0:
0x145: {  	s19 =	sshra.s32 s18, $0x2;
	v61 =	vmax.f32 v12, v2;
	v0 =	vmax.f32 v1, v0;
	v62 =	vadd.f32 v56, v6;
	(pc) =	sbr.rel @p0 .LBB2_2-.Ltmp0, $4  }
0x146: {  	v63 =	vmax.f32 v16, v3;
	[tilespmem:s19+$0x12438] =	vst v0;
	v1 =	vmax.f32 v61, v60;
	v59 =	vadd.f32 v54, v10  }
0x147: {  	v4 =	vmax.f32 v4, v7;
	[tilespmem:s19+$0x12458] =	vst v1;
	v0 =	vmax.f32 v63, v62  }
0x148: {  	[tilespmem:s19+$0x12468] =	vst v0;
	v4 =	vmax.f32 v4, v59  }
0x149: {  	s18 =	sadd.s32 $0x100, s18;
	s30 =	sadd.s32 $0xC0, s30;
	s0 =	sadd.s32 $0xB40, s0;
	[tilespmem:s19+$0x12448] =	vst v4  }
0x14a: {  	_ =	swait.ge [sflag:s23], $0x1E00  }
0x14b: {  	[sflag:s23] =	ssyncset.done $0x0  }
0x14c: {  	[sflag:s23] =	ssyncadd.s32 $0xFFFFE200  }
0x14d: {  	_ =	swait.ge [sflag:s23], $0x1E00  }
0x14e: {  	[sflag:s23] =	ssyncset.done $0x0  }
0x14f: {  	[sflag:s23] =	ssyncadd.s32 $0xFFFFE200  }
0x150: {  	_ =	swait.ge [sflag:s23], $0x1E00  }
0x151: {  	[sflag:s23] =	ssyncset.done $0x0  }
0x152: {  	[sflag:s23] =	ssyncadd.s32 $0xFFFFE200  }
0x153: {  	_ =	swait.ge [sflag:s23], $0x1E00  }
0x154: {  	[sflag:s23] =	ssyncset.done $0x0  }
0x155: {  	[sflag:s23] =	ssyncadd.s32 $0xFFFFE200  }
0x156: {  	_ =	swait.ge [sflag:s23], $0x1E00  }
0x157: {  	s30 =	simm.s32 $0x0;
	[sflag:s23] =	ssyncset.done $0x0  }
0x158: {  	s0 =	simm.s32 $0x126E8;
	s18 =	simm.s32 $0x11A68;
	[sflag:s23] =	ssyncadd.s32 $0xFFFFE200  }
.LBB2_4:
0x159: {  	v43 =	vld [tilespmem:s18+$0xFFFFFF50]  }
0x15a: {  	v45 =	vld [tilespmem:s18+$0xFFFFFF60]  }
0x15b: {  	v46 =	vld [tilespmem:s18+$0xFFFFFF70]  }
0x15c: {  	s19 =	sshra.s32 s30, $0x2;
	v41 =	vld [tilespmem:s18+$0xFFFFFF80]  }
0x15d: {  	v2 =	vld [tilespmem:s19+$0x74B8]  }
0x15e: {  	v3 =	vld [tilespmem:s19+$0x74C8]  }
0x15f: {  	v16 =	vld [tilespmem:s19+$0x74D8]  }
0x160: {  	v21 =	vld [tilespmem:s19+$0x74E8]  }
0x161: {  	v9 =	vld [tilespmem:s19+$0x74F8]  }
0x162: {  	v10 =	vld [tilespmem:s19+$0x7508]  }
0x163: {  	v24 =	vld [tilespmem:s19+$0x7518]  }
0x164: {  	v29 =	vld [tilespmem:s19+$0x7528]  }
0x165: {  	v13 =	vld [tilespmem:s19+$0x7538]  }
0x166: {  	v32 =	vld [tilespmem:s19+$0x7548]  }
0x167: {  	v38 =	vld [tilespmem:s19+$0x7558]  }
0x168: {  	v44 =	vld [tilespmem:s19+$0x7568]  }
0x169: {  	v48 =	vld [tilespmem:s19+$0x7578]  }
0x16a: {  	v49 =	vld [tilespmem:s19+$0x7588]  }
0x16b: {  	v50 =	vld [tilespmem:s19+$0x7598]  }
0x16c: {  	v51 =	vld [tilespmem:s19+$0x75A8]  }
0x16d: {  	[tilespmem:$0x1FD70] =	vst v46;
	v46 =	vld [tilespmem:s19+$0x78A8]  }
0x16e: {  	v52 =	vld [tilespmem:s19+$0x75B8]  }
0x16f: {  	v53 =	vld [tilespmem:s19+$0x75C8]  }
0x170: {  	v54 =	vld [tilespmem:s19+$0x75D8]  }
0x171: {  	v55 =	vld [tilespmem:s19+$0x75E8]  }
0x172: {  	[tilespmem:$0x1FB90] =	vst v46;
	v46 =	vld [tilespmem:s19+$0x7908]  }
0x173: {  	v56 =	vld [tilespmem:s19+$0x75F8]  }
0x174: {  	v57 =	vld [tilespmem:s19+$0x7608]  }
0x175: {  	v58 =	vld [tilespmem:s19+$0x7618]  }
0x176: {  	v59 =	vld [tilespmem:s19+$0x7628]  }
0x177: {  	[tilespmem:$0x1FBA0] =	vst v46;
	v46 =	vld [tilespmem:s19+$0x7918]  }
0x178: {  	v60 =	vld [tilespmem:s19+$0x7638]  }
0x179: {  	v61 =	vld [tilespmem:s19+$0x7648]  }
0x17a: {  	v62 =	vld [tilespmem:s19+$0x7658]  }
0x17b: {  	v63 =	vld [tilespmem:s19+$0x7668]  }
0x17c: {  	[tilespmem:$0x1FBB0] =	vst v46;
	v46 =	vld [tilespmem:s19+$0x7928]  }
0x17d: {  	v0 =	vld [tilespmem:s19+$0x7678]  }
0x17e: {  	v1 =	vld [tilespmem:s19+$0x7688]  }
0x17f: {  	v7 =	vld [tilespmem:s19+$0x7698]  }
0x180: {  	v14 =	vld [tilespmem:s19+$0x76A8]  }
0x181: {  	[tilespmem:$0x1FBC0] =	vst v46;
	v46 =	vld [tilespmem:s19+$0x7938]  }
0x182: {  	v4 =	vld [tilespmem:s19+$0x76B8]  }
0x183: {  	v5 =	vld [tilespmem:s19+$0x76C8]  }
0x184: {  	v12 =	vld [tilespmem:s19+$0x76D8]  }
0x185: {  	v19 =	vld [tilespmem:s19+$0x76E8]  }
0x186: {  	[tilespmem:$0x1FBD0] =	vst v46;
	v46 =	vld [tilespmem:s19+$0x7948]  }
0x187: {  	v6 =	vld [tilespmem:s19+$0x76F8]  }
0x188: {  	v8 =	vld [tilespmem:s19+$0x7708]  }
0x189: {  	v18 =	vld [tilespmem:s19+$0x7718]  }
0x18a: {  	v25 =	vld [tilespmem:s19+$0x7728]  }
0x18b: {  	[tilespmem:$0x1FBE0] =	vst v46;
	v46 =	vld [tilespmem:s19+$0x7958]  }
0x18c: {  	v11 =	vld [tilespmem:s19+$0x7738]  }
0x18d: {  	v15 =	vld [tilespmem:s19+$0x7748]  }
0x18e: {  	v23 =	vld [tilespmem:s19+$0x7758]  }
0x18f: {  	v30 =	vld [tilespmem:s19+$0x7768]  }
0x190: {  	[tilespmem:$0x1FBF0] =	vst v46;
	v46 =	vld [tilespmem:s19+$0x7968]  }
0x191: {  	v17 =	vld [tilespmem:s19+$0x7778]  }
0x192: {  	v20 =	vld [tilespmem:s19+$0x7788]  }
0x193: {  	v28 =	vld [tilespmem:s19+$0x7798]  }
0x194: {  	v35 =	vld [tilespmem:s19+$0x77A8]  }
0x195: {  	[tilespmem:$0x1FC00] =	vst v46;
	v46 =	vld [tilespmem:s19+$0x7978]  }
0x196: {  	v22 =	vld [tilespmem:s19+$0x77B8]  }
0x197: {  	v26 =	vld [tilespmem:s19+$0x77C8]  }
0x198: {  	v34 =	vld [tilespmem:s19+$0x77D8]  }
0x199: {  	v40 =	vld [tilespmem:s19+$0x77E8]  }
0x19a: {  	[tilespmem:$0x1FC10] =	vst v46;
	v46 =	vld [tilespmem:s19+$0x7988]  }
0x19b: {  	v27 =	vld [tilespmem:s19+$0x77F8]  }
0x19c: {  	v31 =	vld [tilespmem:s19+$0x7808]  }
0x19d: {  	v39 =	vld [tilespmem:s19+$0x7818]  }
0x19e: {  	v47 =	vld [tilespmem:s19+$0x7828]  }
0x19f: {  	[tilespmem:$0x1FC20] =	vst v46;
	v46 =	vld [tilespmem:s19+$0x7998]  }
0x1a0: {  	v33 =	vld [tilespmem:s19+$0x7838]  }
0x1a1: {  	v36 =	vld [tilespmem:s19+$0x7848]  }
0x1a2: {  	v37 =	vld [tilespmem:s19+$0x7858]  }
0x1a3: {  	v42 =	vld [tilespmem:s19+$0x7868]  }
0x1a4: {  	[tilespmem:$0x1FC30] =	vst v46;
	v46 =	vld [tilespmem:s19+$0x79A8]  }
0x1a5: {  	[tilespmem:$0x1FB40] =	vst v43;
	v43 =	vld [tilespmem:s19+$0x7888]  }
0x1a6: {  	[tilespmem:$0x1FB50] =	vst v45;
	v45 =	vld [tilespmem:s19+$0x7898]  }
0x1a7: {  	[tilespmem:$0x1FD80] =	vst v41;
	v41 =	vld [tilespmem:s19+$0x78C8]  }
0x1a8: {  	[tilespmem:$0x1FB30] =	vst v42;
	v42 =	vld [tilespmem:s19+$0x7878]  }
0x1a9: {  	[tilespmem:$0x1FC40] =	vst v46;
	v46 =	vld [tilespmem:s19+$0x79B8]  }
0x1aa: {  	[tilespmem:$0x1FB20] =	vst v37;
	v37 =	vld [tilespmem:s19+$0x78B8]  }
0x1ab: {  	v2 =	vadd.f32 v9, v2;
	v9 =	vld [tilespmem:s19+$0x7AD8]  }
0x1ac: {  	v3 =	vadd.f32 v10, v3;
	v10 =	vld [tilespmem:s19+$0x7AE8]  }
0x1ad: {  	v24 =	vadd.f32 v24, v16;
	v16 =	vld [tilespmem:s19+$0x7B08]  }
0x1ae: {  	[tilespmem:$0x1FC50] =	vst v46;
	v46 =	vld [tilespmem:s19+$0x79C8]  }
0x1af: {  	v29 =	vadd.f32 v29, v21;
	v21 =	vld [tilespmem:s19+$0x7B18]  }
0x1b0: {  	v2 =	vadd.f32 v13, v2;
	v13 =	vld [tilespmem:s19+$0x7AF8]  }
0x1b1: {  	v3 =	vadd.f32 v32, v3;
	v32 =	vld [tilespmem:s19+$0x7B48]  }
0x1b2: {  	[tilespmem:$0x1FB70] =	vst v43;
	v43 =	vld [tilespmem:s19+$0x78E8]  }
0x1b3: {  	[tilespmem:$0x1FC60] =	vst v46;
	v46 =	vld [tilespmem:s19+$0x79D8]  }
0x1b4: {  	[tilespmem:$0x1FB80] =	vst v45;
	v45 =	vld [tilespmem:s19+$0x78F8]  }
0x1b5: {  	v2 =	vadd.f32 v48, v2;
	v48 =	vadd.f32 v38, v24;
	v24 =	vld [tilespmem:s19+$0x7B28]  }
0x1b6: {  	v3 =	vadd.f32 v49, v3;
	v49 =	vadd.f32 v44, v29;
	v29 =	vld [tilespmem:s19+$0x7B38]  }
0x1b7: {  	v38 =	vld [tilespmem:s19+$0x7B58]  }
0x1b8: {  	[tilespmem:$0x1FC70] =	vst v46;
	v46 =	vld [tilespmem:s19+$0x79E8]  }
0x1b9: {  	v44 =	vld [tilespmem:s19+$0x7B68]  }
0x1ba: {  	[tilespmem:$0x1FB60] =	vst v42;
	v42 =	vld [tilespmem:s19+$0x78D8]  }
0x1bb: {  	v2 =	vadd.f32 v52, v2;
	v52 =	vadd.f32 v50, v48;
	v50 =	vld [tilespmem:s19+$0x7B78]  }
0x1bc: {  	v3 =	vadd.f32 v53, v3;
	v53 =	vadd.f32 v51, v49;
	v51 =	vld [tilespmem:s19+$0x7B88]  }
0x1bd: {  	[tilespmem:$0x1FC80] =	vst v46;
	v46 =	vld [tilespmem:s19+$0x79F8]  }
0x1be: {  	v2 =	vadd.f32 v56, v2;
	v56 =	vadd.f32 v54, v52;
	v52 =	vld [tilespmem:s19+$0x7B98]  }
0x1bf: {  	v48 =	vadd.f32 v55, v53;
	v53 =	vld [tilespmem:$0x1FB80]  }
0x1c0: {  	v54 =	vld [tilespmem:$0x1FB90]  }
0x1c1: {  	v49 =	vadd.f32 v58, v56;
	v55 =	vld [tilespmem:$0x1FBA0]  }
0x1c2: {  	v3 =	vadd.f32 v57, v3;
	v48 =	vadd.f32 v59, v48;
	[tilespmem:$0x1FC90] =	vst v46;
	v46 =	vld [tilespmem:s19+$0x7A08]  }
0x1c3: {  	v2 =	vadd.f32 v60, v2;
	v62 =	vadd.f32 v62, v49;
	v49 =	vld [tilespmem:s19+$0x7BA8]  }
0x1c4: {  	v3 =	vadd.f32 v61, v3;
	v63 =	vadd.f32 v63, v48;
	v48 =	vld [tilespmem:s19+$0x7BB8]  }
0x1c5: {  	v0 =	vadd.f32 v0, v2;
	v2 =	vadd.f32 v7, v62;
	v7 =	vld [tilespmem:s19+$0x7BC8]  }
0x1c6: {  	v1 =	vadd.f32 v1, v3;
	v3 =	vadd.f32 v14, v63;
	v14 =	vld [tilespmem:s19+$0x7C18]  }
0x1c7: {  	v0 =	vadd.f32 v4, v0;
	[tilespmem:$0x1FCA0] =	vst v46;
	v46 =	vld [tilespmem:s19+$0x7A18]  }
0x1c8: {  	v1 =	vadd.f32 v5, v1;
	v56 =	vld [tilespmem:$0x1FBB0]  }
0x1c9: {  	v0 =	vadd.f32 v6, v0;
	v6 =	vld [tilespmem:s19+$0x7BD8]  }
0x1ca: {  	v1 =	vadd.f32 v8, v1;
	v8 =	vld [tilespmem:s19+$0x7BE8]  }
0x1cb: {  	v2 =	vadd.f32 v12, v2;
	v12 =	vld [tilespmem:s19+$0x7C08]  }
0x1cc: {  	[tilespmem:$0x1FCB0] =	vst v46;
	v46 =	vld [tilespmem:s19+$0x7A28]  }
0x1cd: {  	v3 =	vadd.f32 v19, v3;
	v19 =	vld [tilespmem:s19+$0x7C38]  }
0x1ce: {  	v0 =	vadd.f32 v11, v0;
	v11 =	vld [tilespmem:s19+$0x7BF8]  }
0x1cf: {  	v1 =	vadd.f32 v15, v1;
	v15 =	vld [tilespmem:s19+$0x7C28]  }
0x1d0: {  	v2 =	vadd.f32 v18, v2;
	v18 =	vld [tilespmem:s18+$0xFFFFFFA0]  }
0x1d1: {  	[tilespmem:$0x1FCC0] =	vst v46;
	v46 =	vld [tilespmem:s19+$0x7A38]  }
0x1d2: {  	v3 =	vadd.f32 v25, v3;
	v25 =	vld [tilespmem:s19+$0x7C68]  }
0x1d3: {  	v0 =	vadd.f32 v17, v0;
	v17 =	vld [tilespmem:s18+$0xFFFFFF90]  }
0x1d4: {  	v1 =	vadd.f32 v20, v1;
	v20 =	vld [tilespmem:s19+$0x7C48]  }
0x1d5: {  	v2 =	vadd.f32 v23, v2;
	v57 =	vld [tilespmem:$0x1FBC0]  }
0x1d6: {  	v3 =	vadd.f32 v30, v3;
	[tilespmem:$0x1FCD0] =	vst v46;
	v46 =	vld [tilespmem:s19+$0x7A48]  }
0x1d7: {  	v28 =	vadd.f32 v28, v2;
	v2 =	vld [tilespmem:s18+$0xFFFFFFB0]  }
0x1d8: {  	v30 =	vadd.f32 v35, v3;
	v3 =	vld [tilespmem:s18+$0xFFFFFFC0]  }
0x1d9: {  	v0 =	vadd.f32 v22, v0;
	v22 =	vld [tilespmem:s19+$0x7C58]  }
0x1da: {  	v35 =	vld [tilespmem:$0x1FB20]  }
0x1db: {  	[tilespmem:$0x1FCE0] =	vst v46;
	v46 =	vld [tilespmem:s19+$0x7A58]  }
0x1dc: {  	v1 =	vadd.f32 v26, v1;
	v5 =	vadd.f32 v40, v30;
	v40 =	vld [tilespmem:$0x1FB50]  }
0x1dd: {  	v0 =	vadd.f32 v27, v0;
	v27 =	vld [tilespmem:s19+$0x7C88]  }
0x1de: {  	v1 =	vadd.f32 v31, v1;
	v31 =	vld [tilespmem:s19+$0x7C98]  }
0x1df: {  	v4 =	vadd.f32 v34, v28;
	v34 =	vld [tilespmem:s19+$0x7CA8]  }
0x1e0: {  	[tilespmem:$0x1FCF0] =	vst v46;
	v46 =	vld [tilespmem:s19+$0x7A68]  }
0x1e1: {  	v30 =	vadd.f32 v42, v53;
	v42 =	vld [tilespmem:s19+$0x7D18]  }
0x1e2: {  	v58 =	vld [tilespmem:$0x1FBD0]  }
0x1e3: {  	v1 =	vadd.f32 v36, v1;
	v36 =	vld [tilespmem:$0x1FB30]  }
0x1e4: {  	v4 =	vadd.f32 v39, v4;
	v39 =	vld [tilespmem:$0x1FB40]  }
0x1e5: {  	[tilespmem:$0x1FD00] =	vst v46;
	v46 =	vld [tilespmem:s19+$0x7A78]  }
0x1e6: {  	v5 =	vadd.f32 v47, v5;
	v47 =	vld [tilespmem:$0x1FB70]  }
0x1e7: {  	v0 =	vadd.f32 v33, v0;
	v33 =	vadd.f32 v43, v54;
	v43 =	vld [tilespmem:s19+$0x7D28]  }
0x1e8: {  	v23 =	vadd.f32 v35, v4;
	v35 =	vld [tilespmem:s19+$0x7CB8]  }
0x1e9: {  	v1 =	vmul.f32 $5.333333610e-01, v1;
	v59 =	vld [tilespmem:$0x1FBE0]  }
0x1ea: {  	v0 =	vmul.f32 $5.333333610e-01, v0;
	[tilespmem:$0x1FD10] =	vst v46;
	v46 =	vld [tilespmem:s19+$0x7A88]  }
0x1eb: {  	v4 =	vadd.f32 v40, v1;
	v40 =	vld [tilespmem:s19+$0x7CF8]  }
0x1ec: {  	v26 =	vadd.f32 v36, v5;
	v5 =	vadd.f32 v39, v0;
	v0 =	vld [tilespmem:s19+$0x7C78]  }
0x1ed: {  	v36 =	vld [tilespmem:s19+$0x7CC8]  }
0x1ee: {  	v39 =	vld [tilespmem:s19+$0x7CE8]  }
0x1ef: {  	[tilespmem:$0x1FD20] =	vst v46;
	v46 =	vld [tilespmem:s19+$0x7A98]  }
0x1f0: {  	v28 =	vadd.f32 v41, v47;
	v41 =	vld [tilespmem:s19+$0x7D08]  }
0x1f1: {  	v60 =	vld [tilespmem:$0x1FBF0];
	v0 =	vadd.f32 v0, v19  }
0x1f2: {  	v61 =	vld [tilespmem:$0x1FC00]  }
0x1f3: {  	v0 =	vadd.f32 v35, v0;
	v63 =	vld [tilespmem:$0x1FC20]  }
0x1f4: {  	[tilespmem:$0x1FD30] =	vst v46;
	v46 =	vld [tilespmem:s19+$0x7AA8]  }
0x1f5: {  	v28 =	vadd.f32 v55, v28;
	v0 =	vadd.f32 v40, v0;
	v40 =	vld [tilespmem:s19+$0x7F38]  }
0x1f6: {  	v53 =	vld [tilespmem:$0x1FC60]  }
0x1f7: {  	v28 =	vadd.f32 v59, v28;
	v62 =	vld [tilespmem:$0x1FC10]  }
0x1f8: {  	v47 =	vld [tilespmem:$0x1FC50]  }
0x1f9: {  	v28 =	vadd.f32 v63, v28;
	[tilespmem:$0x1FD40] =	vst v46;
	v46 =	vld [tilespmem:s19+$0x7AB8]  }
0x1fa: {  	v54 =	vld [tilespmem:$0x1FC70]  }
0x1fb: {  	v28 =	vadd.f32 v53, v28;
	v53 =	vld [tilespmem:s19+$0x7D68]  }
0x1fc: {  	v55 =	vld [tilespmem:$0x1FC80]  }
0x1fd: {  	v33 =	vadd.f32 v57, v33;
	v57 =	vld [tilespmem:$0x1FCA0]  }
0x1fe: {  	[tilespmem:$0x1FD50] =	vst v46;
	v46 =	vld [tilespmem:s19+$0x7AC8]  }
0x1ff: {  	v30 =	vadd.f32 v56, v30;
	v56 =	vld [tilespmem:$0x1FC90]  }
0x200: {  	v33 =	vadd.f32 v61, v33;
	v61 =	vld [tilespmem:$0x1FCE0]  }
0x201: {  	v59 =	vld [tilespmem:$0x1FCC0]  }
0x202: {  	v28 =	vadd.f32 v57, v28;
	v57 =	vld [tilespmem:$0x1FD20]  }
0x203: {  	[tilespmem:$0x1FD60] =	vst v46;
	v46 =	vld [tilespmem:$0x1FB60]  }
0x204: {  	v30 =	vadd.f32 v60, v30;
	v60 =	vld [tilespmem:$0x1FCD0]  }
0x205: {  	v28 =	vadd.f32 v61, v28;
	v61 =	vld [tilespmem:$0x1FD60]  }
0x206: {  	v63 =	vld [tilespmem:$0x1FD00]  }
0x207: {  	v28 =	vadd.f32 v57, v28;
	v57 =	vld [tilespmem:s19+$0x7E98]  }
0x208: {  	v1 =	vadd.f32 v37, v46;
	v37 =	vld [tilespmem:s19+$0x7CD8]  }
0x209: {  	v46 =	vld [tilespmem:$0x1FC40]  }
0x20a: {  	v28 =	vadd.f32 v61, v28;
	v61 =	vld [tilespmem:s19+$0x7ED8]  }
0x20b: {  	v1 =	vadd.f32 v45, v1;
	v45 =	vld [tilespmem:$0x1FC30]  }
0x20c: {  	v16 =	vadd.f32 v16, v28;
	v28 =	vld [tilespmem:s19+$0x7DD8]  }
0x20d: {  	v1 =	vadd.f32 v58, v1;
	v58 =	vld [tilespmem:$0x1FCB0]  }
0x20e: {  	v33 =	vadd.f32 v46, v33;
	v46 =	vld [tilespmem:s19+$0x7D48]  }
0x20f: {  	v16 =	vadd.f32 v32, v16;
	v32 =	vld [tilespmem:s19+$0x7DF8];
	v1 =	vadd.f32 v62, v1  }
0x210: {  	v62 =	vld [tilespmem:$0x1FCF0]  }
0x211: {  	v30 =	vadd.f32 v45, v30;
	v45 =	vld [tilespmem:s19+$0x7D38];
	v1 =	vadd.f32 v47, v1  }
0x212: {  	v33 =	vadd.f32 v55, v33;
	v55 =	vld [tilespmem:s19+$0x7D88]  }
0x213: {  	v1 =	vadd.f32 v56, v1;
	v56 =	vld [tilespmem:$0x1FD10]  }
0x214: {  	v16 =	vadd.f32 v51, v16;
	v47 =	vld [tilespmem:s19+$0x7D58]  }
0x215: {  	v51 =	vadd.f32 v31, v22;
	v1 =	vadd.f32 v60, v1;
	v60 =	vld [tilespmem:$0x1FD50]  }
0x216: {  	v30 =	vadd.f32 v54, v30;
	v33 =	vadd.f32 v59, v33;
	v54 =	vld [tilespmem:s19+$0x7D78]  }
0x217: {  	v59 =	vld [tilespmem:$0x1FD40];
	v7 =	vadd.f32 v7, v16;
	v19 =	vadd.f32 v37, v51  }
0x218: {  	v37 =	vld [tilespmem:s19+$0x7F08];
	v30 =	vadd.f32 v58, v30;
	v1 =	vadd.f32 v56, v1  }
0x219: {  	v51 =	vld [tilespmem:s19+$0x7FD8];
	v33 =	vadd.f32 v63, v33;
	v7 =	vadd.f32 v12, v7  }
0x21a: {  	v58 =	vld [tilespmem:$0x1FD30];
	v19 =	vadd.f32 v42, v19;
	v1 =	vadd.f32 v60, v1  }
0x21b: {  	v63 =	vmul.f32 $5.333333610e-01, v26;
	v26 =	vld [tilespmem:$0x1FD70];
	v0 =	vadd.f32 v45, v0;
	v30 =	vadd.f32 v62, v30  }
0x21c: {  	v45 =	vld [tilespmem:s19+$0x7F78];
	v7 =	vmul.f32 $5.333333610e-01, v7;
	v19 =	vadd.f32 v47, v19;
	v1 =	vadd.f32 v13, v1  }
0x21d: {  	v62 =	vmul.f32 $5.333333610e-01, v23;
	v23 =	vld [tilespmem:s19+$0x7E48];
	v33 =	vadd.f32 v59, v33;
	v0 =	vadd.f32 v54, v0  }
0x21e: {  	v47 =	vld [tilespmem:s19+$0x7F98];
	v7 =	vadd.f32 v18, v7;
	v1 =	vadd.f32 v29, v1  }
0x21f: {  	v59 =	vld [tilespmem:s19+$0x7EB8];
	v56 =	vadd.f32 v34, v25;
	v30 =	vadd.f32 v58, v30  }
0x220: {  	v10 =	vadd.f32 v10, v33;
	v33 =	vld [tilespmem:s19+$0x7E08];
	v1 =	vadd.f32 v50, v1  }
0x221: {  	v58 =	vld [tilespmem:s19+$0x7EA8];
	v22 =	vadd.f32 v39, v56;
	v9 =	vadd.f32 v9, v30  }
0x222: {  	v30 =	vld [tilespmem:s19+$0x7D98];
	v10 =	vadd.f32 v24, v10;
	v1 =	vadd.f32 v48, v1  }
0x223: {  	v12 =	vadd.f32 v26, v62;
	v62 =	vld [tilespmem:s19+$0x7EE8];
	v22 =	vadd.f32 v43, v22  }
0x224: {  	v24 =	vld [tilespmem:s19+$0x7DC8];
	v10 =	vadd.f32 v44, v10;
	v1 =	vadd.f32 v11, v1  }
0x225: {  	v13 =	vld [tilespmem:s19+$0x7DA8];
	v9 =	vadd.f32 v21, v9;
	v22 =	vadd.f32 v53, v22  }
0x226: {  	v21 =	vld [tilespmem:s19+$0x7DB8];
	v10 =	vadd.f32 v49, v10;
	v49 =	vadd.f32 v27, v20;
	v1 =	vmul.f32 $5.333333610e-01, v1  }
0x227: {  	v44 =	vld [tilespmem:s19+$0x7E58];
	v9 =	vadd.f32 v38, v9;
	v19 =	vadd.f32 v30, v19  }
0x228: {  	v29 =	vld [tilespmem:s19+$0x7DE8];
	v1 =	vadd.f32 v17, v1;
	v17 =	vadd.f32 v36, v49  }
0x229: {  	v38 =	vld [tilespmem:$0x1FD80];
	v9 =	vadd.f32 v52, v9;
	v8 =	vadd.f32 v8, v10  }
0x22a: {  	v10 =	vld [tilespmem:s19+$0x7E38];
	v13 =	vadd.f32 v13, v22;
	v17 =	vadd.f32 v41, v17  }
0x22b: {  	v0 =	vadd.f32 v21, v0;
	v6 =	vadd.f32 v6, v9;
	v9 =	vld [tilespmem:s19+$0x7E18]  }
0x22c: {  	v19 =	vadd.f32 v28, v19;
	v11 =	vld [tilespmem:s19+$0x7E28];
	v17 =	vadd.f32 v46, v17  }
0x22d: {  	v50 =	vld [tilespmem:s19+$0x7E78];
	v8 =	vadd.f32 v15, v8;
	v13 =	vadd.f32 v29, v13  }
0x22e: {  	v48 =	vld [tilespmem:s19+$0x7E68];
	v16 =	vadd.f32 v38, v63;
	v17 =	vadd.f32 v55, v17  }
0x22f: {  	v60 =	vld [tilespmem:s19+$0x7EC8];
	v0 =	vadd.f32 v32, v0;
	v6 =	vadd.f32 v14, v6  }
0x230: {  	v39 =	vld [tilespmem:s19+$0x7F28];
	v9 =	vadd.f32 v9, v19;
	v17 =	vadd.f32 v24, v17  }
0x231: {  	v52 =	vld [tilespmem:s19+$0x7E88];
	v0 =	vadd.f32 v10, v0;
	v11 =	vadd.f32 v11, v13  }
0x232: {  	v63 =	vld [tilespmem:s19+$0x7EF8];
	v9 =	vadd.f32 v44, v9;
	v17 =	vadd.f32 v33, v17  }
0x233: {  	v38 =	vld [tilespmem:s19+$0x7F18];
	v0 =	vadd.f32 v50, v0;
	v11 =	vadd.f32 v48, v11  }
0x234: {  	v43 =	vld [tilespmem:s19+$0x7F58];
	v9 =	vadd.f32 v57, v9;
	v42 =	vadd.f32 v23, v17  }
0x235: {  	v49 =	vld [tilespmem:s19+$0x7FB8];
	v0 =	vadd.f32 v59, v0;
	v11 =	vadd.f32 v58, v11  }
0x236: {  	v44 =	vld [tilespmem:s19+$0x7F68];
	v9 =	vadd.f32 v61, v9;
	v13 =	vadd.f32 v52, v42  }
0x237: {  	v41 =	vld [tilespmem:s19+$0x7F48];
	v0 =	vadd.f32 v63, v0;
	v11 =	vadd.f32 v62, v11  }
0x238: {  	v48 =	vld [tilespmem:s19+$0x7FA8];
	v9 =	vadd.f32 v38, v9;
	v13 =	vadd.f32 v60, v13  }
0x239: {  	v46 =	vld [tilespmem:s19+$0x7F88];
	v0 =	vadd.f32 v40, v0;
	v11 =	vadd.f32 v39, v11  }
0x23a: {  	v9 =	vadd.f32 v43, v9;
	v52 =	vld [tilespmem:s19+$0x7FE8];
	v13 =	vadd.f32 v37, v13  }
0x23b: {  	v50 =	vld [tilespmem:s19+$0x7FC8];
	v0 =	vadd.f32 v45, v0;
	v11 =	vadd.f32 v44, v11  }
0x23c: {  	v53 =	vld [tilespmem:s18+$0xFFFFFFD0];
	v9 =	vadd.f32 v47, v9;
	v10 =	vadd.f32 v41, v13  }
0x23d: {  	v55 =	vld [tilespmem:s18+$0xFFFFFFF0];
	v0 =	vadd.f32 v49, v0;
	v11 =	vadd.f32 v48, v11  }
0x23e: {  	v56 =	vld [tilespmem:s18+$0x0];
	v8 =	vmul.f32 $5.333333610e-01, v8;
	v9 =	vadd.f32 v51, v9;
	v10 =	vadd.f32 v46, v10  }
0x23f: {  	v54 =	vld [tilespmem:s18+$0xFFFFFFE0];
	v6 =	vmul.f32 $5.333333610e-01, v6;
	v0 =	vmul.f32 $5.333333610e-01, v0;
	v57 =	vadd.f32 v52, v11  }
0x240: {  	v3 =	vadd.f32 v3, v8;
	v58 =	vmul.f32 $5.333333610e-01, v9;
	v10 =	vadd.f32 v50, v10  }
0x241: {  	v2 =	vadd.f32 v2, v6;
	v0 =	vadd.f32 v53, v0;
	v6 =	vmul.f32 $5.333333610e-01, v57  }
0x242: {  	p0 =	sne.s32 s30, $0x24900;
	v1 =	vmax.f32 v5, v1;
	v60 =	vadd.f32 v55, v58;
	v10 =	vmul.f32 $5.333333610e-01, v10  }
.Ltmp1:
0x243: {  	v61 =	vmax.f32 v12, v2;
	v0 =	vmax.f32 v1, v0;
	v62 =	vadd.f32 v56, v6;
	(pc) =	sbr.rel @p0 .LBB2_4-.Ltmp1, $4  }
0x244: {  	v63 =	vmax.f32 v16, v3;
	[tilespmem:s0+$0xFFFFFFD0] =	vst v0;
	v1 =	vmax.f32 v61, v60;
	v59 =	vadd.f32 v54, v10  }
0x245: {  	v4 =	vmax.f32 v4, v7;
	[tilespmem:s0+$0xFFFFFFF0] =	vst v1;
	v0 =	vmax.f32 v63, v62  }
0x246: {  	[tilespmem:s0+$0x0] =	vst v0;
	v4 =	vmax.f32 v4, v59  }
0x247: {  	s30 =	sadd.s32 $0x2D00, s30;
	s18 =	sadd.s32 $0xC0, s18;
	[tilespmem:s0+$0xFFFFFFE0] =	vst v4;
	s0 =	sadd.s32 $0x40, s0  }
0x248: {  	s28 =	sadd.s32 $0x1, s28  }
0x249: {  	p0 =	sne.s32 s28, s15  }
.Ltmp2:
0x24a: {  	_ = 	snop;
	(pc) =	sbr.rel @p0 .LBB2_1-.Ltmp2, $4  }
0x24b: {  	[hbm4b:s14+s2] =	stream.linear.scatter [tilespmem:s25], [sflag:$0x3], $0x600, $0x38;
	[tilespmem:$0x12A38] =	vst v63  }
0x24c: {  	_ =	swait.ge [sflag:s16], $0x600  }
0x24d: {  	[sflag:s16] =	ssyncset.done $0x0  }
0x24e: {  	[sflag:s16] =	ssyncadd.s32 $0xFFFFFA00  }
0x24f: {  	_ =	sfence.sel $0x180000  }
0x250: {  	[bflag:$0x0] =	sbarrier.arrive $0xFFFF  }
0x251: {  	_ =	strace $0x90000047  }
0x252: {  	s0 =	stileid.u32;
	[bflag:$0x2] =	sbarrier.arrive $0xFFFF  }
0x253: {  	p0 =	sne.s32 s0, $0x0;
	s0 =	rddreg [dreg:$0x3]  }
0x254: {  	s0 =	sadd.s32 @!p0 $0x100000, s0  }
0x255: {  	[sflag:s0] =	ssyncadd.tile.s32 @!p0 $0x1;
	_ =	shalt  }
.Lfunc_end2:
_tile_overlayer_lowered:
.L_overlay_start_2:
0x256: {  	(tag) =	ssettag $0x2  }
0x257: {  	s0 =	rddreg [dreg:$0x0];
	s2 =	stileid.u32  }
0x258: {  	s1 =	rddreg [dreg:$0x1];
	p0 =	sne.s32 s2, $0x0  }
0x259: {  	s3 =	rddreg [dreg:$0x2];
	[bflag:$0x3] =	sbarrier.arrive $0xFFFF;
	s2 =	simm.s32 @!p0 $0x1C03  }
0x25a: {  	[timem:s3], [sflag:s2] =	dma.local @!p0 [hbm:s0], s1  }
0x25b: {  	s0 =	simm.s32 @!p0 $0x3  }
0x25c: {  	_ =	swait.ge @!p0 [sflag:s0], s1  }
0x25d: {  	s1 =	ssub.s32 @!p0 $0x0, s1;
	[sflag:s0] =	ssyncset.done @!p0 $0x0  }
0x25e: {  	[sflag:s0] =	ssyncadd.s32 @!p0 s1  }
0x25f: {  	[bflag:$0x3] =	sbarrier.arrive $0xFFFF  }
0x260: {  	_ =	shalt  }

</sc_bundles>
